<compile_context>
chip_gen: v7x
topology: tpu7x:2x2x1
jax: 0.10.2.dev20260603
libtpu: 0.0.44.dev20260713+nightly
codegen_flags: <defaults>
</compile_context>

<pallas_src>
import functools

import jax
import jax.numpy as jnp
from jax import lax
from jax.experimental import pallas as pl
from jax.experimental.pallas import tpu as pltpu
from jax.experimental.pallas import tpu_sc as plsc

N = 10000
E = 320000
DI = 128
DH = 128
DO = 64
G = 64

NC = 2
NS = 16
NW = NC * NS

NPAD = 10240
K = 128
NCHUNK = 80
NBUF = 2
EPW = NCHUNK * K
EPAD = NW * EPW
ROWS_PER_TILE = NPAD // NS
PAD_ROW = NPAD - 1

_mesh = plsc.VectorSubcoreMesh(core_axis_name="c", subcore_axis_name="s")


@functools.partial(
    pl.kernel,
    out_type=jax.ShapeDtypeStruct((NC, NPAD), jnp.float32),
    mesh=_mesh,
    scratch_types=[
        pltpu.VMEM((NCHUNK, K), jnp.int32),
        pltpu.VMEM((K,), jnp.float32),
        pltpu.VMEM((ROWS_PER_TILE,), jnp.float32),
        pltpu.VMEM_SHARED((NPAD,), jnp.float32),
    ],
)
def _p1_deg(dst_hbm, out_hbm, dst_v, ones_v, vbuf, acc_sh):
    c = lax.axis_index("c")
    s = lax.axis_index("s")
    w = s * NC + c

    z16 = jnp.zeros((16,), jnp.float32)
    ones16 = jnp.ones((16,), jnp.float32)

    def fill(i, _):
        off = pl.ds(pl.multiple_of(i * 16, 16), 16)
        vbuf[off] = z16
        return 0

    lax.fori_loop(0, ROWS_PER_TILE // 16, fill, 0)

    def fill1(i, _):
        ones_v[pl.ds(pl.multiple_of(i * 16, 16), 16)] = ones16
        return 0

    lax.fori_loop(0, K // 16, fill1, 0)

    pltpu.sync_copy(vbuf, acc_sh.at[pl.ds(s * ROWS_PER_TILE, ROWS_PER_TILE)])
    plsc.subcore_barrier()

    pltpu.sync_copy(dst_hbm.at[w], dst_v)

    def add_chunk(j, _):
        pltpu.sync_copy(ones_v, acc_sh.at[dst_v.at[j]], add=True)
        return 0

    lax.fori_loop(0, NCHUNK, add_chunk, 0)
    plsc.subcore_barrier()

    pltpu.sync_copy(acc_sh.at[pl.ds(s * ROWS_PER_TILE, ROWS_PER_TILE)], vbuf)
    pltpu.sync_copy(vbuf, out_hbm.at[c, pl.ds(s * ROWS_PER_TILE, ROWS_PER_TILE)])


_P2_R = 1024


def _p2_body(x_ref, w1_ref, deg_ref, y_ref, dinv_ref):
    deg = deg_ref[0] + deg_ref[1] + 1.0
    dinv = lax.rsqrt(deg)
    dinv_ref[...] = dinv
    xw = jnp.dot(x_ref[...], w1_ref[...], preferred_element_type=jnp.float32)
    y_ref[...] = dinv * xw


def _p2_scale_matmul(xp, W1, degp):
    return pl.pallas_call(
        _p2_body,
        grid=(NPAD // _P2_R,),
        in_specs=[
            pl.BlockSpec((_P2_R, DI), lambda i: (i, 0)),
            pl.BlockSpec((DI, DH), lambda i: (0, 0)),
            pl.BlockSpec((NC, _P2_R, 1), lambda i: (0, i, 0)),
        ],
        out_specs=[
            pl.BlockSpec((_P2_R, DH), lambda i: (i, 0)),
            pl.BlockSpec((_P2_R, 1), lambda i: (i, 0)),
        ],
        out_shape=[
            jax.ShapeDtypeStruct((NPAD, DH), jnp.float32),
            jax.ShapeDtypeStruct((NPAD, 1), jnp.float32),
        ],
    )(xp, W1, degp)


@functools.partial(
    pl.kernel,
    out_type=jax.ShapeDtypeStruct((NC, NPAD, DH), jnp.float32),
    mesh=_mesh,
    scratch_types=[
        pltpu.VMEM((NCHUNK // 5, K), jnp.int32),
        pltpu.VMEM((NCHUNK // 5, K), jnp.int32),
        [pltpu.VMEM((K, DH), jnp.float32) for _ in range(NBUF)],
        [pltpu.SemaphoreType.DMA for _ in range(NBUF)],
        pltpu.VMEM_SHARED((NPAD, DH), jnp.float32),
    ],
)
def _p3_aggregate(y_hbm, src_hbm, dst_hbm, out_hbm, src_v, dst_v, bufs, sems,
                  acc_sh):
    c = lax.axis_index("c")
    s = lax.axis_index("s")
    w = s * NC + c
    HCHUNK = NCHUNK // 5

    z16 = jnp.zeros((16,), jnp.float32)

    def zero_buf(i, _):
        bufs[0][i // 8, pl.ds(pl.multiple_of((i % 8) * 16, 16), 16)] = z16
        return 0

    lax.fori_loop(0, K * DH // 16, zero_buf, 0)

    row0 = s * ROWS_PER_TILE

    def zero_acc(t, _):
        pltpu.sync_copy(bufs[0], acc_sh.at[pl.ds(row0 + t * K, K)])
        return 0

    lax.fori_loop(0, ROWS_PER_TILE // K, zero_acc, 0)
    plsc.subcore_barrier()

    for h in range(5):
        pltpu.sync_copy(src_hbm.at[w, pl.ds(h * HCHUNK, HCHUNK)], src_v)
        pltpu.sync_copy(dst_hbm.at[w, pl.ds(h * HCHUNK, HCHUNK)], dst_v)
        for b in range(NBUF):
            pltpu.async_copy(y_hbm.at[src_v.at[b]], bufs[b], sems[b])

        def ring(g, _):
            for b in range(NBUF):
                j = g * NBUF + b
                pltpu.make_async_copy(y_hbm.at[src_v.at[j]], bufs[b], sems[b]).wait()
                pltpu.sync_copy(bufs[b], acc_sh.at[dst_v.at[j]], add=True)

                @pl.when(j + NBUF < HCHUNK)
                def _():
                    pltpu.async_copy(y_hbm.at[src_v.at[j + NBUF]], bufs[b], sems[b])
            return 0

        lax.fori_loop(0, HCHUNK // NBUF, ring, 0)
    plsc.subcore_barrier()

    def write_out(t, _):
        pltpu.sync_copy(acc_sh.at[pl.ds(row0 + t * K, K)], bufs[0])
        pltpu.sync_copy(bufs[0], out_hbm.at[c, pl.ds(row0 + t * K, K)])
        return 0

    lax.fori_loop(0, ROWS_PER_TILE // K, write_out, 0)


_P4_R = 1024


def _p4_body(acc_ref, y_ref, dinv_ref, batch_ref, b1_ref, wl_ref, bl_ref,
             out_ref, pooled_acc, counts_acc):
    i = pl.program_id(0)
    dinv = dinv_ref[...]
    h = dinv * (acc_ref[0] + acc_ref[1] + y_ref[...]) + b1_ref[...]
    r = jnp.maximum(h, 0.0)

    gids = lax.broadcasted_iota(jnp.int32, (_P4_R, G), 1)
    onehot = (batch_ref[...] == gids).astype(jnp.float32)

    pooled_part = lax.dot_general(
        onehot, r, (((0,), (0,)), ((), ())),
        preferred_element_type=jnp.float32)
    counts_part = lax.dot_general(
        onehot, jnp.ones((_P4_R, DH), jnp.float32), (((0,), (0,)), ((), ())),
        preferred_element_type=jnp.float32)

    @pl.when(i == 0)
    def _():
        pooled_acc[...] = pooled_part
        counts_acc[...] = counts_part

    @pl.when(i > 0)
    def _():
        pooled_acc[...] += pooled_part
        counts_acc[...] += counts_part

    @pl.when(i == NPAD // _P4_R - 1)
    def _():
        pooled = pooled_acc[...] / jnp.maximum(counts_acc[...], 1.0)
        out_ref[...] = lax.dot_general(
            pooled, wl_ref[...], (((1,), (1,)), ((), ())),
            preferred_element_type=jnp.float32) + bl_ref[...]


def _p4_pool_linear(acc, y, dinv, batchp, b1, Wl, bl):
    return pl.pallas_call(
        _p4_body,
        grid=(NPAD // _P4_R,),
        in_specs=[
            pl.BlockSpec((NC, _P4_R, DH), lambda i: (0, i, 0)),
            pl.BlockSpec((_P4_R, DH), lambda i: (i, 0)),
            pl.BlockSpec((_P4_R, 1), lambda i: (i, 0)),
            pl.BlockSpec((_P4_R, 1), lambda i: (i, 0)),
            pl.BlockSpec((1, DH), lambda i: (0, 0)),
            pl.BlockSpec((DO, DH), lambda i: (0, 0)),
            pl.BlockSpec((1, DO), lambda i: (0, 0)),
        ],
        out_specs=pl.BlockSpec((DO, DO), lambda i: (0, 0)),
        out_shape=jax.ShapeDtypeStruct((DO, DO), jnp.float32),
        scratch_shapes=[
            pltpu.VMEM((G, DH), jnp.float32),
            pltpu.VMEM((G, DH), jnp.float32),
        ],
    )(acc, y, dinv, batchp, b1, Wl, bl)


def kernel(x, edge_index, batch, W1, b1, Wl, bl):
    src = edge_index[0].astype(jnp.int32)
    dst = edge_index[1].astype(jnp.int32)
    pad = EPAD - E
    srcp = jnp.concatenate([src, jnp.zeros((pad,), jnp.int32)]).reshape(NW, NCHUNK, K)
    pad_dst = N + jax.lax.iota(jnp.int32, pad) % (NPAD - N)
    dstp = jnp.concatenate([dst, pad_dst]).reshape(NW, NCHUNK, K)
    xp = jnp.pad(x, ((0, NPAD - N), (0, 0)))
    batchp = jnp.pad(batch.astype(jnp.int32), (0, NPAD - N), constant_values=G).reshape(NPAD, 1)

    deg2 = _p1_deg(dstp)
    degp = deg2.reshape(NC, NPAD, 1)
    y, dinv = _p2_scale_matmul(xp, W1, degp)
    acc = _p3_aggregate(y, srcp, dstp)
    out = _p4_pool_linear(acc, y, dinv, batchp,
                          b1.reshape(1, DH), Wl, bl.reshape(1, DO))
    return out

# --- scband reference (transcript-rebuilt; emitter-appended) ---
"""Pipeline reference for scband-simple-gcn-32968168964259 (READ-ONLY COPY).

The authoritative reference and input builder live on the scoring server;
editing this copy changes nothing except your own understanding.
"""

import jax, jax.numpy as jnp
import numpy as np

N_NODES = 10000
N_EDGES = 320000
D_IN = 128
D_HID = 128
D_OUT = 64
N_GRAPHS = 64


def setup_inputs(seed: int = 0) -> dict:
    key = jax.random.key(seed)
    ks = jax.random.split(key, 8)
    x = jax.random.normal(ks[0], (N_NODES, D_IN), dtype=jnp.float32)
    edge_index = jax.random.randint(ks[1], (2, N_EDGES), 0, N_NODES)
    batch = jnp.sort(jax.random.randint(ks[2], (N_NODES,), 0, N_GRAPHS))
    # GCNConv params (torch_geometric GCNConv: lin weight [out, in], bias [out])
    W1 = jax.random.normal(ks[3], (D_IN, D_HID), dtype=jnp.float32) * 0.05
    b1 = jnp.zeros((D_HID,), dtype=jnp.float32)
    # nn.Linear params: weight [out, in], bias [out]
    Wl = jax.random.normal(ks[4], (D_OUT, D_HID), dtype=jnp.float32) * 0.05
    bl = jnp.zeros((D_OUT,), dtype=jnp.float32)
    return {"x": x, "edge_index": edge_index, "batch": batch, "W1": W1, "b1": b1, "Wl": Wl, "bl": bl}


def reference(x, edge_index, batch, W1, b1, Wl, bl):
    N = x.shape[0]
    # --- GCNConv: add self loops, symmetric normalization D^-1/2 A_hat D^-1/2 ---
    loop = jnp.arange(N, dtype=edge_index.dtype)
    src = jnp.concatenate([edge_index[0], loop])
    dst = jnp.concatenate([edge_index[1], loop])
    deg = jnp.zeros((N,), dtype=jnp.float32).at[dst].add(1.0)
    dinv = jnp.where(deg > 0, jax.lax.rsqrt(jnp.maximum(deg, 1e-12)), 0.0)
    norm = dinv[src] * dinv[dst]
    xw = x @ W1  # linear transform first (in->hidden)
    msg = xw[src] * norm[:, None]  # gather + scale
    h = jnp.zeros((N, D_HID), dtype=jnp.float32).at[dst].add(msg) + b1  # scatter-add
    # --- ReLU ---
    h = jax.nn.relu(h)
    # --- dropout: identity in eval mode ---
    # --- global_mean_pool over batch ids ---
    counts = jnp.zeros((N_GRAPHS,), dtype=jnp.float32).at[batch].add(1.0)
    summed = jax.ops.segment_sum(h, batch, num_segments=N_GRAPHS)
    pooled = summed / jnp.maximum(counts, 1.0)[:, None]
    # --- final linear ---
    out = pooled @ Wl.T + bl
    return out

if __name__ == "__main__":
    import jax
    _d = setup_inputs()
    print(jax.jit(kernel)(*tuple(_d.values())))

</pallas_src>

<mosaic_0001>
#map = affine_map<(d0, d1) -> (0, 0)>
#map1 = affine_map<(d0, d1) -> (0, 0, 0)>
module attributes {stable_mosaic.version = 14 : i64} {
  func.func @_p3_aggregate(%arg0: i32, %arg1: i32, %arg2: memref<10240x128xf32, #tpu.memory_space<hbm>>, %arg3: memref<32x80x128xi32, #tpu.memory_space<hbm>>, %arg4: memref<32x80x128xi32, #tpu.memory_space<hbm>>, %arg5: memref<2x10240x128xf32, #tpu.memory_space<hbm>>, %arg6: memref<16x128xi32, #tpu.memory_space<vmem>>, %arg7: memref<16x128xi32, #tpu.memory_space<vmem>>, %arg8: memref<128x128xf32, #tpu.memory_space<vmem>>, %arg9: memref<128x128xf32, #tpu.memory_space<vmem>>, %arg10: memref<!tpu.dma_semaphore, #tpu.memory_space<semaphore_mem>>, %arg11: memref<!tpu.dma_semaphore, #tpu.memory_space<semaphore_mem>>, %arg12: memref<10240x128xf32, #tpu.memory_space<vmem_shared>>) attributes {dimension_semantics = [#tpu.dimension_semantics<core_parallel>, #tpu.dimension_semantics<subcore_parallel>], iteration_bounds = array<i64: 2, 16>, scalar_prefetch = 0 : i64, scratch_operands = 7 : i64, tpu.core_type = #tpu.core_type<sc_vector_subcore>, window_params = [{transform_indices = #map}, {transform_indices = #map1}, {transform_indices = #map1}, {transform_indices = #map1}]} {
    %mul3A = arith.constant 2 : i32
    %mul3A_0 = arith.muli %arg1, %mul3A : i32
    %add3A = arith.addi %mul3A_0, %arg0 : i32
    %broadcast_in_dim3A = arith.constant 0.000000e+00 : f32
    %broadcast_in_dim3A_1 = vector.broadcast %broadcast_in_dim3A : f32 to vector<16xf32>
    %scan3A = arith.constant 0 : i32
    %scan3A_2 = arith.constant 0 : i32
    %scan3A_3 = arith.constant 1024 : i32
    %scan3A_4 = arith.addi %scan3A_2, %scan3A_3 : i32
    %scan3A_5 = arith.constant 1 : i32
    %scan3A_6 = scf.for %scan3A_129 = %scan3A_2 to %scan3A_4 step %scan3A_5 iter_args(%scan3A_130 = %scan3A) -> (i32)  : i32 {
      %jit3A = arith.constant 8 : i32
      %div3A = arith.divsi %scan3A_129, %jit3A : i32
      %sign3A = arith.constant 0 : i32
      %sign3A_131 = arith.cmpi sgt, %scan3A_129, %sign3A : i32
      %sign3A_132 = arith.extui %sign3A_131 : i1 to i32
      %sign3A_133 = arith.constant 0 : i32
      %sign3A_134 = arith.cmpi slt, %scan3A_129, %sign3A_133 : i32
      %sign3A_135 = arith.extui %sign3A_134 : i1 to i32
      %sign3A_136 = arith.subi %sign3A_132, %sign3A_135 : i32
      %sign3A_137 = arith.constant 0 : i32
      %sign3A_138 = arith.cmpi sgt, %jit3A, %sign3A_137 : i32
      %sign3A_139 = arith.extui %sign3A_138 : i1 to i32
      %sign3A_140 = arith.constant 0 : i32
      %sign3A_141 = arith.cmpi slt, %jit3A, %sign3A_140 : i32
      %sign3A_142 = arith.extui %sign3A_141 : i1 to i32
      %sign3A_143 = arith.subi %sign3A_139, %sign3A_142 : i32
      %ne3A = arith.cmpi ne, %sign3A_136, %sign3A_143 : i32
      %rem3A = arith.remsi %scan3A_129, %jit3A : i32
      %ne3A_144 = arith.constant 0 : i32
      %ne3A_145 = arith.cmpi ne, %rem3A, %ne3A_144 : i32
      %and3A = arith.andi %ne3A, %ne3A_145 : i1
      %sub3A = arith.constant 1 : i32
      %sub3A_146 = arith.subi %div3A, %sub3A : i32
      %select_n3A = arith.select %and3A, %sub3A_146, %div3A : i32
      %jit3A_147 = arith.constant 8 : i32
      %eq3A = arith.constant 0 : i32
      %eq3A_148 = arith.cmpi eq, %jit3A_147, %eq3A : i32
      %jit3A_149 = arith.constant 1 : i32
      %select_n3A_150 = arith.select %eq3A_148, %jit3A_149, %jit3A_147 : i32
      %rem3A_151 = arith.remsi %scan3A_129, %select_n3A_150 : i32
      %ne3A_152 = arith.constant 0 : i32
      %ne3A_153 = arith.cmpi ne, %rem3A_151, %ne3A_152 : i32
      %lt3A = arith.constant 0 : i32
      %lt3A_154 = arith.cmpi slt, %rem3A_151, %lt3A : i32
      %lt3A_155 = arith.constant 0 : i32
      %lt3A_156 = arith.cmpi slt, %select_n3A_150, %lt3A_155 : i32
      %ne3A_157 = arith.xori %lt3A_154, %lt3A_156 : i1
      %and3A_158 = arith.andi %ne3A_157, %ne3A_153 : i1
      %add3A_159 = arith.addi %rem3A_151, %select_n3A_150 : i32
      %select_n3A_160 = arith.select %and3A_158, %add3A_159, %rem3A_151 : i32
      %mul3A_161 = arith.constant 16 : i32
      %mul3A_162 = arith.muli %select_n3A_160, %mul3A_161 : i32
      %multiple_of3A = tpu.assume_multiple %mul3A_162, 16 : i32
      %swap3A = arith.index_cast %select_n3A : i32 to index
      %swap3A_163 = arith.index_cast %multiple_of3A : i32 to index
      %swap3A_164 = tpu.vector_load %arg8[%swap3A, %swap3A_163] {strides = array<i32>} : memref<128x128xf32, #tpu.memory_space<vmem>>, vector<1x16xf32>,
      %swap3A_165 = vector.shape_cast %swap3A_164 : vector<1x16xf32> to vector<16xf32>
      %swap3A_166 = vector.shape_cast %broadcast_in_dim3A_1 : vector<16xf32> to vector<1x16xf32>
      tpu.vector_store %arg8[%swap3A, %swap3A_163], %swap3A_166 {strides = array<i32>} : memref<128x128xf32, #tpu.memory_space<vmem>>, vector<1x16xf32>,
      %scan3A_167 = arith.constant 0 : i32
      scf.yield %scan3A_167 : i32
    }
    %scan3A_7 = arith.constant 1024 : i32
    %mul3A_8 = arith.constant 640 : i32
    %mul3A_9 = arith.muli %arg1, %mul3A_8 : i32
    %scan3A_10 = arith.constant 0 : i32
    %scan3A_11 = arith.constant 0 : i32
    %scan3A_12 = arith.constant 5 : i32
    %scan3A_13 = arith.addi %scan3A_11, %scan3A_12 : i32
    %scan3A_14 = arith.constant 1 : i32
    %scan3A_15 = scf.for %scan3A_129 = %scan3A_11 to %scan3A_13 step %scan3A_14 iter_args(%scan3A_130 = %scan3A_10) -> (i32)  : i32 {
      %mul3A_131 = arith.constant 128 : i32
      %mul3A_132 = arith.muli %scan3A_129, %mul3A_131 : i32
      %add3A_133 = arith.addi %mul3A_9, %mul3A_132 : i32
      "tpu.region"() ({
        %run_scoped3A = tpu.sem_alloc : memref<!tpu.dma_semaphore, #tpu.memory_space<semaphore_mem>>
        %dma_start3A_135 = arith.constant 0 : i32
        %dma_start3A_136 = tpu.memref_slice %arg12[%add3A_133, %dma_start3A_135] : memref<10240x128xf32, #tpu.memory_space<vmem_shared>> -> memref<128x128xf32, #tpu.memory_space<vmem_shared>>
        %dma_start3A_137 = arith.constant 0 : i32
        %dma_start3A_138 = tpu.memref_slice %arg12[%add3A_133, %dma_start3A_137] : memref<10240x128xf32, #tpu.memory_space<vmem_shared>> -> memref<128x128xf32, #tpu.memory_space<vmem_shared>>
        tpu.enqueue_dma source(%arg8 : memref<128x128xf32, #tpu.memory_space<vmem>>) target(%dma_start3A_138 : memref<128x128xf32, #tpu.memory_space<vmem_shared>>) target_semaphore(%run_scoped3A : memref<!tpu.dma_semaphore, #tpu.memory_space<semaphore_mem>>)
        %dma_wait3A = arith.constant 0 : i32
        %dma_wait3A_139 = tpu.memref_slice %arg12[%add3A_133, %dma_wait3A] : memref<10240x128xf32, #tpu.memory_space<vmem_shared>> -> memref<128x128xf32, #tpu.memory_space<vmem_shared>>
        %dma_wait3A_140 = arith.constant 0 : i32
        %dma_wait3A_141 = tpu.memref_slice %arg12[%add3A_133, %dma_wait3A_140] : memref<10240x128xf32, #tpu.memory_space<vmem_shared>> -> memref<128x128xf32, #tpu.memory_space<vmem_shared>>
        tpu.wait_dma2 semaphore(%run_scoped3A : memref<!tpu.dma_semaphore, #tpu.memory_space<semaphore_mem>>) src(%arg8 : memref<128x128xf32, #tpu.memory_space<vmem>>) dst(%dma_wait3A_141 : memref<128x128xf32, #tpu.memory_space<vmem_shared>>)
        tpu.yield
      }) : () -> ()
      %scan3A_134 = arith.constant 0 : i32
      scf.yield %scan3A_134 : i32
    }
    %scan3A_16 = arith.constant 5 : i32
    %barrier3A = arith.constant 0 : index
    tpu.barrier barrier_id(%barrier3A)
    "tpu.region"() ({
      %run_scoped3A = tpu.sem_alloc : memref<!tpu.dma_semaphore, #tpu.memory_space<semaphore_mem>>
      %dma_start3A_129 = arith.constant 0 : i32
      %dma_start3A_130 = arith.constant 0 : i32
      %dma_start3A_131 = tpu.memref_slice %arg3[%add3A, %dma_start3A_129, %dma_start3A_130] : memref<32x80x128xi32, #tpu.memory_space<hbm>> -> memref<1x16x128xi32, #tpu.memory_space<hbm>>
      %dma_start3A_132 = tpu.memref_squeeze %dma_start3A_131 : memref<1x16x128xi32, #tpu.memory_space<hbm>> -> memref<16x128xi32, #tpu.memory_space<hbm>>
      %dma_start3A_133 = arith.constant 0 : i32
      %dma_start3A_134 = arith.constant 0 : i32
      %dma_start3A_135 = tpu.memref_slice %arg3[%add3A, %dma_start3A_133, %dma_start3A_134] : memref<32x80x128xi32, #tpu.memory_space<hbm>> -> memref<1x16x128xi32, #tpu.memory_space<hbm>>
      %dma_start3A_136 = tpu.memref_squeeze %dma_start3A_135 : memref<1x16x128xi32, #tpu.memory_space<hbm>> -> memref<16x128xi32, #tpu.memory_space<hbm>>
      tpu.enqueue_dma source(%dma_start3A_136 : memref<16x128xi32, #tpu.memory_space<hbm>>) target(%arg6 : memref<16x128xi32, #tpu.memory_space<vmem>>) target_semaphore(%run_scoped3A : memref<!tpu.dma_semaphore, #tpu.memory_space<semaphore_mem>>)
      %dma_wait3A = arith.constant 0 : i32
      %dma_wait3A_137 = arith.constant 0 : i32
      %dma_wait3A_138 = tpu.memref_slice %arg3[%add3A, %dma_wait3A, %dma_wait3A_137] : memref<32x80x128xi32, #tpu.memory_space<hbm>> -> memref<1x16x128xi32, #tpu.memory_space<hbm>>
      %dma_wait3A_139 = tpu.memref_squeeze %dma_wait3A_138 : memref<1x16x128xi32, #tpu.memory_space<hbm>> -> memref<16x128xi32, #tpu.memory_space<hbm>>
      %dma_wait3A_140 = arith.constant 0 : i32
      %dma_wait3A_141 = arith.constant 0 : i32
      %dma_wait3A_142 = tpu.memref_slice %arg3[%add3A, %dma_wait3A_140, %dma_wait3A_141] : memref<32x80x128xi32, #tpu.memory_space<hbm>> -> memref<1x16x128xi32, #tpu.memory_space<hbm>>
      %dma_wait3A_143 = tpu.memref_squeeze %dma_wait3A_142 : memref<1x16x128xi32, #tpu.memory_space<hbm>> -> memref<16x128xi32, #tpu.memory_space<hbm>>
      tpu.wait_dma2 semaphore(%run_scoped3A : memref<!tpu.dma_semaphore, #tpu.memory_space<semaphore_mem>>) src(%dma_wait3A_143 : memref<16x128xi32, #tpu.memory_space<hbm>>) dst(%arg6 : memref<16x128xi32, #tpu.memory_space<vmem>>)
      tpu.yield
    }) : () -> ()
    "tpu.region"() ({
      %run_scoped3A = tpu.sem_alloc : memref<!tpu.dma_semaphore, #tpu.memory_space<semaphore_mem>>
      %dma_start3A_129 = arith.constant 0 : i32
      %dma_start3A_130 = arith.constant 0 : i32
      %dma_start3A_131 = tpu.memref_slice %arg4[%add3A, %dma_start3A_129, %dma_start3A_130] : memref<32x80x128xi32, #tpu.memory_space<hbm>> -> memref<1x16x128xi32, #tpu.memory_space<hbm>>
      %dma_start3A_132 = tpu.memref_squeeze %dma_start3A_131 : memref<1x16x128xi32, #tpu.memory_space<hbm>> -> memref<16x128xi32, #tpu.memory_space<hbm>>
      %dma_start3A_133 = arith.constant 0 : i32
      %dma_start3A_134 = arith.constant 0 : i32
      %dma_start3A_135 = tpu.memref_slice %arg4[%add3A, %dma_start3A_133, %dma_start3A_134] : memref<32x80x128xi32, #tpu.memory_space<hbm>> -> memref<1x16x128xi32, #tpu.memory_space<hbm>>
      %dma_start3A_136 = tpu.memref_squeeze %dma_start3A_135 : memref<1x16x128xi32, #tpu.memory_space<hbm>> -> memref<16x128xi32, #tpu.memory_space<hbm>>
      tpu.enqueue_dma source(%dma_start3A_136 : memref<16x128xi32, #tpu.memory_space<hbm>>) target(%arg7 : memref<16x128xi32, #tpu.memory_space<vmem>>) target_semaphore(%run_scoped3A : memref<!tpu.dma_semaphore, #tpu.memory_space<semaphore_mem>>)
      %dma_wait3A = arith.constant 0 : i32
      %dma_wait3A_137 = arith.constant 0 : i32
      %dma_wait3A_138 = tpu.memref_slice %arg4[%add3A, %dma_wait3A, %dma_wait3A_137] : memref<32x80x128xi32, #tpu.memory_space<hbm>> -> memref<1x16x128xi32, #tpu.memory_space<hbm>>
      %dma_wait3A_139 = tpu.memref_squeeze %dma_wait3A_138 : memref<1x16x128xi32, #tpu.memory_space<hbm>> -> memref<16x128xi32, #tpu.memory_space<hbm>>
      %dma_wait3A_140 = arith.constant 0 : i32
      %dma_wait3A_141 = arith.constant 0 : i32
      %dma_wait3A_142 = tpu.memref_slice %arg4[%add3A, %dma_wait3A_140, %dma_wait3A_141] : memref<32x80x128xi32, #tpu.memory_space<hbm>> -> memref<1x16x128xi32, #tpu.memory_space<hbm>>
      %dma_wait3A_143 = tpu.memref_squeeze %dma_wait3A_142 : memref<1x16x128xi32, #tpu.memory_space<hbm>> -> memref<16x128xi32, #tpu.memory_space<hbm>>
      tpu.wait_dma2 semaphore(%run_scoped3A : memref<!tpu.dma_semaphore, #tpu.memory_space<semaphore_mem>>) src(%dma_wait3A_143 : memref<16x128xi32, #tpu.memory_space<hbm>>) dst(%arg7 : memref<16x128xi32, #tpu.memory_space<vmem>>)
      tpu.yield
    }) : () -> ()
    %dma_start3A = arith.constant 0 : i32
    %dma_start3A_17 = arith.constant 0 : i32
    %dma_start3A_18 = tpu.memref_slice %arg6[%dma_start3A, %dma_start3A_17] : memref<16x128xi32, #tpu.memory_space<vmem>> -> memref<1x128xi32, #tpu.memory_space<vmem>>
    %dma_start3A_19 = tpu.memref_squeeze %dma_start3A_18 : memref<1x128xi32, #tpu.memory_space<vmem>> -> memref<128xi32, #tpu.memory_space<vmem>>
    %dma_start3A_20 = arith.constant 0 : i32
    %dma_start3A_21 = arith.constant 0 : i32
    %dma_start3A_22 = tpu.memref_slice %arg2[%dma_start3A_20, %dma_start3A_21] : memref<10240x128xf32, #tpu.memory_space<hbm>> -> memref<10240x128xf32, #tpu.memory_space<hbm>>
    tpu.enqueue_indirect_dma source(%dma_start3A_22 : memref<10240x128xf32, #tpu.memory_space<hbm>>) target(%arg8 : memref<128x128xf32, #tpu.memory_space<vmem>>) offsets(%dma_start3A_19 : memref<128xi32, #tpu.memory_space<vmem>>) semaphore(%arg10 : memref<!tpu.dma_semaphore, #tpu.memory_space<semaphore_mem>>)
    %dma_start3A_23 = arith.constant 1 : i32
    %dma_start3A_24 = arith.constant 0 : i32
    %dma_start3A_25 = tpu.memref_slice %arg6[%dma_start3A_23, %dma_start3A_24] : memref<16x128xi32, #tpu.memory_space<vmem>> -> memref<1x128xi32, #tpu.memory_space<vmem>>
    %dma_start3A_26 = tpu.memref_squeeze %dma_start3A_25 : memref<1x128xi32, #tpu.memory_space<vmem>> -> memref<128xi32, #tpu.memory_space<vmem>>
    %dma_start3A_27 = arith.constant 0 : i32
    %dma_start3A_28 = arith.constant 0 : i32
    %dma_start3A_29 = tpu.memref_slice %arg2[%dma_start3A_27, %dma_start3A_28] : memref<10240x128xf32, #tpu.memory_space<hbm>> -> memref<10240x128xf32, #tpu.memory_space<hbm>>
    tpu.enqueue_indirect_dma source(%dma_start3A_29 : memref<10240x128xf32, #tpu.memory_space<hbm>>) target(%arg9 : memref<128x128xf32, #tpu.memory_space<vmem>>) offsets(%dma_start3A_26 : memref<128xi32, #tpu.memory_space<vmem>>) semaphore(%arg11 : memref<!tpu.dma_semaphore, #tpu.memory_space<semaphore_mem>>)
    %scan3A_30 = arith.constant 0 : i32
    %scan3A_31 = arith.constant 0 : i32
    %scan3A_32 = arith.constant 8 : i32
    %scan3A_33 = arith.addi %scan3A_31, %scan3A_32 : i32
    %scan3A_34 = arith.constant 1 : i32
    %scan3A_35 = scf.for %scan3A_129 = %scan3A_31 to %scan3A_33 step %scan3A_34 iter_args(%scan3A_130 = %scan3A_30) -> (i32)  : i32 {
      %mul3A_131 = arith.constant 2 : i32
      %mul3A_132 = arith.muli %scan3A_129, %mul3A_131 : i32
      %add3A_133 = arith.constant 0 : i32
      %add3A_134 = arith.addi %mul3A_132, %add3A_133 : i32
      %dma_wait3A = arith.constant 0 : i32
      %dma_wait3A_135 = tpu.memref_slice %arg6[%add3A_134, %dma_wait3A] : memref<16x128xi32, #tpu.memory_space<vmem>> -> memref<1x128xi32, #tpu.memory_space<vmem>>
      %dma_wait3A_136 = tpu.memref_squeeze %dma_wait3A_135 : memref<1x128xi32, #tpu.memory_space<vmem>> -> memref<128xi32, #tpu.memory_space<vmem>>
      %dma_wait3A_137 = arith.constant 0 : i32
      %dma_wait3A_138 = arith.constant 0 : i32
      %dma_wait3A_139 = tpu.memref_slice %arg2[%dma_wait3A_137, %dma_wait3A_138] : memref<10240x128xf32, #tpu.memory_space<hbm>> -> memref<10240x128xf32, #tpu.memory_space<hbm>>
      tpu.wait_indirect_dma semaphore(%arg10 : memref<!tpu.dma_semaphore, #tpu.memory_space<semaphore_mem>>) src(%dma_wait3A_139 : memref<10240x128xf32, #tpu.memory_space<hbm>>) dst(%arg8 : memref<128x128xf32, #tpu.memory_space<vmem>>)
      "tpu.region"() ({
        %run_scoped3A = tpu.sem_alloc : memref<!tpu.dma_semaphore, #tpu.memory_space<semaphore_mem>>
        %dma_start3A_162 = arith.constant 0 : i32
        %dma_start3A_163 = tpu.memref_slice %arg7[%add3A_134, %dma_start3A_162] : memref<16x128xi32, #tpu.memory_space<vmem>> -> memref<1x128xi32, #tpu.memory_space<vmem>>
        %dma_start3A_164 = tpu.memref_squeeze %dma_start3A_163 : memref<1x128xi32, #tpu.memory_space<vmem>> -> memref<128xi32, #tpu.memory_space<vmem>>
        %dma_start3A_165 = arith.constant 0 : i32
        %dma_start3A_166 = arith.constant 0 : i32
        %dma_start3A_167 = tpu.memref_slice %arg12[%dma_start3A_165, %dma_start3A_166] : memref<10240x128xf32, #tpu.memory_space<vmem_shared>> -> memref<10240x128xf32, #tpu.memory_space<vmem_shared>>
        tpu.enqueue_indirect_dma source(%arg8 : memref<128x128xf32, #tpu.memory_space<vmem>>) target(%dma_start3A_167 : memref<10240x128xf32, #tpu.memory_space<vmem_shared>>) offsets(%dma_start3A_164 : memref<128xi32, #tpu.memory_space<vmem>>) semaphore(%run_scoped3A : memref<!tpu.dma_semaphore, #tpu.memory_space<semaphore_mem>>) {add = true}
        %dma_wait3A_168 = arith.constant 0 : i32
        %dma_wait3A_169 = tpu.memref_slice %arg7[%add3A_134, %dma_wait3A_168] : memref<16x128xi32, #tpu.memory_space<vmem>> -> memref<1x128xi32, #tpu.memory_space<vmem>>
        %dma_wait3A_170 = tpu.memref_squeeze %dma_wait3A_169 : memref<1x128xi32, #tpu.memory_space<vmem>> -> memref<128xi32, #tpu.memory_space<vmem>>
        %dma_wait3A_171 = arith.constant 0 : i32
        %dma_wait3A_172 = arith.constant 0 : i32
        %dma_wait3A_173 = tpu.memref_slice %arg12[%dma_wait3A_171, %dma_wait3A_172] : memref<10240x128xf32, #tpu.memory_space<vmem_shared>> -> memref<10240x128xf32, #tpu.memory_space<vmem_shared>>
        tpu.wait_indirect_dma semaphore(%run_scoped3A : memref<!tpu.dma_semaphore, #tpu.memory_space<semaphore_mem>>) src(%arg8 : memref<128x128xf32, #tpu.memory_space<vmem>>) dst(%dma_wait3A_173 : memref<10240x128xf32, #tpu.memory_space<vmem_shared>>)
        tpu.yield
      }) : () -> ()
      %add3A_140 = arith.constant 2 : i32
      %add3A_141 = arith.addi %add3A_134, %add3A_140 : i32
      %lt3A = arith.constant 16 : i32
      %lt3A_142 = arith.cmpi slt, %add3A_141, %lt3A : i32
      %convert_element_type3A = arith.extui %lt3A_142 : i1 to i32
      %cond3A = arith.constant 0 : i32
      %cond3A_143 = arith.cmpi ne, %convert_element_type3A, %cond3A : i32
      scf.if %cond3A_143 {
        %add3A_162 = arith.constant 2 : i32
        %add3A_163 = arith.addi %add3A_134, %add3A_162 : i32
        %dma_start3A_164 = arith.constant 0 : i32
        %dma_start3A_165 = tpu.memref_slice %arg6[%add3A_163, %dma_start3A_164] : memref<16x128xi32, #tpu.memory_space<vmem>> -> memref<1x128xi32, #tpu.memory_space<vmem>>
        %dma_start3A_166 = tpu.memref_squeeze %dma_start3A_165 : memref<1x128xi32, #tpu.memory_space<vmem>> -> memref<128xi32, #tpu.memory_space<vmem>>
        %dma_start3A_167 = arith.constant 0 : i32
        %dma_start3A_168 = arith.constant 0 : i32
        %dma_start3A_169 = tpu.memref_slice %arg2[%dma_start3A_167, %dma_start3A_168] : memref<10240x128xf32, #tpu.memory_space<hbm>> -> memref<10240x128xf32, #tpu.memory_space<hbm>>
        tpu.enqueue_indirect_dma source(%dma_start3A_169 : memref<10240x128xf32, #tpu.memory_space<hbm>>) target(%arg8 : memref<128x128xf32, #tpu.memory_space<vmem>>) offsets(%dma_start3A_166 : memref<128xi32, #tpu.memory_space<vmem>>) semaphore(%arg10 : memref<!tpu.dma_semaphore, #tpu.memory_space<semaphore_mem>>)
      } else {
      }
      %mul3A_144 = arith.constant 2 : i32
      %mul3A_145 = arith.muli %scan3A_129, %mul3A_144 : i32
      %add3A_146 = arith.constant 1 : i32
      %add3A_147 = arith.addi %mul3A_145, %add3A_146 : i32
      %dma_wait3A_148 = arith.constant 0 : i32
      %dma_wait3A_149 = tpu.memref_slice %arg6[%add3A_147, %dma_wait3A_148] : memref<16x128xi32, #tpu.memory_space<vmem>> -> memref<1x128xi32, #tpu.memory_space<vmem>>
      %dma_wait3A_150 = tpu.memref_squeeze %dma_wait3A_149 : memref<1x128xi32, #tpu.memory_space<vmem>> -> memref<128xi32, #tpu.memory_space<vmem>>
      %dma_wait3A_151 = arith.constant 0 : i32
      %dma_wait3A_152 = arith.constant 0 : i32
      %dma_wait3A_153 = tpu.memref_slice %arg2[%dma_wait3A_151, %dma_wait3A_152] : memref<10240x128xf32, #tpu.memory_space<hbm>> -> memref<10240x128xf32, #tpu.memory_space<hbm>>
      tpu.wait_indirect_dma semaphore(%arg11 : memref<!tpu.dma_semaphore, #tpu.memory_space<semaphore_mem>>) src(%dma_wait3A_153 : memref<10240x128xf32, #tpu.memory_space<hbm>>) dst(%arg9 : memref<128x128xf32, #tpu.memory_space<vmem>>)
      "tpu.region"() ({
        %run_scoped3A = tpu.sem_alloc : memref<!tpu.dma_semaphore, #tpu.memory_space<semaphore_mem>>
        %dma_start3A_162 = arith.constant 0 : i32
        %dma_start3A_163 = tpu.memref_slice %arg7[%add3A_147, %dma_start3A_162] : memref<16x128xi32, #tpu.memory_space<vmem>> -> memref<1x128xi32, #tpu.memory_space<vmem>>
        %dma_start3A_164 = tpu.memref_squeeze %dma_start3A_163 : memref<1x128xi32, #tpu.memory_space<vmem>> -> memref<128xi32, #tpu.memory_space<vmem>>
        %dma_start3A_165 = arith.constant 0 : i32
        %dma_start3A_166 = arith.constant 0 : i32
        %dma_start3A_167 = tpu.memref_slice %arg12[%dma_start3A_165, %dma_start3A_166] : memref<10240x128xf32, #tpu.memory_space<vmem_shared>> -> memref<10240x128xf32, #tpu.memory_space<vmem_shared>>
        tpu.enqueue_indirect_dma source(%arg9 : memref<128x128xf32, #tpu.memory_space<vmem>>) target(%dma_start3A_167 : memref<10240x128xf32, #tpu.memory_space<vmem_shared>>) offsets(%dma_start3A_164 : memref<128xi32, #tpu.memory_space<vmem>>) semaphore(%run_scoped3A : memref<!tpu.dma_semaphore, #tpu.memory_space<semaphore_mem>>) {add = true}
        %dma_wait3A_168 = arith.constant 0 : i32
        %dma_wait3A_169 = tpu.memref_slice %arg7[%add3A_147, %dma_wait3A_168] : memref<16x128xi32, #tpu.memory_space<vmem>> -> memref<1x128xi32, #tpu.memory_space<vmem>>
        %dma_wait3A_170 = tpu.memref_squeeze %dma_wait3A_169 : memref<1x128xi32, #tpu.memory_space<vmem>> -> memref<128xi32, #tpu.memory_space<vmem>>
        %dma_wait3A_171 = arith.constant 0 : i32
        %dma_wait3A_172 = arith.constant 0 : i32
        %dma_wait3A_173 = tpu.memref_slice %arg12[%dma_wait3A_171, %dma_wait3A_172] : memref<10240x128xf32, #tpu.memory_space<vmem_shared>> -> memref<10240x128xf32, #tpu.memory_space<vmem_shared>>
        tpu.wait_indirect_dma semaphore(%run_scoped3A : memref<!tpu.dma_semaphore, #tpu.memory_space<semaphore_mem>>) src(%arg9 : memref<128x128xf32, #tpu.memory_space<vmem>>) dst(%dma_wait3A_173 : memref<10240x128xf32, #tpu.memory_space<vmem_shared>>)
        tpu.yield
      }) : () -> ()
      %add3A_154 = arith.constant 2 : i32
      %add3A_155 = arith.addi %add3A_147, %add3A_154 : i32
      %lt3A_156 = arith.constant 16 : i32
      %lt3A_157 = arith.cmpi slt, %add3A_155, %lt3A_156 : i32
      %convert_element_type3A_158 = arith.extui %lt3A_157 : i1 to i32
      %cond3A_159 = arith.constant 0 : i32
      %cond3A_160 = arith.cmpi ne, %convert_element_type3A_158, %cond3A_159 : i32
      scf.if %cond3A_160 {
        %add3A_162 = arith.constant 2 : i32
        %add3A_163 = arith.addi %add3A_147, %add3A_162 : i32
        %dma_start3A_164 = arith.constant 0 : i32
        %dma_start3A_165 = tpu.memref_slice %arg6[%add3A_163, %dma_start3A_164] : memref<16x128xi32, #tpu.memory_space<vmem>> -> memref<1x128xi32, #tpu.memory_space<vmem>>
        %dma_start3A_166 = tpu.memref_squeeze %dma_start3A_165 : memref<1x128xi32, #tpu.memory_space<vmem>> -> memref<128xi32, #tpu.memory_space<vmem>>
        %dma_start3A_167 = arith.constant 0 : i32
        %dma_start3A_168 = arith.constant 0 : i32
        %dma_start3A_169 = tpu.memref_slice %arg2[%dma_start3A_167, %dma_start3A_168] : memref<10240x128xf32, #tpu.memory_space<hbm>> -> memref<10240x128xf32, #tpu.memory_space<hbm>>
        tpu.enqueue_indirect_dma source(%dma_start3A_169 : memref<10240x128xf32, #tpu.memory_space<hbm>>) target(%arg9 : memref<128x128xf32, #tpu.memory_space<vmem>>) offsets(%dma_start3A_166 : memref<128xi32, #tpu.memory_space<vmem>>) semaphore(%arg11 : memref<!tpu.dma_semaphore, #tpu.memory_space<semaphore_mem>>)
      } else {
      }
      %scan3A_161 = arith.constant 0 : i32
      scf.yield %scan3A_161 : i32
    }
    %scan3A_36 = arith.constant 8 : i32
    "tpu.region"() ({
      %run_scoped3A = tpu.sem_alloc : memref<!tpu.dma_semaphore, #tpu.memory_space<semaphore_mem>>
      %dma_start3A_129 = arith.constant 16 : i32
      %dma_start3A_130 = arith.constant 0 : i32
      %dma_start3A_131 = tpu.memref_slice %arg3[%add3A, %dma_start3A_129, %dma_start3A_130] : memref<32x80x128xi32, #tpu.memory_space<hbm>> -> memref<1x16x128xi32, #tpu.memory_space<hbm>>
      %dma_start3A_132 = tpu.memref_squeeze %dma_start3A_131 : memref<1x16x128xi32, #tpu.memory_space<hbm>> -> memref<16x128xi32, #tpu.memory_space<hbm>>
      %dma_start3A_133 = arith.constant 16 : i32
      %dma_start3A_134 = arith.constant 0 : i32
      %dma_start3A_135 = tpu.memref_slice %arg3[%add3A, %dma_start3A_133, %dma_start3A_134] : memref<32x80x128xi32, #tpu.memory_space<hbm>> -> memref<1x16x128xi32, #tpu.memory_space<hbm>>
      %dma_start3A_136 = tpu.memref_squeeze %dma_start3A_135 : memref<1x16x128xi32, #tpu.memory_space<hbm>> -> memref<16x128xi32, #tpu.memory_space<hbm>>
      tpu.enqueue_dma source(%dma_start3A_136 : memref<16x128xi32, #tpu.memory_space<hbm>>) target(%arg6 : memref<16x128xi32, #tpu.memory_space<vmem>>) target_semaphore(%run_scoped3A : memref<!tpu.dma_semaphore, #tpu.memory_space<semaphore_mem>>)
      %dma_wait3A = arith.constant 16 : i32
      %dma_wait3A_137 = arith.constant 0 : i32
      %dma_wait3A_138 = tpu.memref_slice %arg3[%add3A, %dma_wait3A, %dma_wait3A_137] : memref<32x80x128xi32, #tpu.memory_space<hbm>> -> memref<1x16x128xi32, #tpu.memory_space<hbm>>
      %dma_wait3A_139 = tpu.memref_squeeze %dma_wait3A_138 : memref<1x16x128xi32, #tpu.memory_space<hbm>> -> memref<16x128xi32, #tpu.memory_space<hbm>>
      %dma_wait3A_140 = arith.constant 16 : i32
      %dma_wait3A_141 = arith.constant 0 : i32
      %dma_wait3A_142 = tpu.memref_slice %arg3[%add3A, %dma_wait3A_140, %dma_wait3A_141] : memref<32x80x128xi32, #tpu.memory_space<hbm>> -> memref<1x16x128xi32, #tpu.memory_space<hbm>>
      %dma_wait3A_143 = tpu.memref_squeeze %dma_wait3A_142 : memref<1x16x128xi32, #tpu.memory_space<hbm>> -> memref<16x128xi32, #tpu.memory_space<hbm>>
      tpu.wait_dma2 semaphore(%run_scoped3A : memref<!tpu.dma_semaphore, #tpu.memory_space<semaphore_mem>>) src(%dma_wait3A_143 : memref<16x128xi32, #tpu.memory_space<hbm>>) dst(%arg6 : memref<16x128xi32, #tpu.memory_space<vmem>>)
      tpu.yield
    }) : () -> ()
    "tpu.region"() ({
      %run_scoped3A = tpu.sem_alloc : memref<!tpu.dma_semaphore, #tpu.memory_space<semaphore_mem>>
      %dma_start3A_129 = arith.constant 16 : i32
      %dma_start3A_130 = arith.constant 0 : i32
      %dma_start3A_131 = tpu.memref_slice %arg4[%add3A, %dma_start3A_129, %dma_start3A_130] : memref<32x80x128xi32, #tpu.memory_space<hbm>> -> memref<1x16x128xi32, #tpu.memory_space<hbm>>
      %dma_start3A_132 = tpu.memref_squeeze %dma_start3A_131 : memref<1x16x128xi32, #tpu.memory_space<hbm>> -> memref<16x128xi32, #tpu.memory_space<hbm>>
      %dma_start3A_133 = arith.constant 16 : i32
      %dma_start3A_134 = arith.constant 0 : i32
      %dma_start3A_135 = tpu.memref_slice %arg4[%add3A, %dma_start3A_133, %dma_start3A_134] : memref<32x80x128xi32, #tpu.memory_space<hbm>> -> memref<1x16x128xi32, #tpu.memory_space<hbm>>
      %dma_start3A_136 = tpu.memref_squeeze %dma_start3A_135 : memref<1x16x128xi32, #tpu.memory_space<hbm>> -> memref<16x128xi32, #tpu.memory_space<hbm>>
      tpu.enqueue_dma source(%dma_start3A_136 : memref<16x128xi32, #tpu.memory_space<hbm>>) target(%arg7 : memref<16x128xi32, #tpu.memory_space<vmem>>) target_semaphore(%run_scoped3A : memref<!tpu.dma_semaphore, #tpu.memory_space<semaphore_mem>>)
      %dma_wait3A = arith.constant 16 : i32
      %dma_wait3A_137 = arith.constant 0 : i32
      %dma_wait3A_138 = tpu.memref_slice %arg4[%add3A, %dma_wait3A, %dma_wait3A_137] : memref<32x80x128xi32, #tpu.memory_space<hbm>> -> memref<1x16x128xi32, #tpu.memory_space<hbm>>
      %dma_wait3A_139 = tpu.memref_squeeze %dma_wait3A_138 : memref<1x16x128xi32, #tpu.memory_space<hbm>> -> memref<16x128xi32, #tpu.memory_space<hbm>>
      %dma_wait3A_140 = arith.constant 16 : i32
      %dma_wait3A_141 = arith.constant 0 : i32
      %dma_wait3A_142 = tpu.memref_slice %arg4[%add3A, %dma_wait3A_140, %dma_wait3A_141] : memref<32x80x128xi32, #tpu.memory_space<hbm>> -> memref<1x16x128xi32, #tpu.memory_space<hbm>>
      %dma_wait3A_143 = tpu.memref_squeeze %dma_wait3A_142 : memref<1x16x128xi32, #tpu.memory_space<hbm>> -> memref<16x128xi32, #tpu.memory_space<hbm>>
      tpu.wait_dma2 semaphore(%run_scoped3A : memref<!tpu.dma_semaphore, #tpu.memory_space<semaphore_mem>>) src(%dma_wait3A_143 : memref<16x128xi32, #tpu.memory_space<hbm>>) dst(%arg7 : memref<16x128xi32, #tpu.memory_space<vmem>>)
      tpu.yield
    }) : () -> ()
    %dma_start3A_37 = arith.constant 0 : i32
    %dma_start3A_38 = arith.constant 0 : i32
    %dma_start3A_39 = tpu.memref_slice %arg6[%dma_start3A_37, %dma_start3A_38] : memref<16x128xi32, #tpu.memory_space<vmem>> -> memref<1x128xi32, #tpu.memory_space<vmem>>
    %dma_start3A_40 = tpu.memref_squeeze %dma_start3A_39 : memref<1x128xi32, #tpu.memory_space<vmem>> -> memref<128xi32, #tpu.memory_space<vmem>>
    %dma_start3A_41 = arith.constant 0 : i32
    %dma_start3A_42 = arith.constant 0 : i32
    %dma_start3A_43 = tpu.memref_slice %arg2[%dma_start3A_41, %dma_start3A_42] : memref<10240x128xf32, #tpu.memory_space<hbm>> -> memref<10240x128xf32, #tpu.memory_space<hbm>>
    tpu.enqueue_indirect_dma source(%dma_start3A_43 : memref<10240x128xf32, #tpu.memory_space<hbm>>) target(%arg8 : memref<128x128xf32, #tpu.memory_space<vmem>>) offsets(%dma_start3A_40 : memref<128xi32, #tpu.memory_space<vmem>>) semaphore(%arg10 : memref<!tpu.dma_semaphore, #tpu.memory_space<semaphore_mem>>)
    %dma_start3A_44 = arith.constant 1 : i32
    %dma_start3A_45 = arith.constant 0 : i32
    %dma_start3A_46 = tpu.memref_slice %arg6[%dma_start3A_44, %dma_start3A_45] : memref<16x128xi32, #tpu.memory_space<vmem>> -> memref<1x128xi32, #tpu.memory_space<vmem>>
    %dma_start3A_47 = tpu.memref_squeeze %dma_start3A_46 : memref<1x128xi32, #tpu.memory_space<vmem>> -> memref<128xi32, #tpu.memory_space<vmem>>
    %dma_start3A_48 = arith.constant 0 : i32
    %dma_start3A_49 = arith.constant 0 : i32
    %dma_start3A_50 = tpu.memref_slice %arg2[%dma_start3A_48, %dma_start3A_49] : memref<10240x128xf32, #tpu.memory_space<hbm>> -> memref<10240x128xf32, #tpu.memory_space<hbm>>
    tpu.enqueue_indirect_dma source(%dma_start3A_50 : memref<10240x128xf32, #tpu.memory_space<hbm>>) target(%arg9 : memref<128x128xf32, #tpu.memory_space<vmem>>) offsets(%dma_start3A_47 : memref<128xi32, #tpu.memory_space<vmem>>) semaphore(%arg11 : memref<!tpu.dma_semaphore, #tpu.memory_space<semaphore_mem>>)
    %scan3A_51 = arith.constant 0 : i32
    %scan3A_52 = arith.constant 0 : i32
    %scan3A_53 = arith.constant 8 : i32
    %scan3A_54 = arith.addi %scan3A_52, %scan3A_53 : i32
    %scan3A_55 = arith.constant 1 : i32
    %scan3A_56 = scf.for %scan3A_129 = %scan3A_52 to %scan3A_54 step %scan3A_55 iter_args(%scan3A_130 = %scan3A_51) -> (i32)  : i32 {
      %mul3A_131 = arith.constant 2 : i32
      %mul3A_132 = arith.muli %scan3A_129, %mul3A_131 : i32
      %add3A_133 = arith.constant 0 : i32
      %add3A_134 = arith.addi %mul3A_132, %add3A_133 : i32
      %dma_wait3A = arith.constant 0 : i32
      %dma_wait3A_135 = tpu.memref_slice %arg6[%add3A_134, %dma_wait3A] : memref<16x128xi32, #tpu.memory_space<vmem>> -> memref<1x128xi32, #tpu.memory_space<vmem>>
      %dma_wait3A_136 = tpu.memref_squeeze %dma_wait3A_135 : memref<1x128xi32, #tpu.memory_space<vmem>> -> memref<128xi32, #tpu.memory_space<vmem>>
      %dma_wait3A_137 = arith.constant 0 : i32
      %dma_wait3A_138 = arith.constant 0 : i32
      %dma_wait3A_139 = tpu.memref_slice %arg2[%dma_wait3A_137, %dma_wait3A_138] : memref<10240x128xf32, #tpu.memory_space<hbm>> -> memref<10240x128xf32, #tpu.memory_space<hbm>>
      tpu.wait_indirect_dma semaphore(%arg10 : memref<!tpu.dma_semaphore, #tpu.memory_space<semaphore_mem>>) src(%dma_wait3A_139 : memref<10240x128xf32, #tpu.memory_space<hbm>>) dst(%arg8 : memref<128x128xf32, #tpu.memory_space<vmem>>)
      "tpu.region"() ({
        %run_scoped3A = tpu.sem_alloc : memref<!tpu.dma_semaphore, #tpu.memory_space<semaphore_mem>>
        %dma_start3A_162 = arith.constant 0 : i32
        %dma_start3A_163 = tpu.memref_slice %arg7[%add3A_134, %dma_start3A_162] : memref<16x128xi32, #tpu.memory_space<vmem>> -> memref<1x128xi32, #tpu.memory_space<vmem>>
        %dma_start3A_164 = tpu.memref_squeeze %dma_start3A_163 : memref<1x128xi32, #tpu.memory_space<vmem>> -> memref<128xi32, #tpu.memory_space<vmem>>
        %dma_start3A_165 = arith.constant 0 : i32
        %dma_start3A_166 = arith.constant 0 : i32
        %dma_start3A_167 = tpu.memref_slice %arg12[%dma_start3A_165, %dma_start3A_166] : memref<10240x128xf32, #tpu.memory_space<vmem_shared>> -> memref<10240x128xf32, #tpu.memory_space<vmem_shared>>
        tpu.enqueue_indirect_dma source(%arg8 : memref<128x128xf32, #tpu.memory_space<vmem>>) target(%dma_start3A_167 : memref<10240x128xf32, #tpu.memory_space<vmem_shared>>) offsets(%dma_start3A_164 : memref<128xi32, #tpu.memory_space<vmem>>) semaphore(%run_scoped3A : memref<!tpu.dma_semaphore, #tpu.memory_space<semaphore_mem>>) {add = true}
        %dma_wait3A_168 = arith.constant 0 : i32
        %dma_wait3A_169 = tpu.memref_slice %arg7[%add3A_134, %dma_wait3A_168] : memref<16x128xi32, #tpu.memory_space<vmem>> -> memref<1x128xi32, #tpu.memory_space<vmem>>
        %dma_wait3A_170 = tpu.memref_squeeze %dma_wait3A_169 : memref<1x128xi32, #tpu.memory_space<vmem>> -> memref<128xi32, #tpu.memory_space<vmem>>
        %dma_wait3A_171 = arith.constant 0 : i32
        %dma_wait3A_172 = arith.constant 0 : i32
        %dma_wait3A_173 = tpu.memref_slice %arg12[%dma_wait3A_171, %dma_wait3A_172] : memref<10240x128xf32, #tpu.memory_space<vmem_shared>> -> memref<10240x128xf32, #tpu.memory_space<vmem_shared>>
        tpu.wait_indirect_dma semaphore(%run_scoped3A : memref<!tpu.dma_semaphore, #tpu.memory_space<semaphore_mem>>) src(%arg8 : memref<128x128xf32, #tpu.memory_space<vmem>>) dst(%dma_wait3A_173 : memref<10240x128xf32, #tpu.memory_space<vmem_shared>>)
        tpu.yield
      }) : () -> ()
      %add3A_140 = arith.constant 2 : i32
      %add3A_141 = arith.addi %add3A_134, %add3A_140 : i32
      %lt3A = arith.constant 16 : i32
      %lt3A_142 = arith.cmpi slt, %add3A_141, %lt3A : i32
      %convert_element_type3A = arith.extui %lt3A_142 : i1 to i32
      %cond3A = arith.constant 0 : i32
      %cond3A_143 = arith.cmpi ne, %convert_element_type3A, %cond3A : i32
      scf.if %cond3A_143 {
        %add3A_162 = arith.constant 2 : i32
        %add3A_163 = arith.addi %add3A_134, %add3A_162 : i32
        %dma_start3A_164 = arith.constant 0 : i32
        %dma_start3A_165 = tpu.memref_slice %arg6[%add3A_163, %dma_start3A_164] : memref<16x128xi32, #tpu.memory_space<vmem>> -> memref<1x128xi32, #tpu.memory_space<vmem>>
        %dma_start3A_166 = tpu.memref_squeeze %dma_start3A_165 : memref<1x128xi32, #tpu.memory_space<vmem>> -> memref<128xi32, #tpu.memory_space<vmem>>
        %dma_start3A_167 = arith.constant 0 : i32
        %dma_start3A_168 = arith.constant 0 : i32
        %dma_start3A_169 = tpu.memref_slice %arg2[%dma_start3A_167, %dma_start3A_168] : memref<10240x128xf32, #tpu.memory_space<hbm>> -> memref<10240x128xf32, #tpu.memory_space<hbm>>
        tpu.enqueue_indirect_dma source(%dma_start3A_169 : memref<10240x128xf32, #tpu.memory_space<hbm>>) target(%arg8 : memref<128x128xf32, #tpu.memory_space<vmem>>) offsets(%dma_start3A_166 : memref<128xi32, #tpu.memory_space<vmem>>) semaphore(%arg10 : memref<!tpu.dma_semaphore, #tpu.memory_space<semaphore_mem>>)
      } else {
      }
      %mul3A_144 = arith.constant 2 : i32
      %mul3A_145 = arith.muli %scan3A_129, %mul3A_144 : i32
      %add3A_146 = arith.constant 1 : i32
      %add3A_147 = arith.addi %mul3A_145, %add3A_146 : i32
      %dma_wait3A_148 = arith.constant 0 : i32
      %dma_wait3A_149 = tpu.memref_slice %arg6[%add3A_147, %dma_wait3A_148] : memref<16x128xi32, #tpu.memory_space<vmem>> -> memref<1x128xi32, #tpu.memory_space<vmem>>
      %dma_wait3A_150 = tpu.memref_squeeze %dma_wait3A_149 : memref<1x128xi32, #tpu.memory_space<vmem>> -> memref<128xi32, #tpu.memory_space<vmem>>
      %dma_wait3A_151 = arith.constant 0 : i32
      %dma_wait3A_152 = arith.constant 0 : i32
      %dma_wait3A_153 = tpu.memref_slice %arg2[%dma_wait3A_151, %dma_wait3A_152] : memref<10240x128xf32, #tpu.memory_space<hbm>> -> memref<10240x128xf32, #tpu.memory_space<hbm>>
      tpu.wait_indirect_dma semaphore(%arg11 : memref<!tpu.dma_semaphore, #tpu.memory_space<semaphore_mem>>) src(%dma_wait3A_153 : memref<10240x128xf32, #tpu.memory_space<hbm>>) dst(%arg9 : memref<128x128xf32, #tpu.memory_space<vmem>>)
      "tpu.region"() ({
        %run_scoped3A = tpu.sem_alloc : memref<!tpu.dma_semaphore, #tpu.memory_space<semaphore_mem>>
        %dma_start3A_162 = arith.constant 0 : i32
        %dma_start3A_163 = tpu.memref_slice %arg7[%add3A_147, %dma_start3A_162] : memref<16x128xi32, #tpu.memory_space<vmem>> -> memref<1x128xi32, #tpu.memory_space<vmem>>
        %dma_start3A_164 = tpu.memref_squeeze %dma_start3A_163 : memref<1x128xi32, #tpu.memory_space<vmem>> -> memref<128xi32, #tpu.memory_space<vmem>>
        %dma_start3A_165 = arith.constant 0 : i32
        %dma_start3A_166 = arith.constant 0 : i32
        %dma_start3A_167 = tpu.memref_slice %arg12[%dma_start3A_165, %dma_start3A_166] : memref<10240x128xf32, #tpu.memory_space<vmem_shared>> -> memref<10240x128xf32, #tpu.memory_space<vmem_shared>>
        tpu.enqueue_indirect_dma source(%arg9 : memref<128x128xf32, #tpu.memory_space<vmem>>) target(%dma_start3A_167 : memref<10240x128xf32, #tpu.memory_space<vmem_shared>>) offsets(%dma_start3A_164 : memref<128xi32, #tpu.memory_space<vmem>>) semaphore(%run_scoped3A : memref<!tpu.dma_semaphore, #tpu.memory_space<semaphore_mem>>) {add = true}
        %dma_wait3A_168 = arith.constant 0 : i32
        %dma_wait3A_169 = tpu.memref_slice %arg7[%add3A_147, %dma_wait3A_168] : memref<16x128xi32, #tpu.memory_space<vmem>> -> memref<1x128xi32, #tpu.memory_space<vmem>>
        %dma_wait3A_170 = tpu.memref_squeeze %dma_wait3A_169 : memref<1x128xi32, #tpu.memory_space<vmem>> -> memref<128xi32, #tpu.memory_space<vmem>>
        %dma_wait3A_171 = arith.constant 0 : i32
        %dma_wait3A_172 = arith.constant 0 : i32
        %dma_wait3A_173 = tpu.memref_slice %arg12[%dma_wait3A_171, %dma_wait3A_172] : memref<10240x128xf32, #tpu.memory_space<vmem_shared>> -> memref<10240x128xf32, #tpu.memory_space<vmem_shared>>
        tpu.wait_indirect_dma semaphore(%run_scoped3A : memref<!tpu.dma_semaphore, #tpu.memory_space<semaphore_mem>>) src(%arg9 : memref<128x128xf32, #tpu.memory_space<vmem>>) dst(%dma_wait3A_173 : memref<10240x128xf32, #tpu.memory_space<vmem_shared>>)
        tpu.yield
      }) : () -> ()
      %add3A_154 = arith.constant 2 : i32
      %add3A_155 = arith.addi %add3A_147, %add3A_154 : i32
      %lt3A_156 = arith.constant 16 : i32
      %lt3A_157 = arith.cmpi slt, %add3A_155, %lt3A_156 : i32
      %convert_element_type3A_158 = arith.extui %lt3A_157 : i1 to i32
      %cond3A_159 = arith.constant 0 : i32
      %cond3A_160 = arith.cmpi ne, %convert_element_type3A_158, %cond3A_159 : i32
      scf.if %cond3A_160 {
        %add3A_162 = arith.constant 2 : i32
        %add3A_163 = arith.addi %add3A_147, %add3A_162 : i32
        %dma_start3A_164 = arith.constant 0 : i32
        %dma_start3A_165 = tpu.memref_slice %arg6[%add3A_163, %dma_start3A_164] : memref<16x128xi32, #tpu.memory_space<vmem>> -> memref<1x128xi32, #tpu.memory_space<vmem>>
        %dma_start3A_166 = tpu.memref_squeeze %dma_start3A_165 : memref<1x128xi32, #tpu.memory_space<vmem>> -> memref<128xi32, #tpu.memory_space<vmem>>
        %dma_start3A_167 = arith.constant 0 : i32
        %dma_start3A_168 = arith.constant 0 : i32
        %dma_start3A_169 = tpu.memref_slice %arg2[%dma_start3A_167, %dma_start3A_168] : memref<10240x128xf32, #tpu.memory_space<hbm>> -> memref<10240x128xf32, #tpu.memory_space<hbm>>
        tpu.enqueue_indirect_dma source(%dma_start3A_169 : memref<10240x128xf32, #tpu.memory_space<hbm>>) target(%arg9 : memref<128x128xf32, #tpu.memory_space<vmem>>) offsets(%dma_start3A_166 : memref<128xi32, #tpu.memory_space<vmem>>) semaphore(%arg11 : memref<!tpu.dma_semaphore, #tpu.memory_space<semaphore_mem>>)
      } else {
      }
      %scan3A_161 = arith.constant 0 : i32
      scf.yield %scan3A_161 : i32
    }
    %scan3A_57 = arith.constant 8 : i32
    "tpu.region"() ({
      %run_scoped3A = tpu.sem_alloc : memref<!tpu.dma_semaphore, #tpu.memory_space<semaphore_mem>>
      %dma_start3A_129 = arith.constant 32 : i32
      %dma_start3A_130 = arith.constant 0 : i32
      %dma_start3A_131 = tpu.memref_slice %arg3[%add3A, %dma_start3A_129, %dma_start3A_130] : memref<32x80x128xi32, #tpu.memory_space<hbm>> -> memref<1x16x128xi32, #tpu.memory_space<hbm>>
      %dma_start3A_132 = tpu.memref_squeeze %dma_start3A_131 : memref<1x16x128xi32, #tpu.memory_space<hbm>> -> memref<16x128xi32, #tpu.memory_space<hbm>>
      %dma_start3A_133 = arith.constant 32 : i32
      %dma_start3A_134 = arith.constant 0 : i32
      %dma_start3A_135 = tpu.memref_slice %arg3[%add3A, %dma_start3A_133, %dma_start3A_134] : memref<32x80x128xi32, #tpu.memory_space<hbm>> -> memref<1x16x128xi32, #tpu.memory_space<hbm>>
      %dma_start3A_136 = tpu.memref_squeeze %dma_start3A_135 : memref<1x16x128xi32, #tpu.memory_space<hbm>> -> memref<16x128xi32, #tpu.memory_space<hbm>>
      tpu.enqueue_dma source(%dma_start3A_136 : memref<16x128xi32, #tpu.memory_space<hbm>>) target(%arg6 : memref<16x128xi32, #tpu.memory_space<vmem>>) target_semaphore(%run_scoped3A : memref<!tpu.dma_semaphore, #tpu.memory_space<semaphore_mem>>)
      %dma_wait3A = arith.constant 32 : i32
      %dma_wait3A_137 = arith.constant 0 : i32
      %dma_wait3A_138 = tpu.memref_slice %arg3[%add3A, %dma_wait3A, %dma_wait3A_137] : memref<32x80x128xi32, #tpu.memory_space<hbm>> -> memref<1x16x128xi32, #tpu.memory_space<hbm>>
      %dma_wait3A_139 = tpu.memref_squeeze %dma_wait3A_138 : memref<1x16x128xi32, #tpu.memory_space<hbm>> -> memref<16x128xi32, #tpu.memory_space<hbm>>
      %dma_wait3A_140 = arith.constant 32 : i32
      %dma_wait3A_141 = arith.constant 0 : i32
      %dma_wait3A_142 = tpu.memref_slice %arg3[%add3A, %dma_wait3A_140, %dma_wait3A_141] : memref<32x80x128xi32, #tpu.memory_space<hbm>> -> memref<1x16x128xi32, #tpu.memory_space<hbm>>
      %dma_wait3A_143 = tpu.memref_squeeze %dma_wait3A_142 : memref<1x16x128xi32, #tpu.memory_space<hbm>> -> memref<16x128xi32, #tpu.memory_space<hbm>>
      tpu.wait_dma2 semaphore(%run_scoped3A : memref<!tpu.dma_semaphore, #tpu.memory_space<semaphore_mem>>) src(%dma_wait3A_143 : memref<16x128xi32, #tpu.memory_space<hbm>>) dst(%arg6 : memref<16x128xi32, #tpu.memory_space<vmem>>)
      tpu.yield
    }) : () -> ()
    "tpu.region"() ({
      %run_scoped3A = tpu.sem_alloc : memref<!tpu.dma_semaphore, #tpu.memory_space<semaphore_mem>>
      %dma_start3A_129 = arith.constant 32 : i32
      %dma_start3A_130 = arith.constant 0 : i32
      %dma_start3A_131 = tpu.memref_slice %arg4[%add3A, %dma_start3A_129, %dma_start3A_130] : memref<32x80x128xi32, #tpu.memory_space<hbm>> -> memref<1x16x128xi32, #tpu.memory_space<hbm>>
      %dma_start3A_132 = tpu.memref_squeeze %dma_start3A_131 : memref<1x16x128xi32, #tpu.memory_space<hbm>> -> memref<16x128xi32, #tpu.memory_space<hbm>>
      %dma_start3A_133 = arith.constant 32 : i32
      %dma_start3A_134 = arith.constant 0 : i32
      %dma_start3A_135 = tpu.memref_slice %arg4[%add3A, %dma_start3A_133, %dma_start3A_134] : memref<32x80x128xi32, #tpu.memory_space<hbm>> -> memref<1x16x128xi32, #tpu.memory_space<hbm>>
      %dma_start3A_136 = tpu.memref_squeeze %dma_start3A_135 : memref<1x16x128xi32, #tpu.memory_space<hbm>> -> memref<16x128xi32, #tpu.memory_space<hbm>>
      tpu.enqueue_dma source(%dma_start3A_136 : memref<16x128xi32, #tpu.memory_space<hbm>>) target(%arg7 : memref<16x128xi32, #tpu.memory_space<vmem>>) target_semaphore(%run_scoped3A : memref<!tpu.dma_semaphore, #tpu.memory_space<semaphore_mem>>)
      %dma_wait3A = arith.constant 32 : i32
      %dma_wait3A_137 = arith.constant 0 : i32
      %dma_wait3A_138 = tpu.memref_slice %arg4[%add3A, %dma_wait3A, %dma_wait3A_137] : memref<32x80x128xi32, #tpu.memory_space<hbm>> -> memref<1x16x128xi32, #tpu.memory_space<hbm>>
      %dma_wait3A_139 = tpu.memref_squeeze %dma_wait3A_138 : memref<1x16x128xi32, #tpu.memory_space<hbm>> -> memref<16x128xi32, #tpu.memory_space<hbm>>
      %dma_wait3A_140 = arith.constant 32 : i32
      %dma_wait3A_141 = arith.constant 0 : i32
      %dma_wait3A_142 = tpu.memref_slice %arg4[%add3A, %dma_wait3A_140, %dma_wait3A_141] : memref<32x80x128xi32, #tpu.memory_space<hbm>> -> memref<1x16x128xi32, #tpu.memory_space<hbm>>
      %dma_wait3A_143 = tpu.memref_squeeze %dma_wait3A_142 : memref<1x16x128xi32, #tpu.memory_space<hbm>> -> memref<16x128xi32, #tpu.memory_space<hbm>>
      tpu.wait_dma2 semaphore(%run_scoped3A : memref<!tpu.dma_semaphore, #tpu.memory_space<semaphore_mem>>) src(%dma_wait3A_143 : memref<16x128xi32, #tpu.memory_space<hbm>>) dst(%arg7 : memref<16x128xi32, #tpu.memory_space<vmem>>)
      tpu.yield
    }) : () -> ()
    %dma_start3A_58 = arith.constant 0 : i32
    %dma_start3A_59 = arith.constant 0 : i32
    %dma_start3A_60 = tpu.memref_slice %arg6[%dma_start3A_58, %dma_start3A_59] : memref<16x128xi32, #tpu.memory_space<vmem>> -> memref<1x128xi32, #tpu.memory_space<vmem>>
    %dma_start3A_61 = tpu.memref_squeeze %dma_start3A_60 : memref<1x128xi32, #tpu.memory_space<vmem>> -> memref<128xi32, #tpu.memory_space<vmem>>
    %dma_start3A_62 = arith.constant 0 : i32
    %dma_start3A_63 = arith.constant 0 : i32
    %dma_start3A_64 = tpu.memref_slice %arg2[%dma_start3A_62, %dma_start3A_63] : memref<10240x128xf32, #tpu.memory_space<hbm>> -> memref<10240x128xf32, #tpu.memory_space<hbm>>
    tpu.enqueue_indirect_dma source(%dma_start3A_64 : memref<10240x128xf32, #tpu.memory_space<hbm>>) target(%arg8 : memref<128x128xf32, #tpu.memory_space<vmem>>) offsets(%dma_start3A_61 : memref<128xi32, #tpu.memory_space<vmem>>) semaphore(%arg10 : memref<!tpu.dma_semaphore, #tpu.memory_space<semaphore_mem>>)
    %dma_start3A_65 = arith.constant 1 : i32
    %dma_start3A_66 = arith.constant 0 : i32
    %dma_start3A_67 = tpu.memref_slice %arg6[%dma_start3A_65, %dma_start3A_66] : memref<16x128xi32, #tpu.memory_space<vmem>> -> memref<1x128xi32, #tpu.memory_space<vmem>>
    %dma_start3A_68 = tpu.memref_squeeze %dma_start3A_67 : memref<1x128xi32, #tpu.memory_space<vmem>> -> memref<128xi32, #tpu.memory_space<vmem>>
    %dma_start3A_69 = arith.constant 0 : i32
    %dma_start3A_70 = arith.constant 0 : i32
    %dma_start3A_71 = tpu.memref_slice %arg2[%dma_start3A_69, %dma_start3A_70] : memref<10240x128xf32, #tpu.memory_space<hbm>> -> memref<10240x128xf32, #tpu.memory_space<hbm>>
    tpu.enqueue_indirect_dma source(%dma_start3A_71 : memref<10240x128xf32, #tpu.memory_space<hbm>>) target(%arg9 : memref<128x128xf32, #tpu.memory_space<vmem>>) offsets(%dma_start3A_68 : memref<128xi32, #tpu.memory_space<vmem>>) semaphore(%arg11 : memref<!tpu.dma_semaphore, #tpu.memory_space<semaphore_mem>>)
    %scan3A_72 = arith.constant 0 : i32
    %scan3A_73 = arith.constant 0 : i32
    %scan3A_74 = arith.constant 8 : i32
    %scan3A_75 = arith.addi %scan3A_73, %scan3A_74 : i32
    %scan3A_76 = arith.constant 1 : i32
    %scan3A_77 = scf.for %scan3A_129 = %scan3A_73 to %scan3A_75 step %scan3A_76 iter_args(%scan3A_130 = %scan3A_72) -> (i32)  : i32 {
      %mul3A_131 = arith.constant 2 : i32
      %mul3A_132 = arith.muli %scan3A_129, %mul3A_131 : i32
      %add3A_133 = arith.constant 0 : i32
      %add3A_134 = arith.addi %mul3A_132, %add3A_133 : i32
      %dma_wait3A = arith.constant 0 : i32
      %dma_wait3A_135 = tpu.memref_slice %arg6[%add3A_134, %dma_wait3A] : memref<16x128xi32, #tpu.memory_space<vmem>> -> memref<1x128xi32, #tpu.memory_space<vmem>>
      %dma_wait3A_136 = tpu.memref_squeeze %dma_wait3A_135 : memref<1x128xi32, #tpu.memory_space<vmem>> -> memref<128xi32, #tpu.memory_space<vmem>>
      %dma_wait3A_137 = arith.constant 0 : i32
      %dma_wait3A_138 = arith.constant 0 : i32
      %dma_wait3A_139 = tpu.memref_slice %arg2[%dma_wait3A_137, %dma_wait3A_138] : memref<10240x128xf32, #tpu.memory_space<hbm>> -> memref<10240x128xf32, #tpu.memory_space<hbm>>
      tpu.wait_indirect_dma semaphore(%arg10 : memref<!tpu.dma_semaphore, #tpu.memory_space<semaphore_mem>>) src(%dma_wait3A_139 : memref<10240x128xf32, #tpu.memory_space<hbm>>) dst(%arg8 : memref<128x128xf32, #tpu.memory_space<vmem>>)
      "tpu.region"() ({
        %run_scoped3A = tpu.sem_alloc : memref<!tpu.dma_semaphore, #tpu.memory_space<semaphore_mem>>
        %dma_start3A_162 = arith.constant 0 : i32
        %dma_start3A_163 = tpu.memref_slice %arg7[%add3A_134, %dma_start3A_162] : memref<16x128xi32, #tpu.memory_space<vmem>> -> memref<1x128xi32, #tpu.memory_space<vmem>>
        %dma_start3A_164 = tpu.memref_squeeze %dma_start3A_163 : memref<1x128xi32, #tpu.memory_space<vmem>> -> memref<128xi32, #tpu.memory_space<vmem>>
        %dma_start3A_165 = arith.constant 0 : i32
        %dma_start3A_166 = arith.constant 0 : i32
        %dma_start3A_167 = tpu.memref_slice %arg12[%dma_start3A_165, %dma_start3A_166] : memref<10240x128xf32, #tpu.memory_space<vmem_shared>> -> memref<10240x128xf32, #tpu.memory_space<vmem_shared>>
        tpu.enqueue_indirect_dma source(%arg8 : memref<128x128xf32, #tpu.memory_space<vmem>>) target(%dma_start3A_167 : memref<10240x128xf32, #tpu.memory_space<vmem_shared>>) offsets(%dma_start3A_164 : memref<128xi32, #tpu.memory_space<vmem>>) semaphore(%run_scoped3A : memref<!tpu.dma_semaphore, #tpu.memory_space<semaphore_mem>>) {add = true}
        %dma_wait3A_168 = arith.constant 0 : i32
        %dma_wait3A_169 = tpu.memref_slice %arg7[%add3A_134, %dma_wait3A_168] : memref<16x128xi32, #tpu.memory_space<vmem>> -> memref<1x128xi32, #tpu.memory_space<vmem>>
        %dma_wait3A_170 = tpu.memref_squeeze %dma_wait3A_169 : memref<1x128xi32, #tpu.memory_space<vmem>> -> memref<128xi32, #tpu.memory_space<vmem>>
        %dma_wait3A_171 = arith.constant 0 : i32
        %dma_wait3A_172 = arith.constant 0 : i32
        %dma_wait3A_173 = tpu.memref_slice %arg12[%dma_wait3A_171, %dma_wait3A_172] : memref<10240x128xf32, #tpu.memory_space<vmem_shared>> -> memref<10240x128xf32, #tpu.memory_space<vmem_shared>>
        tpu.wait_indirect_dma semaphore(%run_scoped3A : memref<!tpu.dma_semaphore, #tpu.memory_space<semaphore_mem>>) src(%arg8 : memref<128x128xf32, #tpu.memory_space<vmem>>) dst(%dma_wait3A_173 : memref<10240x128xf32, #tpu.memory_space<vmem_shared>>)
        tpu.yield
      }) : () -> ()
      %add3A_140 = arith.constant 2 : i32
      %add3A_141 = arith.addi %add3A_134, %add3A_140 : i32
      %lt3A = arith.constant 16 : i32
      %lt3A_142 = arith.cmpi slt, %add3A_141, %lt3A : i32
      %convert_element_type3A = arith.extui %lt3A_142 : i1 to i32
      %cond3A = arith.constant 0 : i32
      %cond3A_143 = arith.cmpi ne, %convert_element_type3A, %cond3A : i32
      scf.if %cond3A_143 {
        %add3A_162 = arith.constant 2 : i32
        %add3A_163 = arith.addi %add3A_134, %add3A_162 : i32
        %dma_start3A_164 = arith.constant 0 : i32
        %dma_start3A_165 = tpu.memref_slice %arg6[%add3A_163, %dma_start3A_164] : memref<16x128xi32, #tpu.memory_space<vmem>> -> memref<1x128xi32, #tpu.memory_space<vmem>>
        %dma_start3A_166 = tpu.memref_squeeze %dma_start3A_165 : memref<1x128xi32, #tpu.memory_space<vmem>> -> memref<128xi32, #tpu.memory_space<vmem>>
        %dma_start3A_167 = arith.constant 0 : i32
        %dma_start3A_168 = arith.constant 0 : i32
        %dma_start3A_169 = tpu.memref_slice %arg2[%dma_start3A_167, %dma_start3A_168] : memref<10240x128xf32, #tpu.memory_space<hbm>> -> memref<10240x128xf32, #tpu.memory_space<hbm>>
        tpu.enqueue_indirect_dma source(%dma_start3A_169 : memref<10240x128xf32, #tpu.memory_space<hbm>>) target(%arg8 : memref<128x128xf32, #tpu.memory_space<vmem>>) offsets(%dma_start3A_166 : memref<128xi32, #tpu.memory_space<vmem>>) semaphore(%arg10 : memref<!tpu.dma_semaphore, #tpu.memory_space<semaphore_mem>>)
      } else {
      }
      %mul3A_144 = arith.constant 2 : i32
      %mul3A_145 = arith.muli %scan3A_129, %mul3A_144 : i32
      %add3A_146 = arith.constant 1 : i32
      %add3A_147 = arith.addi %mul3A_145, %add3A_146 : i32
      %dma_wait3A_148 = arith.constant 0 : i32
      %dma_wait3A_149 = tpu.memref_slice %arg6[%add3A_147, %dma_wait3A_148] : memref<16x128xi32, #tpu.memory_space<vmem>> -> memref<1x128xi32, #tpu.memory_space<vmem>>
      %dma_wait3A_150 = tpu.memref_squeeze %dma_wait3A_149 : memref<1x128xi32, #tpu.memory_space<vmem>> -> memref<128xi32, #tpu.memory_space<vmem>>
      %dma_wait3A_151 = arith.constant 0 : i32
      %dma_wait3A_152 = arith.constant 0 : i32
      %dma_wait3A_153 = tpu.memref_slice %arg2[%dma_wait3A_151, %dma_wait3A_152] : memref<10240x128xf32, #tpu.memory_space<hbm>> -> memref<10240x128xf32, #tpu.memory_space<hbm>>
      tpu.wait_indirect_dma semaphore(%arg11 : memref<!tpu.dma_semaphore, #tpu.memory_space<semaphore_mem>>) src(%dma_wait3A_153 : memref<10240x128xf32, #tpu.memory_space<hbm>>) dst(%arg9 : memref<128x128xf32, #tpu.memory_space<vmem>>)
      "tpu.region"() ({
        %run_scoped3A = tpu.sem_alloc : memref<!tpu.dma_semaphore, #tpu.memory_space<semaphore_mem>>
        %dma_start3A_162 = arith.constant 0 : i32
        %dma_start3A_163 = tpu.memref_slice %arg7[%add3A_147, %dma_start3A_162] : memref<16x128xi32, #tpu.memory_space<vmem>> -> memref<1x128xi32, #tpu.memory_space<vmem>>
        %dma_start3A_164 = tpu.memref_squeeze %dma_start3A_163 : memref<1x128xi32, #tpu.memory_space<vmem>> -> memref<128xi32, #tpu.memory_space<vmem>>
        %dma_start3A_165 = arith.constant 0 : i32
        %dma_start3A_166 = arith.constant 0 : i32
        %dma_start3A_167 = tpu.memref_slice %arg12[%dma_start3A_165, %dma_start3A_166] : memref<10240x128xf32, #tpu.memory_space<vmem_shared>> -> memref<10240x128xf32, #tpu.memory_space<vmem_shared>>
        tpu.enqueue_indirect_dma source(%arg9 : memref<128x128xf32, #tpu.memory_space<vmem>>) target(%dma_start3A_167 : memref<10240x128xf32, #tpu.memory_space<vmem_shared>>) offsets(%dma_start3A_164 : memref<128xi32, #tpu.memory_space<vmem>>) semaphore(%run_scoped3A : memref<!tpu.dma_semaphore, #tpu.memory_space<semaphore_mem>>) {add = true}
        %dma_wait3A_168 = arith.constant 0 : i32
        %dma_wait3A_169 = tpu.memref_slice %arg7[%add3A_147, %dma_wait3A_168] : memref<16x128xi32, #tpu.memory_space<vmem>> -> memref<1x128xi32, #tpu.memory_space<vmem>>
        %dma_wait3A_170 = tpu.memref_squeeze %dma_wait3A_169 : memref<1x128xi32, #tpu.memory_space<vmem>> -> memref<128xi32, #tpu.memory_space<vmem>>
        %dma_wait3A_171 = arith.constant 0 : i32
        %dma_wait3A_172 = arith.constant 0 : i32
        %dma_wait3A_173 = tpu.memref_slice %arg12[%dma_wait3A_171, %dma_wait3A_172] : memref<10240x128xf32, #tpu.memory_space<vmem_shared>> -> memref<10240x128xf32, #tpu.memory_space<vmem_shared>>
        tpu.wait_indirect_dma semaphore(%run_scoped3A : memref<!tpu.dma_semaphore, #tpu.memory_space<semaphore_mem>>) src(%arg9 : memref<128x128xf32, #tpu.memory_space<vmem>>) dst(%dma_wait3A_173 : memref<10240x128xf32, #tpu.memory_space<vmem_shared>>)
        tpu.yield
      }) : () -> ()
      %add3A_154 = arith.constant 2 : i32
      %add3A_155 = arith.addi %add3A_147, %add3A_154 : i32
      %lt3A_156 = arith.constant 16 : i32
      %lt3A_157 = arith.cmpi slt, %add3A_155, %lt3A_156 : i32
      %convert_element_type3A_158 = arith.extui %lt3A_157 : i1 to i32
      %cond3A_159 = arith.constant 0 : i32
      %cond3A_160 = arith.cmpi ne, %convert_element_type3A_158, %cond3A_159 : i32
      scf.if %cond3A_160 {
        %add3A_162 = arith.constant 2 : i32
        %add3A_163 = arith.addi %add3A_147, %add3A_162 : i32
        %dma_start3A_164 = arith.constant 0 : i32
        %dma_start3A_165 = tpu.memref_slice %arg6[%add3A_163, %dma_start3A_164] : memref<16x128xi32, #tpu.memory_space<vmem>> -> memref<1x128xi32, #tpu.memory_space<vmem>>
        %dma_start3A_166 = tpu.memref_squeeze %dma_start3A_165 : memref<1x128xi32, #tpu.memory_space<vmem>> -> memref<128xi32, #tpu.memory_space<vmem>>
        %dma_start3A_167 = arith.constant 0 : i32
        %dma_start3A_168 = arith.constant 0 : i32
        %dma_start3A_169 = tpu.memref_slice %arg2[%dma_start3A_167, %dma_start3A_168] : memref<10240x128xf32, #tpu.memory_space<hbm>> -> memref<10240x128xf32, #tpu.memory_space<hbm>>
        tpu.enqueue_indirect_dma source(%dma_start3A_169 : memref<10240x128xf32, #tpu.memory_space<hbm>>) target(%arg9 : memref<128x128xf32, #tpu.memory_space<vmem>>) offsets(%dma_start3A_166 : memref<128xi32, #tpu.memory_space<vmem>>) semaphore(%arg11 : memref<!tpu.dma_semaphore, #tpu.memory_space<semaphore_mem>>)
      } else {
      }
      %scan3A_161 = arith.constant 0 : i32
      scf.yield %scan3A_161 : i32
    }
    %scan3A_78 = arith.constant 8 : i32
    "tpu.region"() ({
      %run_scoped3A = tpu.sem_alloc : memref<!tpu.dma_semaphore, #tpu.memory_space<semaphore_mem>>
      %dma_start3A_129 = arith.constant 48 : i32
      %dma_start3A_130 = arith.constant 0 : i32
      %dma_start3A_131 = tpu.memref_slice %arg3[%add3A, %dma_start3A_129, %dma_start3A_130] : memref<32x80x128xi32, #tpu.memory_space<hbm>> -> memref<1x16x128xi32, #tpu.memory_space<hbm>>
      %dma_start3A_132 = tpu.memref_squeeze %dma_start3A_131 : memref<1x16x128xi32, #tpu.memory_space<hbm>> -> memref<16x128xi32, #tpu.memory_space<hbm>>
      %dma_start3A_133 = arith.constant 48 : i32
      %dma_start3A_134 = arith.constant 0 : i32
      %dma_start3A_135 = tpu.memref_slice %arg3[%add3A, %dma_start3A_133, %dma_start3A_134] : memref<32x80x128xi32, #tpu.memory_space<hbm>> -> memref<1x16x128xi32, #tpu.memory_space<hbm>>
      %dma_start3A_136 = tpu.memref_squeeze %dma_start3A_135 : memref<1x16x128xi32, #tpu.memory_space<hbm>> -> memref<16x128xi32, #tpu.memory_space<hbm>>
      tpu.enqueue_dma source(%dma_start3A_136 : memref<16x128xi32, #tpu.memory_space<hbm>>) target(%arg6 : memref<16x128xi32, #tpu.memory_space<vmem>>) target_semaphore(%run_scoped3A : memref<!tpu.dma_semaphore, #tpu.memory_space<semaphore_mem>>)
      %dma_wait3A = arith.constant 48 : i32
      %dma_wait3A_137 = arith.constant 0 : i32
      %dma_wait3A_138 = tpu.memref_slice %arg3[%add3A, %dma_wait3A, %dma_wait3A_137] : memref<32x80x128xi32, #tpu.memory_space<hbm>> -> memref<1x16x128xi32, #tpu.memory_space<hbm>>
      %dma_wait3A_139 = tpu.memref_squeeze %dma_wait3A_138 : memref<1x16x128xi32, #tpu.memory_space<hbm>> -> memref<16x128xi32, #tpu.memory_space<hbm>>
      %dma_wait3A_140 = arith.constant 48 : i32
      %dma_wait3A_141 = arith.constant 0 : i32
      %dma_wait3A_142 = tpu.memref_slice %arg3[%add3A, %dma_wait3A_140, %dma_wait3A_141] : memref<32x80x128xi32, #tpu.memory_space<hbm>> -> memref<1x16x128xi32, #tpu.memory_space<hbm>>
      %dma_wait3A_143 = tpu.memref_squeeze %dma_wait3A_142 : memref<1x16x128xi32, #tpu.memory_space<hbm>> -> memref<16x128xi32, #tpu.memory_space<hbm>>
      tpu.wait_dma2 semaphore(%run_scoped3A : memref<!tpu.dma_semaphore, #tpu.memory_space<semaphore_mem>>) src(%dma_wait3A_143 : memref<16x128xi32, #tpu.memory_space<hbm>>) dst(%arg6 : memref<16x128xi32, #tpu.memory_space<vmem>>)
      tpu.yield
    }) : () -> ()
    "tpu.region"() ({
      %run_scoped3A = tpu.sem_alloc : memref<!tpu.dma_semaphore, #tpu.memory_space<semaphore_mem>>
      %dma_start3A_129 = arith.constant 48 : i32
      %dma_start3A_130 = arith.constant 0 : i32
      %dma_start3A_131 = tpu.memref_slice %arg4[%add3A, %dma_start3A_129, %dma_start3A_130] : memref<32x80x128xi32, #tpu.memory_space<hbm>> -> memref<1x16x128xi32, #tpu.memory_space<hbm>>
      %dma_start3A_132 = tpu.memref_squeeze %dma_start3A_131 : memref<1x16x128xi32, #tpu.memory_space<hbm>> -> memref<16x128xi32, #tpu.memory_space<hbm>>
      %dma_start3A_133 = arith.constant 48 : i32
      %dma_start3A_134 = arith.constant 0 : i32
      %dma_start3A_135 = tpu.memref_slice %arg4[%add3A, %dma_start3A_133, %dma_start3A_134] : memref<32x80x128xi32, #tpu.memory_space<hbm>> -> memref<1x16x128xi32, #tpu.memory_space<hbm>>
      %dma_start3A_136 = tpu.memref_squeeze %dma_start3A_135 : memref<1x16x128xi32, #tpu.memory_space<hbm>> -> memref<16x128xi32, #tpu.memory_space<hbm>>
      tpu.enqueue_dma source(%dma_start3A_136 : memref<16x128xi32, #tpu.memory_space<hbm>>) target(%arg7 : memref<16x128xi32, #tpu.memory_space<vmem>>) target_semaphore(%run_scoped3A : memref<!tpu.dma_semaphore, #tpu.memory_space<semaphore_mem>>)
      %dma_wait3A = arith.constant 48 : i32
      %dma_wait3A_137 = arith.constant 0 : i32
      %dma_wait3A_138 = tpu.memref_slice %arg4[%add3A, %dma_wait3A, %dma_wait3A_137] : memref<32x80x128xi32, #tpu.memory_space<hbm>> -> memref<1x16x128xi32, #tpu.memory_space<hbm>>
      %dma_wait3A_139 = tpu.memref_squeeze %dma_wait3A_138 : memref<1x16x128xi32, #tpu.memory_space<hbm>> -> memref<16x128xi32, #tpu.memory_space<hbm>>
      %dma_wait3A_140 = arith.constant 48 : i32
      %dma_wait3A_141 = arith.constant 0 : i32
      %dma_wait3A_142 = tpu.memref_slice %arg4[%add3A, %dma_wait3A_140, %dma_wait3A_141] : memref<32x80x128xi32, #tpu.memory_space<hbm>> -> memref<1x16x128xi32, #tpu.memory_space<hbm>>
      %dma_wait3A_143 = tpu.memref_squeeze %dma_wait3A_142 : memref<1x16x128xi32, #tpu.memory_space<hbm>> -> memref<16x128xi32, #tpu.memory_space<hbm>>
      tpu.wait_dma2 semaphore(%run_scoped3A : memref<!tpu.dma_semaphore, #tpu.memory_space<semaphore_mem>>) src(%dma_wait3A_143 : memref<16x128xi32, #tpu.memory_space<hbm>>) dst(%arg7 : memref<16x128xi32, #tpu.memory_space<vmem>>)
      tpu.yield
    }) : () -> ()
    %dma_start3A_79 = arith.constant 0 : i32
    %dma_start3A_80 = arith.constant 0 : i32
    %dma_start3A_81 = tpu.memref_slice %arg6[%dma_start3A_79, %dma_start3A_80] : memref<16x128xi32, #tpu.memory_space<vmem>> -> memref<1x128xi32, #tpu.memory_space<vmem>>
    %dma_start3A_82 = tpu.memref_squeeze %dma_start3A_81 : memref<1x128xi32, #tpu.memory_space<vmem>> -> memref<128xi32, #tpu.memory_space<vmem>>
    %dma_start3A_83 = arith.constant 0 : i32
    %dma_start3A_84 = arith.constant 0 : i32
    %dma_start3A_85 = tpu.memref_slice %arg2[%dma_start3A_83, %dma_start3A_84] : memref<10240x128xf32, #tpu.memory_space<hbm>> -> memref<10240x128xf32, #tpu.memory_space<hbm>>
    tpu.enqueue_indirect_dma source(%dma_start3A_85 : memref<10240x128xf32, #tpu.memory_space<hbm>>) target(%arg8 : memref<128x128xf32, #tpu.memory_space<vmem>>) offsets(%dma_start3A_82 : memref<128xi32, #tpu.memory_space<vmem>>) semaphore(%arg10 : memref<!tpu.dma_semaphore, #tpu.memory_space<semaphore_mem>>)
    %dma_start3A_86 = arith.constant 1 : i32
    %dma_start3A_87 = arith.constant 0 : i32
    %dma_start3A_88 = tpu.memref_slice %arg6[%dma_start3A_86, %dma_start3A_87] : memref<16x128xi32, #tpu.memory_space<vmem>> -> memref<1x128xi32, #tpu.memory_space<vmem>>
    %dma_start3A_89 = tpu.memref_squeeze %dma_start3A_88 : memref<1x128xi32, #tpu.memory_space<vmem>> -> memref<128xi32, #tpu.memory_space<vmem>>
    %dma_start3A_90 = arith.constant 0 : i32
    %dma_start3A_91 = arith.constant 0 : i32
    %dma_start3A_92 = tpu.memref_slice %arg2[%dma_start3A_90, %dma_start3A_91] : memref<10240x128xf32, #tpu.memory_space<hbm>> -> memref<10240x128xf32, #tpu.memory_space<hbm>>
    tpu.enqueue_indirect_dma source(%dma_start3A_92 : memref<10240x128xf32, #tpu.memory_space<hbm>>) target(%arg9 : memref<128x128xf32, #tpu.memory_space<vmem>>) offsets(%dma_start3A_89 : memref<128xi32, #tpu.memory_space<vmem>>) semaphore(%arg11 : memref<!tpu.dma_semaphore, #tpu.memory_space<semaphore_mem>>)
    %scan3A_93 = arith.constant 0 : i32
    %scan3A_94 = arith.constant 0 : i32
    %scan3A_95 = arith.constant 8 : i32
    %scan3A_96 = arith.addi %scan3A_94, %scan3A_95 : i32
    %scan3A_97 = arith.constant 1 : i32
    %scan3A_98 = scf.for %scan3A_129 = %scan3A_94 to %scan3A_96 step %scan3A_97 iter_args(%scan3A_130 = %scan3A_93) -> (i32)  : i32 {
      %mul3A_131 = arith.constant 2 : i32
      %mul3A_132 = arith.muli %scan3A_129, %mul3A_131 : i32
      %add3A_133 = arith.constant 0 : i32
      %add3A_134 = arith.addi %mul3A_132, %add3A_133 : i32
      %dma_wait3A = arith.constant 0 : i32
      %dma_wait3A_135 = tpu.memref_slice %arg6[%add3A_134, %dma_wait3A] : memref<16x128xi32, #tpu.memory_space<vmem>> -> memref<1x128xi32, #tpu.memory_space<vmem>>
      %dma_wait3A_136 = tpu.memref_squeeze %dma_wait3A_135 : memref<1x128xi32, #tpu.memory_space<vmem>> -> memref<128xi32, #tpu.memory_space<vmem>>
      %dma_wait3A_137 = arith.constant 0 : i32
      %dma_wait3A_138 = arith.constant 0 : i32
      %dma_wait3A_139 = tpu.memref_slice %arg2[%dma_wait3A_137, %dma_wait3A_138] : memref<10240x128xf32, #tpu.memory_space<hbm>> -> memref<10240x128xf32, #tpu.memory_space<hbm>>
      tpu.wait_indirect_dma semaphore(%arg10 : memref<!tpu.dma_semaphore, #tpu.memory_space<semaphore_mem>>) src(%dma_wait3A_139 : memref<10240x128xf32, #tpu.memory_space<hbm>>) dst(%arg8 : memref<128x128xf32, #tpu.memory_space<vmem>>)
      "tpu.region"() ({
        %run_scoped3A = tpu.sem_alloc : memref<!tpu.dma_semaphore, #tpu.memory_space<semaphore_mem>>
        %dma_start3A_162 = arith.constant 0 : i32
        %dma_start3A_163 = tpu.memref_slice %arg7[%add3A_134, %dma_start3A_162] : memref<16x128xi32, #tpu.memory_space<vmem>> -> memref<1x128xi32, #tpu.memory_space<vmem>>
        %dma_start3A_164 = tpu.memref_squeeze %dma_start3A_163 : memref<1x128xi32, #tpu.memory_space<vmem>> -> memref<128xi32, #tpu.memory_space<vmem>>
        %dma_start3A_165 = arith.constant 0 : i32
        %dma_start3A_166 = arith.constant 0 : i32
        %dma_start3A_167 = tpu.memref_slice %arg12[%dma_start3A_165, %dma_start3A_166] : memref<10240x128xf32, #tpu.memory_space<vmem_shared>> -> memref<10240x128xf32, #tpu.memory_space<vmem_shared>>
        tpu.enqueue_indirect_dma source(%arg8 : memref<128x128xf32, #tpu.memory_space<vmem>>) target(%dma_start3A_167 : memref<10240x128xf32, #tpu.memory_space<vmem_shared>>) offsets(%dma_start3A_164 : memref<128xi32, #tpu.memory_space<vmem>>) semaphore(%run_scoped3A : memref<!tpu.dma_semaphore, #tpu.memory_space<semaphore_mem>>) {add = true}
        %dma_wait3A_168 = arith.constant 0 : i32
        %dma_wait3A_169 = tpu.memref_slice %arg7[%add3A_134, %dma_wait3A_168] : memref<16x128xi32, #tpu.memory_space<vmem>> -> memref<1x128xi32, #tpu.memory_space<vmem>>
        %dma_wait3A_170 = tpu.memref_squeeze %dma_wait3A_169 : memref<1x128xi32, #tpu.memory_space<vmem>> -> memref<128xi32, #tpu.memory_space<vmem>>
        %dma_wait3A_171 = arith.constant 0 : i32
        %dma_wait3A_172 = arith.constant 0 : i32
        %dma_wait3A_173 = tpu.memref_slice %arg12[%dma_wait3A_171, %dma_wait3A_172] : memref<10240x128xf32, #tpu.memory_space<vmem_shared>> -> memref<10240x128xf32, #tpu.memory_space<vmem_shared>>
        tpu.wait_indirect_dma semaphore(%run_scoped3A : memref<!tpu.dma_semaphore, #tpu.memory_space<semaphore_mem>>) src(%arg8 : memref<128x128xf32, #tpu.memory_space<vmem>>) dst(%dma_wait3A_173 : memref<10240x128xf32, #tpu.memory_space<vmem_shared>>)
        tpu.yield
      }) : () -> ()
      %add3A_140 = arith.constant 2 : i32
      %add3A_141 = arith.addi %add3A_134, %add3A_140 : i32
      %lt3A = arith.constant 16 : i32
      %lt3A_142 = arith.cmpi slt, %add3A_141, %lt3A : i32
      %convert_element_type3A = arith.extui %lt3A_142 : i1 to i32
      %cond3A = arith.constant 0 : i32
      %cond3A_143 = arith.cmpi ne, %convert_element_type3A, %cond3A : i32
      scf.if %cond3A_143 {
        %add3A_162 = arith.constant 2 : i32
        %add3A_163 = arith.addi %add3A_134, %add3A_162 : i32
        %dma_start3A_164 = arith.constant 0 : i32
        %dma_start3A_165 = tpu.memref_slice %arg6[%add3A_163, %dma_start3A_164] : memref<16x128xi32, #tpu.memory_space<vmem>> -> memref<1x128xi32, #tpu.memory_space<vmem>>
        %dma_start3A_166 = tpu.memref_squeeze %dma_start3A_165 : memref<1x128xi32, #tpu.memory_space<vmem>> -> memref<128xi32, #tpu.memory_space<vmem>>
        %dma_start3A_167 = arith.constant 0 : i32
        %dma_start3A_168 = arith.constant 0 : i32
        %dma_start3A_169 = tpu.memref_slice %arg2[%dma_start3A_167, %dma_start3A_168] : memref<10240x128xf32, #tpu.memory_space<hbm>> -> memref<10240x128xf32, #tpu.memory_space<hbm>>
        tpu.enqueue_indirect_dma source(%dma_start3A_169 : memref<10240x128xf32, #tpu.memory_space<hbm>>) target(%arg8 : memref<128x128xf32, #tpu.memory_space<vmem>>) offsets(%dma_start3A_166 : memref<128xi32, #tpu.memory_space<vmem>>) semaphore(%arg10 : memref<!tpu.dma_semaphore, #tpu.memory_space<semaphore_mem>>)
      } else {
      }
      %mul3A_144 = arith.constant 2 : i32
      %mul3A_145 = arith.muli %scan3A_129, %mul3A_144 : i32
      %add3A_146 = arith.constant 1 : i32
      %add3A_147 = arith.addi %mul3A_145, %add3A_146 : i32
      %dma_wait3A_148 = arith.constant 0 : i32
      %dma_wait3A_149 = tpu.memref_slice %arg6[%add3A_147, %dma_wait3A_148] : memref<16x128xi32, #tpu.memory_space<vmem>> -> memref<1x128xi32, #tpu.memory_space<vmem>>
      %dma_wait3A_150 = tpu.memref_squeeze %dma_wait3A_149 : memref<1x128xi32, #tpu.memory_space<vmem>> -> memref<128xi32, #tpu.memory_space<vmem>>
      %dma_wait3A_151 = arith.constant 0 : i32
      %dma_wait3A_152 = arith.constant 0 : i32
      %dma_wait3A_153 = tpu.memref_slice %arg2[%dma_wait3A_151, %dma_wait3A_152] : memref<10240x128xf32, #tpu.memory_space<hbm>> -> memref<10240x128xf32, #tpu.memory_space<hbm>>
      tpu.wait_indirect_dma semaphore(%arg11 : memref<!tpu.dma_semaphore, #tpu.memory_space<semaphore_mem>>) src(%dma_wait3A_153 : memref<10240x128xf32, #tpu.memory_space<hbm>>) dst(%arg9 : memref<128x128xf32, #tpu.memory_space<vmem>>)
      "tpu.region"() ({
        %run_scoped3A = tpu.sem_alloc : memref<!tpu.dma_semaphore, #tpu.memory_space<semaphore_mem>>
        %dma_start3A_162 = arith.constant 0 : i32
        %dma_start3A_163 = tpu.memref_slice %arg7[%add3A_147, %dma_start3A_162] : memref<16x128xi32, #tpu.memory_space<vmem>> -> memref<1x128xi32, #tpu.memory_space<vmem>>
        %dma_start3A_164 = tpu.memref_squeeze %dma_start3A_163 : memref<1x128xi32, #tpu.memory_space<vmem>> -> memref<128xi32, #tpu.memory_space<vmem>>
        %dma_start3A_165 = arith.constant 0 : i32
        %dma_start3A_166 = arith.constant 0 : i32
        %dma_start3A_167 = tpu.memref_slice %arg12[%dma_start3A_165, %dma_start3A_166] : memref<10240x128xf32, #tpu.memory_space<vmem_shared>> -> memref<10240x128xf32, #tpu.memory_space<vmem_shared>>
        tpu.enqueue_indirect_dma source(%arg9 : memref<128x128xf32, #tpu.memory_space<vmem>>) target(%dma_start3A_167 : memref<10240x128xf32, #tpu.memory_space<vmem_shared>>) offsets(%dma_start3A_164 : memref<128xi32, #tpu.memory_space<vmem>>) semaphore(%run_scoped3A : memref<!tpu.dma_semaphore, #tpu.memory_space<semaphore_mem>>) {add = true}
        %dma_wait3A_168 = arith.constant 0 : i32
        %dma_wait3A_169 = tpu.memref_slice %arg7[%add3A_147, %dma_wait3A_168] : memref<16x128xi32, #tpu.memory_space<vmem>> -> memref<1x128xi32, #tpu.memory_space<vmem>>
        %dma_wait3A_170 = tpu.memref_squeeze %dma_wait3A_169 : memref<1x128xi32, #tpu.memory_space<vmem>> -> memref<128xi32, #tpu.memory_space<vmem>>
        %dma_wait3A_171 = arith.constant 0 : i32
        %dma_wait3A_172 = arith.constant 0 : i32
        %dma_wait3A_173 = tpu.memref_slice %arg12[%dma_wait3A_171, %dma_wait3A_172] : memref<10240x128xf32, #tpu.memory_space<vmem_shared>> -> memref<10240x128xf32, #tpu.memory_space<vmem_shared>>
        tpu.wait_indirect_dma semaphore(%run_scoped3A : memref<!tpu.dma_semaphore, #tpu.memory_space<semaphore_mem>>) src(%arg9 : memref<128x128xf32, #tpu.memory_space<vmem>>) dst(%dma_wait3A_173 : memref<10240x128xf32, #tpu.memory_space<vmem_shared>>)
        tpu.yield
      }) : () -> ()
      %add3A_154 = arith.constant 2 : i32
      %add3A_155 = arith.addi %add3A_147, %add3A_154 : i32
      %lt3A_156 = arith.constant 16 : i32
      %lt3A_157 = arith.cmpi slt, %add3A_155, %lt3A_156 : i32
      %convert_element_type3A_158 = arith.extui %lt3A_157 : i1 to i32
      %cond3A_159 = arith.constant 0 : i32
      %cond3A_160 = arith.cmpi ne, %convert_element_type3A_158, %cond3A_159 : i32
      scf.if %cond3A_160 {
        %add3A_162 = arith.constant 2 : i32
        %add3A_163 = arith.addi %add3A_147, %add3A_162 : i32
        %dma_start3A_164 = arith.constant 0 : i32
        %dma_start3A_165 = tpu.memref_slice %arg6[%add3A_163, %dma_start3A_164] : memref<16x128xi32, #tpu.memory_space<vmem>> -> memref<1x128xi32, #tpu.memory_space<vmem>>
        %dma_start3A_166 = tpu.memref_squeeze %dma_start3A_165 : memref<1x128xi32, #tpu.memory_space<vmem>> -> memref<128xi32, #tpu.memory_space<vmem>>
        %dma_start3A_167 = arith.constant 0 : i32
        %dma_start3A_168 = arith.constant 0 : i32
        %dma_start3A_169 = tpu.memref_slice %arg2[%dma_start3A_167, %dma_start3A_168] : memref<10240x128xf32, #tpu.memory_space<hbm>> -> memref<10240x128xf32, #tpu.memory_space<hbm>>
        tpu.enqueue_indirect_dma source(%dma_start3A_169 : memref<10240x128xf32, #tpu.memory_space<hbm>>) target(%arg9 : memref<128x128xf32, #tpu.memory_space<vmem>>) offsets(%dma_start3A_166 : memref<128xi32, #tpu.memory_space<vmem>>) semaphore(%arg11 : memref<!tpu.dma_semaphore, #tpu.memory_space<semaphore_mem>>)
      } else {
      }
      %scan3A_161 = arith.constant 0 : i32
      scf.yield %scan3A_161 : i32
    }
    %scan3A_99 = arith.constant 8 : i32
    "tpu.region"() ({
      %run_scoped3A = tpu.sem_alloc : memref<!tpu.dma_semaphore, #tpu.memory_space<semaphore_mem>>
      %dma_start3A_129 = arith.constant 64 : i32
      %dma_start3A_130 = arith.constant 0 : i32
      %dma_start3A_131 = tpu.memref_slice %arg3[%add3A, %dma_start3A_129, %dma_start3A_130] : memref<32x80x128xi32, #tpu.memory_space<hbm>> -> memref<1x16x128xi32, #tpu.memory_space<hbm>>
      %dma_start3A_132 = tpu.memref_squeeze %dma_start3A_131 : memref<1x16x128xi32, #tpu.memory_space<hbm>> -> memref<16x128xi32, #tpu.memory_space<hbm>>
      %dma_start3A_133 = arith.constant 64 : i32
      %dma_start3A_134 = arith.constant 0 : i32
      %dma_start3A_135 = tpu.memref_slice %arg3[%add3A, %dma_start3A_133, %dma_start3A_134] : memref<32x80x128xi32, #tpu.memory_space<hbm>> -> memref<1x16x128xi32, #tpu.memory_space<hbm>>
      %dma_start3A_136 = tpu.memref_squeeze %dma_start3A_135 : memref<1x16x128xi32, #tpu.memory_space<hbm>> -> memref<16x128xi32, #tpu.memory_space<hbm>>
      tpu.enqueue_dma source(%dma_start3A_136 : memref<16x128xi32, #tpu.memory_space<hbm>>) target(%arg6 : memref<16x128xi32, #tpu.memory_space<vmem>>) target_semaphore(%run_scoped3A : memref<!tpu.dma_semaphore, #tpu.memory_space<semaphore_mem>>)
      %dma_wait3A = arith.constant 64 : i32
      %dma_wait3A_137 = arith.constant 0 : i32
      %dma_wait3A_138 = tpu.memref_slice %arg3[%add3A, %dma_wait3A, %dma_wait3A_137] : memref<32x80x128xi32, #tpu.memory_space<hbm>> -> memref<1x16x128xi32, #tpu.memory_space<hbm>>
      %dma_wait3A_139 = tpu.memref_squeeze %dma_wait3A_138 : memref<1x16x128xi32, #tpu.memory_space<hbm>> -> memref<16x128xi32, #tpu.memory_space<hbm>>
      %dma_wait3A_140 = arith.constant 64 : i32
      %dma_wait3A_141 = arith.constant 0 : i32
      %dma_wait3A_142 = tpu.memref_slice %arg3[%add3A, %dma_wait3A_140, %dma_wait3A_141] : memref<32x80x128xi32, #tpu.memory_space<hbm>> -> memref<1x16x128xi32, #tpu.memory_space<hbm>>
      %dma_wait3A_143 = tpu.memref_squeeze %dma_wait3A_142 : memref<1x16x128xi32, #tpu.memory_space<hbm>> -> memref<16x128xi32, #tpu.memory_space<hbm>>
      tpu.wait_dma2 semaphore(%run_scoped3A : memref<!tpu.dma_semaphore, #tpu.memory_space<semaphore_mem>>) src(%dma_wait3A_143 : memref<16x128xi32, #tpu.memory_space<hbm>>) dst(%arg6 : memref<16x128xi32, #tpu.memory_space<vmem>>)
      tpu.yield
    }) : () -> ()
    "tpu.region"() ({
      %run_scoped3A = tpu.sem_alloc : memref<!tpu.dma_semaphore, #tpu.memory_space<semaphore_mem>>
      %dma_start3A_129 = arith.constant 64 : i32
      %dma_start3A_130 = arith.constant 0 : i32
      %dma_start3A_131 = tpu.memref_slice %arg4[%add3A, %dma_start3A_129, %dma_start3A_130] : memref<32x80x128xi32, #tpu.memory_space<hbm>> -> memref<1x16x128xi32, #tpu.memory_space<hbm>>
      %dma_start3A_132 = tpu.memref_squeeze %dma_start3A_131 : memref<1x16x128xi32, #tpu.memory_space<hbm>> -> memref<16x128xi32, #tpu.memory_space<hbm>>
      %dma_start3A_133 = arith.constant 64 : i32
      %dma_start3A_134 = arith.constant 0 : i32
      %dma_start3A_135 = tpu.memref_slice %arg4[%add3A, %dma_start3A_133, %dma_start3A_134] : memref<32x80x128xi32, #tpu.memory_space<hbm>> -> memref<1x16x128xi32, #tpu.memory_space<hbm>>
      %dma_start3A_136 = tpu.memref_squeeze %dma_start3A_135 : memref<1x16x128xi32, #tpu.memory_space<hbm>> -> memref<16x128xi32, #tpu.memory_space<hbm>>
      tpu.enqueue_dma source(%dma_start3A_136 : memref<16x128xi32, #tpu.memory_space<hbm>>) target(%arg7 : memref<16x128xi32, #tpu.memory_space<vmem>>) target_semaphore(%run_scoped3A : memref<!tpu.dma_semaphore, #tpu.memory_space<semaphore_mem>>)
      %dma_wait3A = arith.constant 64 : i32
      %dma_wait3A_137 = arith.constant 0 : i32
      %dma_wait3A_138 = tpu.memref_slice %arg4[%add3A, %dma_wait3A, %dma_wait3A_137] : memref<32x80x128xi32, #tpu.memory_space<hbm>> -> memref<1x16x128xi32, #tpu.memory_space<hbm>>
      %dma_wait3A_139 = tpu.memref_squeeze %dma_wait3A_138 : memref<1x16x128xi32, #tpu.memory_space<hbm>> -> memref<16x128xi32, #tpu.memory_space<hbm>>
      %dma_wait3A_140 = arith.constant 64 : i32
      %dma_wait3A_141 = arith.constant 0 : i32
      %dma_wait3A_142 = tpu.memref_slice %arg4[%add3A, %dma_wait3A_140, %dma_wait3A_141] : memref<32x80x128xi32, #tpu.memory_space<hbm>> -> memref<1x16x128xi32, #tpu.memory_space<hbm>>
      %dma_wait3A_143 = tpu.memref_squeeze %dma_wait3A_142 : memref<1x16x128xi32, #tpu.memory_space<hbm>> -> memref<16x128xi32, #tpu.memory_space<hbm>>
      tpu.wait_dma2 semaphore(%run_scoped3A : memref<!tpu.dma_semaphore, #tpu.memory_space<semaphore_mem>>) src(%dma_wait3A_143 : memref<16x128xi32, #tpu.memory_space<hbm>>) dst(%arg7 : memref<16x128xi32, #tpu.memory_space<vmem>>)
      tpu.yield
    }) : () -> ()
    %dma_start3A_100 = arith.constant 0 : i32
    %dma_start3A_101 = arith.constant 0 : i32
    %dma_start3A_102 = tpu.memref_slice %arg6[%dma_start3A_100, %dma_start3A_101] : memref<16x128xi32, #tpu.memory_space<vmem>> -> memref<1x128xi32, #tpu.memory_space<vmem>>
    %dma_start3A_103 = tpu.memref_squeeze %dma_start3A_102 : memref<1x128xi32, #tpu.memory_space<vmem>> -> memref<128xi32, #tpu.memory_space<vmem>>
    %dma_start3A_104 = arith.constant 0 : i32
    %dma_start3A_105 = arith.constant 0 : i32
    %dma_start3A_106 = tpu.memref_slice %arg2[%dma_start3A_104, %dma_start3A_105] : memref<10240x128xf32, #tpu.memory_space<hbm>> -> memref<10240x128xf32, #tpu.memory_space<hbm>>
    tpu.enqueue_indirect_dma source(%dma_start3A_106 : memref<10240x128xf32, #tpu.memory_space<hbm>>) target(%arg8 : memref<128x128xf32, #tpu.memory_space<vmem>>) offsets(%dma_start3A_103 : memref<128xi32, #tpu.memory_space<vmem>>) semaphore(%arg10 : memref<!tpu.dma_semaphore, #tpu.memory_space<semaphore_mem>>)
    %dma_start3A_107 = arith.constant 1 : i32
    %dma_start3A_108 = arith.constant 0 : i32
    %dma_start3A_109 = tpu.memref_slice %arg6[%dma_start3A_107, %dma_start3A_108] : memref<16x128xi32, #tpu.memory_space<vmem>> -> memref<1x128xi32, #tpu.memory_space<vmem>>
    %dma_start3A_110 = tpu.memref_squeeze %dma_start3A_109 : memref<1x128xi32, #tpu.memory_space<vmem>> -> memref<128xi32, #tpu.memory_space<vmem>>
    %dma_start3A_111 = arith.constant 0 : i32
    %dma_start3A_112 = arith.constant 0 : i32
    %dma_start3A_113 = tpu.memref_slice %arg2[%dma_start3A_111, %dma_start3A_112] : memref<10240x128xf32, #tpu.memory_space<hbm>> -> memref<10240x128xf32, #tpu.memory_space<hbm>>
    tpu.enqueue_indirect_dma source(%dma_start3A_113 : memref<10240x128xf32, #tpu.memory_space<hbm>>) target(%arg9 : memref<128x128xf32, #tpu.memory_space<vmem>>) offsets(%dma_start3A_110 : memref<128xi32, #tpu.memory_space<vmem>>) semaphore(%arg11 : memref<!tpu.dma_semaphore, #tpu.memory_space<semaphore_mem>>)
    %scan3A_114 = arith.constant 0 : i32
    %scan3A_115 = arith.constant 0 : i32
    %scan3A_116 = arith.constant 8 : i32
    %scan3A_117 = arith.addi %scan3A_115, %scan3A_116 : i32
    %scan3A_118 = arith.constant 1 : i32
    %scan3A_119 = scf.for %scan3A_129 = %scan3A_115 to %scan3A_117 step %scan3A_118 iter_args(%scan3A_130 = %scan3A_114) -> (i32)  : i32 {
      %mul3A_131 = arith.constant 2 : i32
      %mul3A_132 = arith.muli %scan3A_129, %mul3A_131 : i32
      %add3A_133 = arith.constant 0 : i32
      %add3A_134 = arith.addi %mul3A_132, %add3A_133 : i32
      %dma_wait3A = arith.constant 0 : i32
      %dma_wait3A_135 = tpu.memref_slice %arg6[%add3A_134, %dma_wait3A] : memref<16x128xi32, #tpu.memory_space<vmem>> -> memref<1x128xi32, #tpu.memory_space<vmem>>
      %dma_wait3A_136 = tpu.memref_squeeze %dma_wait3A_135 : memref<1x128xi32, #tpu.memory_space<vmem>> -> memref<128xi32, #tpu.memory_space<vmem>>
      %dma_wait3A_137 = arith.constant 0 : i32
      %dma_wait3A_138 = arith.constant 0 : i32
      %dma_wait3A_139 = tpu.memref_slice %arg2[%dma_wait3A_137, %dma_wait3A_138] : memref<10240x128xf32, #tpu.memory_space<hbm>> -> memref<10240x128xf32, #tpu.memory_space<hbm>>
      tpu.wait_indirect_dma semaphore(%arg10 : memref<!tpu.dma_semaphore, #tpu.memory_space<semaphore_mem>>) src(%dma_wait3A_139 : memref<10240x128xf32, #tpu.memory_space<hbm>>) dst(%arg8 : memref<128x128xf32, #tpu.memory_space<vmem>>)
      "tpu.region"() ({
        %run_scoped3A = tpu.sem_alloc : memref<!tpu.dma_semaphore, #tpu.memory_space<semaphore_mem>>
        %dma_start3A_162 = arith.constant 0 : i32
        %dma_start3A_163 = tpu.memref_slice %arg7[%add3A_134, %dma_start3A_162] : memref<16x128xi32, #tpu.memory_space<vmem>> -> memref<1x128xi32, #tpu.memory_space<vmem>>
        %dma_start3A_164 = tpu.memref_squeeze %dma_start3A_163 : memref<1x128xi32, #tpu.memory_space<vmem>> -> memref<128xi32, #tpu.memory_space<vmem>>
        %dma_start3A_165 = arith.constant 0 : i32
        %dma_start3A_166 = arith.constant 0 : i32
        %dma_start3A_167 = tpu.memref_slice %arg12[%dma_start3A_165, %dma_start3A_166] : memref<10240x128xf32, #tpu.memory_space<vmem_shared>> -> memref<10240x128xf32, #tpu.memory_space<vmem_shared>>
        tpu.enqueue_indirect_dma source(%arg8 : memref<128x128xf32, #tpu.memory_space<vmem>>) target(%dma_start3A_167 : memref<10240x128xf32, #tpu.memory_space<vmem_shared>>) offsets(%dma_start3A_164 : memref<128xi32, #tpu.memory_space<vmem>>) semaphore(%run_scoped3A : memref<!tpu.dma_semaphore, #tpu.memory_space<semaphore_mem>>) {add = true}
        %dma_wait3A_168 = arith.constant 0 : i32
        %dma_wait3A_169 = tpu.memref_slice %arg7[%add3A_134, %dma_wait3A_168] : memref<16x128xi32, #tpu.memory_space<vmem>> -> memref<1x128xi32, #tpu.memory_space<vmem>>
        %dma_wait3A_170 = tpu.memref_squeeze %dma_wait3A_169 : memref<1x128xi32, #tpu.memory_space<vmem>> -> memref<128xi32, #tpu.memory_space<vmem>>
        %dma_wait3A_171 = arith.constant 0 : i32
        %dma_wait3A_172 = arith.constant 0 : i32
        %dma_wait3A_173 = tpu.memref_slice %arg12[%dma_wait3A_171, %dma_wait3A_172] : memref<10240x128xf32, #tpu.memory_space<vmem_shared>> -> memref<10240x128xf32, #tpu.memory_space<vmem_shared>>
        tpu.wait_indirect_dma semaphore(%run_scoped3A : memref<!tpu.dma_semaphore, #tpu.memory_space<semaphore_mem>>) src(%arg8 : memref<128x128xf32, #tpu.memory_space<vmem>>) dst(%dma_wait3A_173 : memref<10240x128xf32, #tpu.memory_space<vmem_shared>>)
        tpu.yield
      }) : () -> ()
      %add3A_140 = arith.constant 2 : i32
      %add3A_141 = arith.addi %add3A_134, %add3A_140 : i32
      %lt3A = arith.constant 16 : i32
      %lt3A_142 = arith.cmpi slt, %add3A_141, %lt3A : i32
      %convert_element_type3A = arith.extui %lt3A_142 : i1 to i32
      %cond3A = arith.constant 0 : i32
      %cond3A_143 = arith.cmpi ne, %convert_element_type3A, %cond3A : i32
      scf.if %cond3A_143 {
        %add3A_162 = arith.constant 2 : i32
        %add3A_163 = arith.addi %add3A_134, %add3A_162 : i32
        %dma_start3A_164 = arith.constant 0 : i32
        %dma_start3A_165 = tpu.memref_slice %arg6[%add3A_163, %dma_start3A_164] : memref<16x128xi32, #tpu.memory_space<vmem>> -> memref<1x128xi32, #tpu.memory_space<vmem>>
        %dma_start3A_166 = tpu.memref_squeeze %dma_start3A_165 : memref<1x128xi32, #tpu.memory_space<vmem>> -> memref<128xi32, #tpu.memory_space<vmem>>
        %dma_start3A_167 = arith.constant 0 : i32
        %dma_start3A_168 = arith.constant 0 : i32
        %dma_start3A_169 = tpu.memref_slice %arg2[%dma_start3A_167, %dma_start3A_168] : memref<10240x128xf32, #tpu.memory_space<hbm>> -> memref<10240x128xf32, #tpu.memory_space<hbm>>
        tpu.enqueue_indirect_dma source(%dma_start3A_169 : memref<10240x128xf32, #tpu.memory_space<hbm>>) target(%arg8 : memref<128x128xf32, #tpu.memory_space<vmem>>) offsets(%dma_start3A_166 : memref<128xi32, #tpu.memory_space<vmem>>) semaphore(%arg10 : memref<!tpu.dma_semaphore, #tpu.memory_space<semaphore_mem>>)
      } else {
      }
      %mul3A_144 = arith.constant 2 : i32
      %mul3A_145 = arith.muli %scan3A_129, %mul3A_144 : i32
      %add3A_146 = arith.constant 1 : i32
      %add3A_147 = arith.addi %mul3A_145, %add3A_146 : i32
      %dma_wait3A_148 = arith.constant 0 : i32
      %dma_wait3A_149 = tpu.memref_slice %arg6[%add3A_147, %dma_wait3A_148] : memref<16x128xi32, #tpu.memory_space<vmem>> -> memref<1x128xi32, #tpu.memory_space<vmem>>
      %dma_wait3A_150 = tpu.memref_squeeze %dma_wait3A_149 : memref<1x128xi32, #tpu.memory_space<vmem>> -> memref<128xi32, #tpu.memory_space<vmem>>
      %dma_wait3A_151 = arith.constant 0 : i32
      %dma_wait3A_152 = arith.constant 0 : i32
      %dma_wait3A_153 = tpu.memref_slice %arg2[%dma_wait3A_151, %dma_wait3A_152] : memref<10240x128xf32, #tpu.memory_space<hbm>> -> memref<10240x128xf32, #tpu.memory_space<hbm>>
      tpu.wait_indirect_dma semaphore(%arg11 : memref<!tpu.dma_semaphore, #tpu.memory_space<semaphore_mem>>) src(%dma_wait3A_153 : memref<10240x128xf32, #tpu.memory_space<hbm>>) dst(%arg9 : memref<128x128xf32, #tpu.memory_space<vmem>>)
      "tpu.region"() ({
        %run_scoped3A = tpu.sem_alloc : memref<!tpu.dma_semaphore, #tpu.memory_space<semaphore_mem>>
        %dma_start3A_162 = arith.constant 0 : i32
        %dma_start3A_163 = tpu.memref_slice %arg7[%add3A_147, %dma_start3A_162] : memref<16x128xi32, #tpu.memory_space<vmem>> -> memref<1x128xi32, #tpu.memory_space<vmem>>
        %dma_start3A_164 = tpu.memref_squeeze %dma_start3A_163 : memref<1x128xi32, #tpu.memory_space<vmem>> -> memref<128xi32, #tpu.memory_space<vmem>>
        %dma_start3A_165 = arith.constant 0 : i32
        %dma_start3A_166 = arith.constant 0 : i32
        %dma_start3A_167 = tpu.memref_slice %arg12[%dma_start3A_165, %dma_start3A_166] : memref<10240x128xf32, #tpu.memory_space<vmem_shared>> -> memref<10240x128xf32, #tpu.memory_space<vmem_shared>>
        tpu.enqueue_indirect_dma source(%arg9 : memref<128x128xf32, #tpu.memory_space<vmem>>) target(%dma_start3A_167 : memref<10240x128xf32, #tpu.memory_space<vmem_shared>>) offsets(%dma_start3A_164 : memref<128xi32, #tpu.memory_space<vmem>>) semaphore(%run_scoped3A : memref<!tpu.dma_semaphore, #tpu.memory_space<semaphore_mem>>) {add = true}
        %dma_wait3A_168 = arith.constant 0 : i32
        %dma_wait3A_169 = tpu.memref_slice %arg7[%add3A_147, %dma_wait3A_168] : memref<16x128xi32, #tpu.memory_space<vmem>> -> memref<1x128xi32, #tpu.memory_space<vmem>>
        %dma_wait3A_170 = tpu.memref_squeeze %dma_wait3A_169 : memref<1x128xi32, #tpu.memory_space<vmem>> -> memref<128xi32, #tpu.memory_space<vmem>>
        %dma_wait3A_171 = arith.constant 0 : i32
        %dma_wait3A_172 = arith.constant 0 : i32
        %dma_wait3A_173 = tpu.memref_slice %arg12[%dma_wait3A_171, %dma_wait3A_172] : memref<10240x128xf32, #tpu.memory_space<vmem_shared>> -> memref<10240x128xf32, #tpu.memory_space<vmem_shared>>
        tpu.wait_indirect_dma semaphore(%run_scoped3A : memref<!tpu.dma_semaphore, #tpu.memory_space<semaphore_mem>>) src(%arg9 : memref<128x128xf32, #tpu.memory_space<vmem>>) dst(%dma_wait3A_173 : memref<10240x128xf32, #tpu.memory_space<vmem_shared>>)
        tpu.yield
      }) : () -> ()
      %add3A_154 = arith.constant 2 : i32
      %add3A_155 = arith.addi %add3A_147, %add3A_154 : i32
      %lt3A_156 = arith.constant 16 : i32
      %lt3A_157 = arith.cmpi slt, %add3A_155, %lt3A_156 : i32
      %convert_element_type3A_158 = arith.extui %lt3A_157 : i1 to i32
      %cond3A_159 = arith.constant 0 : i32
      %cond3A_160 = arith.cmpi ne, %convert_element_type3A_158, %cond3A_159 : i32
      scf.if %cond3A_160 {
        %add3A_162 = arith.constant 2 : i32
        %add3A_163 = arith.addi %add3A_147, %add3A_162 : i32
        %dma_start3A_164 = arith.constant 0 : i32
        %dma_start3A_165 = tpu.memref_slice %arg6[%add3A_163, %dma_start3A_164] : memref<16x128xi32, #tpu.memory_space<vmem>> -> memref<1x128xi32, #tpu.memory_space<vmem>>
        %dma_start3A_166 = tpu.memref_squeeze %dma_start3A_165 : memref<1x128xi32, #tpu.memory_space<vmem>> -> memref<128xi32, #tpu.memory_space<vmem>>
        %dma_start3A_167 = arith.constant 0 : i32
        %dma_start3A_168 = arith.constant 0 : i32
        %dma_start3A_169 = tpu.memref_slice %arg2[%dma_start3A_167, %dma_start3A_168] : memref<10240x128xf32, #tpu.memory_space<hbm>> -> memref<10240x128xf32, #tpu.memory_space<hbm>>
        tpu.enqueue_indirect_dma source(%dma_start3A_169 : memref<10240x128xf32, #tpu.memory_space<hbm>>) target(%arg9 : memref<128x128xf32, #tpu.memory_space<vmem>>) offsets(%dma_start3A_166 : memref<128xi32, #tpu.memory_space<vmem>>) semaphore(%arg11 : memref<!tpu.dma_semaphore, #tpu.memory_space<semaphore_mem>>)
      } else {
      }
      %scan3A_161 = arith.constant 0 : i32
      scf.yield %scan3A_161 : i32
    }
    %scan3A_120 = arith.constant 8 : i32
    %barrier3A_121 = arith.constant 0 : index
    tpu.barrier barrier_id(%barrier3A_121)
    %scan3A_122 = arith.constant 0 : i32
    %scan3A_123 = arith.constant 0 : i32
    %scan3A_124 = arith.constant 5 : i32
    %scan3A_125 = arith.addi %scan3A_123, %scan3A_124 : i32
    %scan3A_126 = arith.constant 1 : i32
    %scan3A_127 = scf.for %scan3A_129 = %scan3A_123 to %scan3A_125 step %scan3A_126 iter_args(%scan3A_130 = %scan3A_122) -> (i32)  : i32 {
      %mul3A_131 = arith.constant 128 : i32
      %mul3A_132 = arith.muli %scan3A_129, %mul3A_131 : i32
      %add3A_133 = arith.addi %mul3A_9, %mul3A_132 : i32
      "tpu.region"() ({
        %run_scoped3A = tpu.sem_alloc : memref<!tpu.dma_semaphore, #tpu.memory_space<semaphore_mem>>
        %dma_start3A_138 = arith.constant 0 : i32
        %dma_start3A_139 = tpu.memref_slice %arg12[%add3A_133, %dma_start3A_138] : memref<10240x128xf32, #tpu.memory_space<vmem_shared>> -> memref<128x128xf32, #tpu.memory_space<vmem_shared>>
        %dma_start3A_140 = arith.constant 0 : i32
        %dma_start3A_141 = tpu.memref_slice %arg12[%add3A_133, %dma_start3A_140] : memref<10240x128xf32, #tpu.memory_space<vmem_shared>> -> memref<128x128xf32, #tpu.memory_space<vmem_shared>>
        tpu.enqueue_dma source(%dma_start3A_141 : memref<128x128xf32, #tpu.memory_space<vmem_shared>>) target(%arg8 : memref<128x128xf32, #tpu.memory_space<vmem>>) target_semaphore(%run_scoped3A : memref<!tpu.dma_semaphore, #tpu.memory_space<semaphore_mem>>)
        %dma_wait3A = arith.constant 0 : i32
        %dma_wait3A_142 = tpu.memref_slice %arg12[%add3A_133, %dma_wait3A] : memref<10240x128xf32, #tpu.memory_space<vmem_shared>> -> memref<128x128xf32, #tpu.memory_space<vmem_shared>>
        %dma_wait3A_143 = arith.constant 0 : i32
        %dma_wait3A_144 = tpu.memref_slice %arg12[%add3A_133, %dma_wait3A_143] : memref<10240x128xf32, #tpu.memory_space<vmem_shared>> -> memref<128x128xf32, #tpu.memory_space<vmem_shared>>
        tpu.wait_dma2 semaphore(%run_scoped3A : memref<!tpu.dma_semaphore, #tpu.memory_space<semaphore_mem>>) src(%dma_wait3A_144 : memref<128x128xf32, #tpu.memory_space<vmem_shared>>) dst(%arg8 : memref<128x128xf32, #tpu.memory_space<vmem>>)
        tpu.yield
      }) : () -> ()
      %mul3A_134 = arith.constant 128 : i32
      %mul3A_135 = arith.muli %scan3A_129, %mul3A_134 : i32
      %add3A_136 = arith.addi %mul3A_9, %mul3A_135 : i32
      "tpu.region"() ({
        %run_scoped3A = tpu.sem_alloc : memref<!tpu.dma_semaphore, #tpu.memory_space<semaphore_mem>>
        %dma_start3A_138 = arith.constant 0 : i32
        %dma_start3A_139 = tpu.memref_slice %arg5[%arg0, %add3A_136, %dma_start3A_138] : memref<2x10240x128xf32, #tpu.memory_space<hbm>> -> memref<1x128x128xf32, #tpu.memory_space<hbm>>
        %dma_start3A_140 = tpu.memref_squeeze %dma_start3A_139 : memref<1x128x128xf32, #tpu.memory_space<hbm>> -> memref<128x128xf32, #tpu.memory_space<hbm>>
        %dma_start3A_141 = arith.constant 0 : i32
        %dma_start3A_142 = tpu.memref_slice %arg5[%arg0, %add3A_136, %dma_start3A_141] : memref<2x10240x128xf32, #tpu.memory_space<hbm>> -> memref<1x128x128xf32, #tpu.memory_space<hbm>>
        %dma_start3A_143 = tpu.memref_squeeze %dma_start3A_142 : memref<1x128x128xf32, #tpu.memory_space<hbm>> -> memref<128x128xf32, #tpu.memory_space<hbm>>
        tpu.enqueue_dma source(%arg8 : memref<128x128xf32, #tpu.memory_space<vmem>>) target(%dma_start3A_143 : memref<128x128xf32, #tpu.memory_space<hbm>>) target_semaphore(%run_scoped3A : memref<!tpu.dma_semaphore, #tpu.memory_space<semaphore_mem>>)
        %dma_wait3A = arith.constant 0 : i32
        %dma_wait3A_144 = tpu.memref_slice %arg5[%arg0, %add3A_136, %dma_wait3A] : memref<2x10240x128xf32, #tpu.memory_space<hbm>> -> memref<1x128x128xf32, #tpu.memory_space<hbm>>
        %dma_wait3A_145 = tpu.memref_squeeze %dma_wait3A_144 : memref<1x128x128xf32, #tpu.memory_space<hbm>> -> memref<128x128xf32, #tpu.memory_space<hbm>>
        %dma_wait3A_146 = arith.constant 0 : i32
        %dma_wait3A_147 = tpu.memref_slice %arg5[%arg0, %add3A_136, %dma_wait3A_146] : memref<2x10240x128xf32, #tpu.memory_space<hbm>> -> memref<1x128x128xf32, #tpu.memory_space<hbm>>
        %dma_wait3A_148 = tpu.memref_squeeze %dma_wait3A_147 : memref<1x128x128xf32, #tpu.memory_space<hbm>> -> memref<128x128xf32, #tpu.memory_space<hbm>>
        tpu.wait_dma2 semaphore(%run_scoped3A : memref<!tpu.dma_semaphore, #tpu.memory_space<semaphore_mem>>) src(%arg8 : memref<128x128xf32, #tpu.memory_space<vmem>>) dst(%dma_wait3A_148 : memref<128x128xf32, #tpu.memory_space<hbm>>)
        tpu.yield
      }) : () -> ()
      %scan3A_137 = arith.constant 0 : i32
      scf.yield %scan3A_137 : i32
    }
    %scan3A_128 = arith.constant 5 : i32
    return
  }
}

#map = affine_map<(d0, d1) -> (0, 0, 0)>
#map1 = affine_map<(d0, d1) -> (0, 0)>
module attributes {stable_mosaic.version = 14 : i64} {
  func.func @_p1_deg(%arg0: i32, %arg1: i32, %arg2: memref<32x80x128xi32, #tpu.memory_space<hbm>>, %arg3: memref<2x10240xf32, #tpu.memory_space<hbm>>, %arg4: memref<80x128xi32, #tpu.memory_space<vmem>>, %arg5: memref<128xf32, #tpu.memory_space<vmem>>, %arg6: memref<640xf32, #tpu.memory_space<vmem>>, %arg7: memref<10240xf32, #tpu.memory_space<vmem_shared>>) attributes {dimension_semantics = [#tpu.dimension_semantics<core_parallel>, #tpu.dimension_semantics<subcore_parallel>], iteration_bounds = array<i64: 2, 16>, scalar_prefetch = 0 : i64, scratch_operands = 4 : i64, tpu.core_type = #tpu.core_type<sc_vector_subcore>, window_params = [{transform_indices = #map}, {transform_indices = #map1}]} {
    %mul3A = arith.constant 2 : i32
    %mul3A_0 = arith.muli %arg1, %mul3A : i32
    %add3A = arith.addi %mul3A_0, %arg0 : i32
    %broadcast_in_dim3A = arith.constant 0.000000e+00 : f32
    %broadcast_in_dim3A_1 = vector.broadcast %broadcast_in_dim3A : f32 to vector<16xf32>
    %broadcast_in_dim3A_2 = arith.constant 1.000000e+00 : f32
    %broadcast_in_dim3A_3 = vector.broadcast %broadcast_in_dim3A_2 : f32 to vector<16xf32>
    %scan3A = arith.constant 0 : i32
    %scan3A_4 = arith.constant 0 : i32
    %scan3A_5 = arith.constant 40 : i32
    %scan3A_6 = arith.addi %scan3A_4, %scan3A_5 : i32
    %scan3A_7 = arith.constant 1 : i32
    %scan3A_8 = scf.for %scan3A_31 = %scan3A_4 to %scan3A_6 step %scan3A_7 iter_args(%scan3A_32 = %scan3A) -> (i32)  : i32 {
      %mul3A_33 = arith.constant 16 : i32
      %mul3A_34 = arith.muli %scan3A_31, %mul3A_33 : i32
      %multiple_of3A = tpu.assume_multiple %mul3A_34, 16 : i32
      %swap3A = arith.index_cast %multiple_of3A : i32 to index
      %swap3A_35 = tpu.vector_load %arg6[%swap3A] {strides = array<i32>} : memref<640xf32, #tpu.memory_space<vmem>>, vector<16xf32>,
      %swap3A_36 = vector.shape_cast %swap3A_35 : vector<16xf32> to vector<16xf32>
      %swap3A_37 = vector.shape_cast %broadcast_in_dim3A_1 : vector<16xf32> to vector<16xf32>
      tpu.vector_store %arg6[%swap3A], %swap3A_37 {strides = array<i32>} : memref<640xf32, #tpu.memory_space<vmem>>, vector<16xf32>,
      %scan3A_38 = arith.constant 0 : i32
      scf.yield %scan3A_38 : i32
    }
    %scan3A_9 = arith.constant 40 : i32
    %scan3A_10 = arith.constant 0 : i32
    %scan3A_11 = arith.constant 0 : i32
    %scan3A_12 = arith.constant 8 : i32
    %scan3A_13 = arith.addi %scan3A_11, %scan3A_12 : i32
    %scan3A_14 = arith.constant 1 : i32
    %scan3A_15 = scf.for %scan3A_31 = %scan3A_11 to %scan3A_13 step %scan3A_14 iter_args(%scan3A_32 = %scan3A_10) -> (i32)  : i32 {
      %mul3A_33 = arith.constant 16 : i32
      %mul3A_34 = arith.muli %scan3A_31, %mul3A_33 : i32
      %multiple_of3A = tpu.assume_multiple %mul3A_34, 16 : i32
      %swap3A = arith.index_cast %multiple_of3A : i32 to index
      %swap3A_35 = tpu.vector_load %arg5[%swap3A] {strides = array<i32>} : memref<128xf32, #tpu.memory_space<vmem>>, vector<16xf32>,
      %swap3A_36 = vector.shape_cast %swap3A_35 : vector<16xf32> to vector<16xf32>
      %swap3A_37 = vector.shape_cast %broadcast_in_dim3A_3 : vector<16xf32> to vector<16xf32>
      tpu.vector_store %arg5[%swap3A], %swap3A_37 {strides = array<i32>} : memref<128xf32, #tpu.memory_space<vmem>>, vector<16xf32>,
      %scan3A_38 = arith.constant 0 : i32
      scf.yield %scan3A_38 : i32
    }
    %scan3A_16 = arith.constant 8 : i32
    %mul3A_17 = arith.constant 640 : i32
    %mul3A_18 = arith.muli %arg1, %mul3A_17 : i32
    "tpu.region"() ({
      %run_scoped3A = tpu.sem_alloc : memref<!tpu.dma_semaphore, #tpu.memory_space<semaphore_mem>>
      %dma_start3A = tpu.memref_slice %arg7[%mul3A_18] : memref<10240xf32, #tpu.memory_space<vmem_shared>> -> memref<640xf32, #tpu.memory_space<vmem_shared>>
      %dma_start3A_31 = tpu.memref_slice %arg7[%mul3A_18] : memref<10240xf32, #tpu.memory_space<vmem_shared>> -> memref<640xf32, #tpu.memory_space<vmem_shared>>
      tpu.enqueue_dma source(%arg6 : memref<640xf32, #tpu.memory_space<vmem>>) target(%dma_start3A_31 : memref<640xf32, #tpu.memory_space<vmem_shared>>) target_semaphore(%run_scoped3A : memref<!tpu.dma_semaphore, #tpu.memory_space<semaphore_mem>>)
      %dma_wait3A = tpu.memref_slice %arg7[%mul3A_18] : memref<10240xf32, #tpu.memory_space<vmem_shared>> -> memref<640xf32, #tpu.memory_space<vmem_shared>>
      %dma_wait3A_32 = tpu.memref_slice %arg7[%mul3A_18] : memref<10240xf32, #tpu.memory_space<vmem_shared>> -> memref<640xf32, #tpu.memory_space<vmem_shared>>
      tpu.wait_dma2 semaphore(%run_scoped3A : memref<!tpu.dma_semaphore, #tpu.memory_space<semaphore_mem>>) src(%arg6 : memref<640xf32, #tpu.memory_space<vmem>>) dst(%dma_wait3A_32 : memref<640xf32, #tpu.memory_space<vmem_shared>>)
      tpu.yield
    }) : () -> ()
    %barrier3A = arith.constant 0 : index
    tpu.barrier barrier_id(%barrier3A)
    "tpu.region"() ({
      %run_scoped3A = tpu.sem_alloc : memref<!tpu.dma_semaphore, #tpu.memory_space<semaphore_mem>>
      %dma_start3A = arith.constant 0 : i32
      %dma_start3A_31 = arith.constant 0 : i32
      %dma_start3A_32 = tpu.memref_slice %arg2[%add3A, %dma_start3A, %dma_start3A_31] : memref<32x80x128xi32, #tpu.memory_space<hbm>> -> memref<1x80x128xi32, #tpu.memory_space<hbm>>
      %dma_start3A_33 = tpu.memref_squeeze %dma_start3A_32 : memref<1x80x128xi32, #tpu.memory_space<hbm>> -> memref<80x128xi32, #tpu.memory_space<hbm>>
      %dma_start3A_34 = arith.constant 0 : i32
      %dma_start3A_35 = arith.constant 0 : i32
      %dma_start3A_36 = tpu.memref_slice %arg2[%add3A, %dma_start3A_34, %dma_start3A_35] : memref<32x80x128xi32, #tpu.memory_space<hbm>> -> memref<1x80x128xi32, #tpu.memory_space<hbm>>
      %dma_start3A_37 = tpu.memref_squeeze %dma_start3A_36 : memref<1x80x128xi32, #tpu.memory_space<hbm>> -> memref<80x128xi32, #tpu.memory_space<hbm>>
      tpu.enqueue_dma source(%dma_start3A_37 : memref<80x128xi32, #tpu.memory_space<hbm>>) target(%arg4 : memref<80x128xi32, #tpu.memory_space<vmem>>) target_semaphore(%run_scoped3A : memref<!tpu.dma_semaphore, #tpu.memory_space<semaphore_mem>>)
      %dma_wait3A = arith.constant 0 : i32
      %dma_wait3A_38 = arith.constant 0 : i32
      %dma_wait3A_39 = tpu.memref_slice %arg2[%add3A, %dma_wait3A, %dma_wait3A_38] : memref<32x80x128xi32, #tpu.memory_space<hbm>> -> memref<1x80x128xi32, #tpu.memory_space<hbm>>
      %dma_wait3A_40 = tpu.memref_squeeze %dma_wait3A_39 : memref<1x80x128xi32, #tpu.memory_space<hbm>> -> memref<80x128xi32, #tpu.memory_space<hbm>>
      %dma_wait3A_41 = arith.constant 0 : i32
      %dma_wait3A_42 = arith.constant 0 : i32
      %dma_wait3A_43 = tpu.memref_slice %arg2[%add3A, %dma_wait3A_41, %dma_wait3A_42] : memref<32x80x128xi32, #tpu.memory_space<hbm>> -> memref<1x80x128xi32, #tpu.memory_space<hbm>>
      %dma_wait3A_44 = tpu.memref_squeeze %dma_wait3A_43 : memref<1x80x128xi32, #tpu.memory_space<hbm>> -> memref<80x128xi32, #tpu.memory_space<hbm>>
      tpu.wait_dma2 semaphore(%run_scoped3A : memref<!tpu.dma_semaphore, #tpu.memory_space<semaphore_mem>>) src(%dma_wait3A_44 : memref<80x128xi32, #tpu.memory_space<hbm>>) dst(%arg4 : memref<80x128xi32, #tpu.memory_space<vmem>>)
      tpu.yield
    }) : () -> ()
    %scan3A_19 = arith.constant 0 : i32
    %scan3A_20 = arith.constant 0 : i32
    %scan3A_21 = arith.constant 80 : i32
    %scan3A_22 = arith.addi %scan3A_20, %scan3A_21 : i32
    %scan3A_23 = arith.constant 1 : i32
    %scan3A_24 = scf.for %scan3A_31 = %scan3A_20 to %scan3A_22 step %scan3A_23 iter_args(%scan3A_32 = %scan3A_19) -> (i32)  : i32 {
      "tpu.region"() ({
        %run_scoped3A = tpu.sem_alloc : memref<!tpu.dma_semaphore, #tpu.memory_space<semaphore_mem>>
        %dma_start3A = arith.constant 0 : i32
        %dma_start3A_34 = tpu.memref_slice %arg4[%scan3A_31, %dma_start3A] : memref<80x128xi32, #tpu.memory_space<vmem>> -> memref<1x128xi32, #tpu.memory_space<vmem>>
        %dma_start3A_35 = tpu.memref_squeeze %dma_start3A_34 : memref<1x128xi32, #tpu.memory_space<vmem>> -> memref<128xi32, #tpu.memory_space<vmem>>
        %dma_start3A_36 = arith.constant 0 : i32
        %dma_start3A_37 = tpu.memref_slice %arg7[%dma_start3A_36] : memref<10240xf32, #tpu.memory_space<vmem_shared>> -> memref<10240xf32, #tpu.memory_space<vmem_shared>>
        tpu.enqueue_indirect_dma source(%arg5 : memref<128xf32, #tpu.memory_space<vmem>>) target(%dma_start3A_37 : memref<10240xf32, #tpu.memory_space<vmem_shared>>) offsets(%dma_start3A_35 : memref<128xi32, #tpu.memory_space<vmem>>) semaphore(%run_scoped3A : memref<!tpu.dma_semaphore, #tpu.memory_space<semaphore_mem>>) {add = true}
        %dma_wait3A = arith.constant 0 : i32
        %dma_wait3A_38 = tpu.memref_slice %arg4[%scan3A_31, %dma_wait3A] : memref<80x128xi32, #tpu.memory_space<vmem>> -> memref<1x128xi32, #tpu.memory_space<vmem>>
        %dma_wait3A_39 = tpu.memref_squeeze %dma_wait3A_38 : memref<1x128xi32, #tpu.memory_space<vmem>> -> memref<128xi32, #tpu.memory_space<vmem>>
        %dma_wait3A_40 = arith.constant 0 : i32
        %dma_wait3A_41 = tpu.memref_slice %arg7[%dma_wait3A_40] : memref<10240xf32, #tpu.memory_space<vmem_shared>> -> memref<10240xf32, #tpu.memory_space<vmem_shared>>
        tpu.wait_indirect_dma semaphore(%run_scoped3A : memref<!tpu.dma_semaphore, #tpu.memory_space<semaphore_mem>>) src(%arg5 : memref<128xf32, #tpu.memory_space<vmem>>) dst(%dma_wait3A_41 : memref<10240xf32, #tpu.memory_space<vmem_shared>>)
        tpu.yield
      }) : () -> ()
      %scan3A_33 = arith.constant 0 : i32
      scf.yield %scan3A_33 : i32
    }
    %scan3A_25 = arith.constant 80 : i32
    %barrier3A_26 = arith.constant 0 : index
    tpu.barrier barrier_id(%barrier3A_26)
    %mul3A_27 = arith.constant 640 : i32
    %mul3A_28 = arith.muli %arg1, %mul3A_27 : i32
    "tpu.region"() ({
      %run_scoped3A = tpu.sem_alloc : memref<!tpu.dma_semaphore, #tpu.memory_space<semaphore_mem>>
      %dma_start3A = tpu.memref_slice %arg7[%mul3A_28] : memref<10240xf32, #tpu.memory_space<vmem_shared>> -> memref<640xf32, #tpu.memory_space<vmem_shared>>
      %dma_start3A_31 = tpu.memref_slice %arg7[%mul3A_28] : memref<10240xf32, #tpu.memory_space<vmem_shared>> -> memref<640xf32, #tpu.memory_space<vmem_shared>>
      tpu.enqueue_dma source(%dma_start3A_31 : memref<640xf32, #tpu.memory_space<vmem_shared>>) target(%arg6 : memref<640xf32, #tpu.memory_space<vmem>>) target_semaphore(%run_scoped3A : memref<!tpu.dma_semaphore, #tpu.memory_space<semaphore_mem>>)
      %dma_wait3A = tpu.memref_slice %arg7[%mul3A_28] : memref<10240xf32, #tpu.memory_space<vmem_shared>> -> memref<640xf32, #tpu.memory_space<vmem_shared>>
      %dma_wait3A_32 = tpu.memref_slice %arg7[%mul3A_28] : memref<10240xf32, #tpu.memory_space<vmem_shared>> -> memref<640xf32, #tpu.memory_space<vmem_shared>>
      tpu.wait_dma2 semaphore(%run_scoped3A : memref<!tpu.dma_semaphore, #tpu.memory_space<semaphore_mem>>) src(%dma_wait3A_32 : memref<640xf32, #tpu.memory_space<vmem_shared>>) dst(%arg6 : memref<640xf32, #tpu.memory_space<vmem>>)
      tpu.yield
    }) : () -> ()
    %mul3A_29 = arith.constant 640 : i32
    %mul3A_30 = arith.muli %arg1, %mul3A_29 : i32
    "tpu.region"() ({
      %run_scoped3A = tpu.sem_alloc : memref<!tpu.dma_semaphore, #tpu.memory_space<semaphore_mem>>
      %dma_start3A = tpu.memref_slice %arg3[%arg0, %mul3A_30] : memref<2x10240xf32, #tpu.memory_space<hbm>> -> memref<1x640xf32, #tpu.memory_space<hbm>>
      %dma_start3A_31 = tpu.memref_squeeze %dma_start3A : memref<1x640xf32, #tpu.memory_space<hbm>> -> memref<640xf32, #tpu.memory_space<hbm>>
      %dma_start3A_32 = tpu.memref_slice %arg3[%arg0, %mul3A_30] : memref<2x10240xf32, #tpu.memory_space<hbm>> -> memref<1x640xf32, #tpu.memory_space<hbm>>
      %dma_start3A_33 = tpu.memref_squeeze %dma_start3A_32 : memref<1x640xf32, #tpu.memory_space<hbm>> -> memref<640xf32, #tpu.memory_space<hbm>>
      tpu.enqueue_dma source(%arg6 : memref<640xf32, #tpu.memory_space<vmem>>) target(%dma_start3A_33 : memref<640xf32, #tpu.memory_space<hbm>>) target_semaphore(%run_scoped3A : memref<!tpu.dma_semaphore, #tpu.memory_space<semaphore_mem>>)
      %dma_wait3A = tpu.memref_slice %arg3[%arg0, %mul3A_30] : memref<2x10240xf32, #tpu.memory_space<hbm>> -> memref<1x640xf32, #tpu.memory_space<hbm>>
      %dma_wait3A_34 = tpu.memref_squeeze %dma_wait3A : memref<1x640xf32, #tpu.memory_space<hbm>> -> memref<640xf32, #tpu.memory_space<hbm>>
      %dma_wait3A_35 = tpu.memref_slice %arg3[%arg0, %mul3A_30] : memref<2x10240xf32, #tpu.memory_space<hbm>> -> memref<1x640xf32, #tpu.memory_space<hbm>>
      %dma_wait3A_36 = tpu.memref_squeeze %dma_wait3A_35 : memref<1x640xf32, #tpu.memory_space<hbm>> -> memref<640xf32, #tpu.memory_space<hbm>>
      tpu.wait_dma2 semaphore(%run_scoped3A : memref<!tpu.dma_semaphore, #tpu.memory_space<semaphore_mem>>) src(%arg6 : memref<640xf32, #tpu.memory_space<vmem>>) dst(%dma_wait3A_36 : memref<640xf32, #tpu.memory_space<hbm>>)
      tpu.yield
    }) : () -> ()
    return
  }
}

module attributes {stable_mosaic.version = 14 : i64} {
  func.func @_p2_body(%arg0: i32, %arg1: memref<1024x128xf32, #tpu.memory_space<vmem>>, %arg2: memref<128x128xf32, #tpu.memory_space<vmem>>, %arg3: memref<2x1024x1xf32, #tpu.memory_space<vmem>>, %arg4: memref<1024x128xf32, #tpu.memory_space<vmem>>, %arg5: memref<1024x1xf32, #tpu.memory_space<vmem>>) attributes {dimension_semantics = [#tpu.dimension_semantics<arbitrary>], iteration_bounds = array<i64: 10>, scalar_prefetch = 0 : i64, scratch_operands = 0 : i64, tpu.core_type = #tpu.core_type<tc>, window_params = [{transform_indices = @transform_0, window_bounds = array<i64: 1024, 128>}, {pipeline_mode = #tpu.pipeline_mode<synchronous>, transform_indices = @transform_1, window_bounds = array<i64: 128, 128>}, {transform_indices = @transform_2, window_bounds = array<i64: 2, 1024, 1>}, {transform_indices = @transform_3, window_bounds = array<i64: 1024, 128>}, {transform_indices = @transform_4, window_bounds = array<i64: 1024, 1>}]} {
    %get3A = arith.constant 0 : index
    %get3A_0 = arith.constant 0 : index
    %get3A_1 = arith.constant 0 : index
    %get3A_2 = vector.load %arg3[%get3A, %get3A_0, %get3A_1] : memref<2x1024x1xf32, #tpu.memory_space<vmem>>, vector<1x1024x1xf32>
    %get3A_3 = vector.shape_cast %get3A_2 : vector<1x1024x1xf32> to vector<1024x1xf32>
    %get3A_4 = arith.constant 1 : index
    %get3A_5 = arith.constant 0 : index
    %get3A_6 = arith.constant 0 : index
    %get3A_7 = vector.load %arg3[%get3A_4, %get3A_5, %get3A_6] : memref<2x1024x1xf32, #tpu.memory_space<vmem>>, vector<1x1024x1xf32>
    %get3A_8 = vector.shape_cast %get3A_7 : vector<1x1024x1xf32> to vector<1024x1xf32>
    %add3A = arith.addf %get3A_3, %get3A_8 : vector<1024x1xf32>
    %add3A_9 = arith.constant 1.000000e+00 : f32
    %add3A_10 = vector.broadcast %add3A_9 : f32 to vector<1024x1xf32>
    %add3A_11 = arith.addf %add3A, %add3A_10 : vector<1024x1xf32>
    %rsqrt3A = math.rsqrt %add3A_11 : vector<1024x1xf32>
    %swap3A = arith.constant 0 : index
    %swap3A_12 = arith.constant 0 : index
    %swap3A_13 = vector.load %arg5[%swap3A, %swap3A_12] : memref<1024x1xf32, #tpu.memory_space<vmem>>, vector<1024x1xf32>
    tpu.vector_store %arg5[%swap3A, %swap3A_12], %rsqrt3A {strides = array<i32>} : memref<1024x1xf32, #tpu.memory_space<vmem>>, vector<1024x1xf32>,
    %get3A_14 = arith.constant 0 : index
    %get3A_15 = arith.constant 0 : index
    %get3A_16 = vector.load %arg1[%get3A_14, %get3A_15] : memref<1024x128xf32, #tpu.memory_space<vmem>>, vector<1024x128xf32>
    %get3A_17 = arith.constant 0 : index
    %get3A_18 = arith.constant 0 : index
    %get3A_19 = vector.load %arg2[%get3A_17, %get3A_18] : memref<128x128xf32, #tpu.memory_space<vmem>>, vector<128x128xf32>
    %dot_general3A = arith.constant dense<0.000000e+00> : vector<1024x128xf32>
    %dot_general3A_20 = tpu.matmul %get3A_16, %get3A_19, %dot_general3A {dimension_numbers = #tpu.dot_dimension_numbers<[1], [0], [0], [1], [0, 0, 1, 1], [], []>, transpose_lhs_hint = false} : vector<1024x128xf32>, vector<128x128xf32>, vector<1024x128xf32> -> vector<1024x128xf32>
    %mul3A = vector.broadcast %rsqrt3A : vector<1024x1xf32> to vector<1024x128xf32>
    %mul3A_21 = arith.mulf %mul3A, %dot_general3A_20 : vector<1024x128xf32>
    %swap3A_22 = arith.constant 0 : index
    %swap3A_23 = arith.constant 0 : index
    %swap3A_24 = vector.load %arg4[%swap3A_22, %swap3A_23] : memref<1024x128xf32, #tpu.memory_space<vmem>>, vector<1024x128xf32>
    tpu.vector_store %arg4[%swap3A_22, %swap3A_23], %mul3A_21 {strides = array<i32>} : memref<1024x128xf32, #tpu.memory_space<vmem>>, vector<1024x128xf32>,
    return
  }
  func.func @transform_0(%arg0: i32) -> (i32, i32) {
    %c0_i32 = arith.constant 0 : i32
    %c0_i32_0 = arith.constant 0 : i32
    return %arg0, %c0_i32 : i32, i32
  }
  func.func @transform_1(%arg0: i32) -> (i32, i32) {
    %c0_i32 = arith.constant 0 : i32
    %c0_i32_0 = arith.constant 0 : i32
    %c0_i32_1 = arith.constant 0 : i32
    return %c0_i32, %c0_i32_0 : i32, i32
  }
  func.func @transform_2(%arg0: i32) -> (i32, i32, i32) {
    %c0_i32 = arith.constant 0 : i32
    %c0_i32_0 = arith.constant 0 : i32
    %c0_i32_1 = arith.constant 0 : i32
    return %c0_i32, %arg0, %c0_i32_0 : i32, i32, i32
  }
  func.func @transform_3(%arg0: i32) -> (i32, i32) {
    %c0_i32 = arith.constant 0 : i32
    %c0_i32_0 = arith.constant 0 : i32
    return %arg0, %c0_i32 : i32, i32
  }
  func.func @transform_4(%arg0: i32) -> (i32, i32) {
    %c0_i32 = arith.constant 0 : i32
    %c0_i32_0 = arith.constant 0 : i32
    return %arg0, %c0_i32 : i32, i32
  }
}

module attributes {stable_mosaic.version = 14 : i64} {
  func.func @_p4_body(%arg0: i32, %arg1: memref<2x1024x128xf32, #tpu.memory_space<vmem>>, %arg2: memref<1024x128xf32, #tpu.memory_space<vmem>>, %arg3: memref<1024x1xf32, #tpu.memory_space<vmem>>, %arg4: memref<1024x1xi32, #tpu.memory_space<vmem>>, %arg5: memref<1x128xf32, #tpu.memory_space<vmem>>, %arg6: memref<64x128xf32, #tpu.memory_space<vmem>>, %arg7: memref<1x64xf32, #tpu.memory_space<vmem>>, %arg8: memref<64x64xf32, #tpu.memory_space<vmem>>, %arg9: memref<64x128xf32, #tpu.memory_space<vmem>>, %arg10: memref<64x128xf32, #tpu.memory_space<vmem>>) attributes {dimension_semantics = [#tpu.dimension_semantics<arbitrary>], iteration_bounds = array<i64: 10>, scalar_prefetch = 0 : i64, scratch_operands = 2 : i64, tpu.core_type = #tpu.core_type<tc>, window_params = [{transform_indices = @transform_0, window_bounds = array<i64: 2, 1024, 128>}, {transform_indices = @transform_1, window_bounds = array<i64: 1024, 128>}, {transform_indices = @transform_2, window_bounds = array<i64: 1024, 1>}, {transform_indices = @transform_3, window_bounds = array<i64: 1024, 1>}, {pipeline_mode = #tpu.pipeline_mode<synchronous>, transform_indices = @transform_4, window_bounds = array<i64: 1, 128>}, {pipeline_mode = #tpu.pipeline_mode<synchronous>, transform_indices = @transform_5, window_bounds = array<i64: 64, 128>}, {pipeline_mode = #tpu.pipeline_mode<synchronous>, transform_indices = @transform_6, window_bounds = array<i64: 1, 64>}, {pipeline_mode = #tpu.pipeline_mode<synchronous>, transform_indices = @transform_7, window_bounds = array<i64: 64, 64>}]} {
    %get3A = arith.constant 0 : index
    %get3A_0 = arith.constant 0 : index
    %get3A_1 = vector.load %arg3[%get3A, %get3A_0] : memref<1024x1xf32, #tpu.memory_space<vmem>>, vector<1024x1xf32>
    %get3A_2 = arith.constant 0 : index
    %get3A_3 = arith.constant 0 : index
    %get3A_4 = arith.constant 0 : index
    %get3A_5 = vector.load %arg1[%get3A_2, %get3A_3, %get3A_4] : memref<2x1024x128xf32, #tpu.memory_space<vmem>>, vector<1x1024x128xf32>
    %get3A_6 = vector.shape_cast %get3A_5 : vector<1x1024x128xf32> to vector<1024x128xf32>
    %get3A_7 = arith.constant 1 : index
    %get3A_8 = arith.constant 0 : index
    %get3A_9 = arith.constant 0 : index
    %get3A_10 = vector.load %arg1[%get3A_7, %get3A_8, %get3A_9] : memref<2x1024x128xf32, #tpu.memory_space<vmem>>, vector<1x1024x128xf32>
    %get3A_11 = vector.shape_cast %get3A_10 : vector<1x1024x128xf32> to vector<1024x128xf32>
    %add3A = arith.addf %get3A_6, %get3A_11 : vector<1024x128xf32>
    %get3A_12 = arith.constant 0 : index
    %get3A_13 = arith.constant 0 : index
    %get3A_14 = vector.load %arg2[%get3A_12, %get3A_13] : memref<1024x128xf32, #tpu.memory_space<vmem>>, vector<1024x128xf32>
    %add3A_15 = arith.addf %add3A, %get3A_14 : vector<1024x128xf32>
    %mul3A = vector.broadcast %get3A_1 : vector<1024x1xf32> to vector<1024x128xf32>
    %mul3A_16 = arith.mulf %mul3A, %add3A_15 : vector<1024x128xf32>
    %get3A_17 = arith.constant 0 : index
    %get3A_18 = arith.constant 0 : index
    %get3A_19 = vector.load %arg5[%get3A_17, %get3A_18] : memref<1x128xf32, #tpu.memory_space<vmem>>, vector<1x128xf32>
    %add3A_20 = vector.broadcast %get3A_19 : vector<1x128xf32> to vector<1024x128xf32>
    %add3A_21 = arith.addf %mul3A_16, %add3A_20 : vector<1024x128xf32>
    %max3A = arith.constant 0.000000e+00 : f32
    %max3A_22 = vector.broadcast %max3A : f32 to vector<1024x128xf32>
    %max3A_23 = arith.maximumf %add3A_21, %max3A_22 : vector<1024x128xf32>
    %iota3A = tpu.iota {dimensions = array<i32: 1>} : vector<1024x64xi32>
    %get3A_24 = arith.constant 0 : index
    %get3A_25 = arith.constant 0 : index
    %get3A_26 = vector.load %arg4[%get3A_24, %get3A_25] : memref<1024x1xi32, #tpu.memory_space<vmem>>, vector<1024x1xi32>
    %eq3A = vector.broadcast %get3A_26 : vector<1024x1xi32> to vector<1024x64xi32>
    %eq3A_27 = arith.cmpi eq, %eq3A, %iota3A : vector<1024x64xi32>
    %convert_element_type3A = arith.extui %eq3A_27 : vector<1024x64xi1> to vector<1024x64xi32>
    %convert_element_type3A_28 = arith.sitofp %convert_element_type3A : vector<1024x64xi32> to vector<1024x64xf32>
    %dot_general3A = arith.constant dense<0.000000e+00> : vector<64x128xf32>
    %dot_general3A_29 = tpu.matmul %convert_element_type3A_28, %max3A_23, %dot_general3A {dimension_numbers = #tpu.dot_dimension_numbers<[0], [0], [1], [1], [0, 1, 1, 1], [], []>, transpose_lhs_hint = false} : vector<1024x64xf32>, vector<1024x128xf32>, vector<64x128xf32> -> vector<64x128xf32>
    %broadcast_in_dim3A = arith.constant 1.000000e+00 : f32
    %broadcast_in_dim3A_30 = vector.broadcast %broadcast_in_dim3A : f32 to vector<1024x128xf32>
    %dot_general3A_31 = arith.constant dense<0.000000e+00> : vector<64x128xf32>
    %dot_general3A_32 = tpu.matmul %convert_element_type3A_28, %broadcast_in_dim3A_30, %dot_general3A_31 {dimension_numbers = #tpu.dot_dimension_numbers<[0], [0], [1], [1], [0, 1, 1, 1], [], []>, transpose_lhs_hint = false} : vector<1024x64xf32>, vector<1024x128xf32>, vector<64x128xf32> -> vector<64x128xf32>
    %eq3A_33 = arith.constant 0 : i32
    %eq3A_34 = arith.cmpi eq, %arg0, %eq3A_33 : i32
    %convert_element_type3A_35 = arith.extui %eq3A_34 : i1 to i32
    %cond3A = arith.constant 0 : i32
    %cond3A_36 = arith.cmpi ne, %convert_element_type3A_35, %cond3A : i32
    scf.if %cond3A_36 {
      %swap3A = arith.constant 0 : index
      %swap3A_46 = arith.constant 0 : index
      %swap3A_47 = vector.load %arg9[%swap3A, %swap3A_46] : memref<64x128xf32, #tpu.memory_space<vmem>>, vector<64x128xf32>
      tpu.vector_store %arg9[%swap3A, %swap3A_46], %dot_general3A_29 {strides = array<i32>} : memref<64x128xf32, #tpu.memory_space<vmem>>, vector<64x128xf32>,
      %swap3A_48 = arith.constant 0 : index
      %swap3A_49 = arith.constant 0 : index
      %swap3A_50 = vector.load %arg10[%swap3A_48, %swap3A_49] : memref<64x128xf32, #tpu.memory_space<vmem>>, vector<64x128xf32>
      tpu.vector_store %arg10[%swap3A_48, %swap3A_49], %dot_general3A_32 {strides = array<i32>} : memref<64x128xf32, #tpu.memory_space<vmem>>, vector<64x128xf32>,
    } else {
    }
    %gt3A = arith.constant 0 : i32
    %gt3A_37 = arith.cmpi sgt, %arg0, %gt3A : i32
    %convert_element_type3A_38 = arith.extui %gt3A_37 : i1 to i32
    %cond3A_39 = arith.constant 0 : i32
    %cond3A_40 = arith.cmpi ne, %convert_element_type3A_38, %cond3A_39 : i32
    scf.if %cond3A_40 {
      %get3A_46 = arith.constant 0 : index
      %get3A_47 = arith.constant 0 : index
      %get3A_48 = vector.load %arg9[%get3A_46, %get3A_47] : memref<64x128xf32, #tpu.memory_space<vmem>>, vector<64x128xf32>
      %add3A_49 = arith.addf %get3A_48, %dot_general3A_29 : vector<64x128xf32>
      %swap3A = arith.constant 0 : index
      %swap3A_50 = arith.constant 0 : index
      %swap3A_51 = vector.load %arg9[%swap3A, %swap3A_50] : memref<64x128xf32, #tpu.memory_space<vmem>>, vector<64x128xf32>
      tpu.vector_store %arg9[%swap3A, %swap3A_50], %add3A_49 {strides = array<i32>} : memref<64x128xf32, #tpu.memory_space<vmem>>, vector<64x128xf32>,
      %get3A_52 = arith.constant 0 : index
      %get3A_53 = arith.constant 0 : index
      %get3A_54 = vector.load %arg10[%get3A_52, %get3A_53] : memref<64x128xf32, #tpu.memory_space<vmem>>, vector<64x128xf32>
      %add3A_55 = arith.addf %get3A_54, %dot_general3A_32 : vector<64x128xf32>
      %swap3A_56 = arith.constant 0 : index
      %swap3A_57 = arith.constant 0 : index
      %swap3A_58 = vector.load %arg10[%swap3A_56, %swap3A_57] : memref<64x128xf32, #tpu.memory_space<vmem>>, vector<64x128xf32>
      tpu.vector_store %arg10[%swap3A_56, %swap3A_57], %add3A_55 {strides = array<i32>} : memref<64x128xf32, #tpu.memory_space<vmem>>, vector<64x128xf32>,
    } else {
    }
    %eq3A_41 = arith.constant 9 : i32
    %eq3A_42 = arith.cmpi eq, %arg0, %eq3A_41 : i32
    %convert_element_type3A_43 = arith.extui %eq3A_42 : i1 to i32
    %cond3A_44 = arith.constant 0 : i32
    %cond3A_45 = arith.cmpi ne, %convert_element_type3A_43, %cond3A_44 : i32
    scf.if %cond3A_45 {
      %get3A_46 = arith.constant 0 : index
      %get3A_47 = arith.constant 0 : index
      %get3A_48 = vector.load %arg9[%get3A_46, %get3A_47] : memref<64x128xf32, #tpu.memory_space<vmem>>, vector<64x128xf32>
      %get3A_49 = arith.constant 0 : index
      %get3A_50 = arith.constant 0 : index
      %get3A_51 = vector.load %arg10[%get3A_49, %get3A_50] : memref<64x128xf32, #tpu.memory_space<vmem>>, vector<64x128xf32>
      %max3A_52 = arith.constant 1.000000e+00 : f32
      %max3A_53 = vector.broadcast %max3A_52 : f32 to vector<64x128xf32>
      %max3A_54 = arith.maximumf %get3A_51, %max3A_53 : vector<64x128xf32>
      %div3A = arith.divf %get3A_48, %max3A_54 : vector<64x128xf32>
      %get3A_55 = arith.constant 0 : index
      %get3A_56 = arith.constant 0 : index
      %get3A_57 = vector.load %arg6[%get3A_55, %get3A_56] : memref<64x128xf32, #tpu.memory_space<vmem>>, vector<64x128xf32>
      %dot_general3A_58 = arith.constant dense<0.000000e+00> : vector<64x64xf32>
      %dot_general3A_59 = tpu.matmul %div3A, %get3A_57, %dot_general3A_58 {dimension_numbers = #tpu.dot_dimension_numbers<[1], [1], [0], [0], [0, 0, 1, 0], [], []>, transpose_lhs_hint = false} : vector<64x128xf32>, vector<64x128xf32>, vector<64x64xf32> -> vector<64x64xf32>
      %get3A_60 = arith.constant 0 : index
      %get3A_61 = arith.constant 0 : index
      %get3A_62 = vector.load %arg7[%get3A_60, %get3A_61] : memref<1x64xf32, #tpu.memory_space<vmem>>, vector<1x64xf32>
      %add3A_63 = vector.broadcast %get3A_62 : vector<1x64xf32> to vector<64x64xf32>
      %add3A_64 = arith.addf %dot_general3A_59, %add3A_63 : vector<64x64xf32>
      %swap3A = arith.constant 0 : index
      %swap3A_65 = arith.constant 0 : index
      %swap3A_66 = vector.load %arg8[%swap3A, %swap3A_65] : memref<64x64xf32, #tpu.memory_space<vmem>>, vector<64x64xf32>
      tpu.vector_store %arg8[%swap3A, %swap3A_65], %add3A_64 {strides = array<i32>} : memref<64x64xf32, #tpu.memory_space<vmem>>, vector<64x64xf32>,
    } else {
    }
    return
  }
  func.func @transform_0(%arg0: i32) -> (i32, i32, i32) {
    %c0_i32 = arith.constant 0 : i32
    %c0_i32_0 = arith.constant 0 : i32
    %c0_i32_1 = arith.constant 0 : i32
    return %c0_i32, %arg0, %c0_i32_0 : i32, i32, i32
  }
  func.func @transform_1(%arg0: i32) -> (i32, i32) {
    %c0_i32 = arith.constant 0 : i32
    %c0_i32_0 = arith.constant 0 : i32
    return %arg0, %c0_i32 : i32, i32
  }
  func.func @transform_2(%arg0: i32) -> (i32, i32) {
    %c0_i32 = arith.constant 0 : i32
    %c0_i32_0 = arith.constant 0 : i32
    return %arg0, %c0_i32 : i32, i32
  }
  func.func @transform_3(%arg0: i32) -> (i32, i32) {
    %c0_i32 = arith.constant 0 : i32
    %c0_i32_0 = arith.constant 0 : i32
    return %arg0, %c0_i32 : i32, i32
  }
  func.func @transform_4(%arg0: i32) -> (i32, i32) {
    %c0_i32 = arith.constant 0 : i32
    %c0_i32_0 = arith.constant 0 : i32
    %c0_i32_1 = arith.constant 0 : i32
    return %c0_i32, %c0_i32_0 : i32, i32
  }
  func.func @transform_5(%arg0: i32) -> (i32, i32) {
    %c0_i32 = arith.constant 0 : i32
    %c0_i32_0 = arith.constant 0 : i32
    %c0_i32_1 = arith.constant 0 : i32
    return %c0_i32, %c0_i32_0 : i32, i32
  }
  func.func @transform_6(%arg0: i32) -> (i32, i32) {
    %c0_i32 = arith.constant 0 : i32
    %c0_i32_0 = arith.constant 0 : i32
    %c0_i32_1 = arith.constant 0 : i32
    return %c0_i32, %c0_i32_0 : i32, i32
  }
  func.func @transform_7(%arg0: i32) -> (i32, i32) {
    %c0_i32 = arith.constant 0 : i32
    %c0_i32_0 = arith.constant 0 : i32
    %c0_i32_1 = arith.constant 0 : i32
    return %c0_i32, %c0_i32_0 : i32, i32
  }
}

</mosaic_0001>

<sc_bundles>
// kernel: kernel.6.cloned.1.call-start
scs
__scs_entry_jumppad:
0x0: {  	(pc) =	sbr.rel $0x88, $3  }
0x1: {  	(tag) =	ssettag $0x0;
	lr =	simm.s32 $0x1  }
0x2: {  	[smem:$0x3F9A] =	sst lr;
	_ =	strace $0xD0000000  }
0x3: {  	_ = 	snop  }
0x4: {  	_ = 	snop  }
0x5: {  	_ = 	snop  }
0x6: {  	_ = 	snop  }
0x7: {  	_ = 	snop  }
__scs_overlays_trampoline_lowered:
0x8: {  	[smem:$0x3FA9] =	sst s0  }
0x9: {  	[smem:$0x3FAA] =	sst s1  }
0xa: {  	[smem:$0x3FAB] =	sst s2  }
0xb: {  	[smem:$0x3FAC] =	sst s3  }
0xc: {  	[smem:$0x3FAD] =	sst s4  }
0xd: {  	[smem:$0x3FAE] =	sst s5  }
0xe: {  	[smem:$0x3FAF] =	sst s6  }
0xf: {  	[smem:$0x3FB0] =	sst s7  }
0x10: {  	[smem:$0x3FB1] =	sst s8  }
0x11: {  	[smem:$0x3FB2] =	sst s9;
	s0 =	simm.s32 @!p0 $0x0  }
0x12: {  	s1 =	sld [smem:$0x3F98];
	s0 =	simm.s32 @p0 $0x1  }
0x13: {  	[smem:$0x3FB3] =	sst s0;
	s0 =	simm.s32 @!p1 $0x0  }
0x14: {  	s2 =	sld [smem:$0x3F97];
	s0 =	simm.s32 @p1 $0x1  }
0x15: {  	[smem:$0x3FB4] =	sst s0;
	s0 =	simm.s32 @!p2 $0x0  }
0x16: {  	s3 =	sld [smem:$0x3FDB];
	s0 =	simm.s32 @p2 $0x1  }
0x17: {  	s4 =	simm.s32 $0x1BF5;
	[smem:$0x3FB6] =	sst s0  }
0x18: {  	s0 =	sld [smem:$0x3F99];
	_ =	swait.ge [sflag:s4], $0x0  }
0x19: {  	s7 =	sld [smem:$0x3F9A]  }
0x1a: {  	s8 =	sadd.s32 $0xFFFFE003, lr  }
0x1b: {  	s9 =	sadd.s32 $0xFFFFFEF7, lr;
	s5 =	simm.s32 $0xFFFFFFFF;
	p2 =	slt.u32 s8, $0xFFFFF086  }
0x1c: {  	p1 =	slt.u32 s9, $0xF7A;
	s5 =	simm.s32 @!p2 $0x0  }
0x1d: {  	s5 =	simm.s32 @p1 $0x1;
	p0 =	seq.s32 s7, s2  }
0x1e: {  	s7 =	smul.u32 @!p0 $0xF7A, s2;
	p2 =	seq.s32 @!p0 s5, $0x0  }
0x1f: {  	s9 =	smul.u32 $0xF7A, s1;
	s8 =	simm.s32 @!p0 $0x1BF5;
	p2 =	por !p2, p0  }
0x20: {  	[sflag:s8] =	ssyncset.s32 @!p0 $0xFFFFF086;
	s6 =	sadd.s32 @!p0 s3, s7;
	s7 =	simm.s32 @!p0 $0x108  }
0x21: {  	s3 =	sadd.s32 s3, s9;
	s6 =	sadd.s32 @!p0 $0x88, s6;
	s7 =	simm.s32 @p2 $0x1082  }
0x22: {  	[simem:s7], [sflag:s8] =	dma.local @!p0 [hbm:s6], $0xF7A  }
0x23: {  	s9 =	sor.u32 $0xD0000000, s2;
	s6 =	simm.s32 $0x108;
	_ =	swait.ge @!p0 [sflag:s8], $0x0  }
0x24: {  	s3 =	sadd.s32 $0x88, s3;
	s6 =	simm.s32 @!p1 $0x1082;
	[sflag:s4] =	ssyncset.s32 $0xFFFFF086  }
0x25: {  	[simem:s6], [sflag:s4] =	dma.local [hbm:s3], $0xF7A  }
0x26: {  	[smem:$0x3F9A] =	sst s1;
	(tag) =	ssettag s2;
	_ =	strace s9  }
0x27: {  	s1 =	sld [smem:$0x3FAA]  }
0x28: {  	s2 =	sld [smem:$0x3FAB]  }
0x29: {  	s4 =	sld [smem:$0x3FAD]  }
0x2a: {  	p0 =	seq.s32 s5, $0x0;
	s5 =	sld [smem:$0x3FAE]  }
0x2b: {  	s6 =	sld [smem:$0x3FAF]  }
0x2c: {  	s7 =	sld [smem:$0x3FB0]  }
0x2d: {  	s3 =	simm.s32 $0x108;
	s8 =	sld [smem:$0x3FB1]  }
0x2e: {  	s3 =	simm.s32 @!p0 $0x1082;
	s9 =	sld [smem:$0x3FB2]  }
0x2f: {  	lr =	sadd.s32 s0, s3;
	s0 =	sld [smem:$0x3FA9]  }
0x30: {  	s3 =	sld [smem:$0x3FAC]  }
0x31: {  	[smem:$0x3FB5] =	sst s10  }
0x32: {  	s10 =	sld [smem:$0x3FB3];
	_ =	sdelay $0x3  }
0x33: {  	p0 =	seq.s32 s10, $0x1;
	s10 =	sld [smem:$0x3FB5];
	_ =	sdelay $0x3  }
0x34: {  	[smem:$0x3FB5] =	sst s10  }
0x35: {  	s10 =	sld [smem:$0x3FB4];
	_ =	sdelay $0x3  }
0x36: {  	p1 =	seq.s32 s10, $0x1;
	s10 =	sld [smem:$0x3FB5];
	_ =	sdelay $0x3  }
0x37: {  	[smem:$0x3FB5] =	sst s10  }
0x38: {  	s10 =	sld [smem:$0x3FB6]  }
0x39: {  	_ = 	snop;
	(pc) =	sbr.ind lr, $3  }
0x3a: {  	_ = 	snop  }
0x3b: {  	_ = 	snop  }
0x3c: {  	p2 =	seq.s32 s10, $0x1;
	s10 =	sld [smem:$0x3FB5]  }
0x3d: {  	_ =	shalt  }
0x3e: {  	_ =	shalt  }
0x3f: {  	_ =	shalt  }
0x40: {  	_ =	shalt  }
0x41: {  	_ =	shalt  }
0x42: {  	_ =	shalt  }
0x43: {  	_ =	shalt  }
0x44: {  	_ =	shalt  }
0x45: {  	_ =	shalt  }
0x46: {  	_ =	shalt  }
0x47: {  	_ =	shalt  }
0x48: {  	_ =	shalt  }
0x49: {  	_ =	shalt  }
0x4a: {  	_ =	shalt  }
0x4b: {  	_ =	shalt  }
0x4c: {  	_ =	shalt  }
0x4d: {  	_ =	shalt  }
0x4e: {  	_ =	shalt  }
0x4f: {  	_ =	shalt  }
0x50: {  	_ =	shalt  }
0x51: {  	_ =	shalt  }
0x52: {  	_ =	shalt  }
0x53: {  	_ =	shalt  }
0x54: {  	_ =	shalt  }
0x55: {  	_ =	shalt  }
0x56: {  	_ =	shalt  }
0x57: {  	_ =	shalt  }
0x58: {  	_ =	shalt  }
0x59: {  	_ =	shalt  }
0x5a: {  	_ =	shalt  }
0x5b: {  	_ =	shalt  }
0x5c: {  	_ =	shalt  }
0x5d: {  	_ =	shalt  }
0x5e: {  	_ =	shalt  }
0x5f: {  	_ =	shalt  }
0x60: {  	_ =	shalt  }
0x61: {  	_ =	shalt  }
0x62: {  	_ =	shalt  }
0x63: {  	_ =	shalt  }
0x64: {  	_ =	shalt  }
0x65: {  	_ =	shalt  }
0x66: {  	_ =	shalt  }
0x67: {  	_ =	shalt  }
0x68: {  	_ =	shalt  }
0x69: {  	_ =	shalt  }
0x6a: {  	_ =	shalt  }
0x6b: {  	_ =	shalt  }
0x6c: {  	_ =	shalt  }
0x6d: {  	_ =	shalt  }
0x6e: {  	_ =	shalt  }
0x6f: {  	_ =	shalt  }
0x70: {  	_ =	shalt  }
0x71: {  	_ =	shalt  }
0x72: {  	_ =	shalt  }
0x73: {  	_ =	shalt  }
0x74: {  	_ =	shalt  }
0x75: {  	_ =	shalt  }
0x76: {  	_ =	shalt  }
0x77: {  	_ =	shalt  }
0x78: {  	_ =	shalt  }
0x79: {  	_ =	shalt  }
0x7a: {  	_ =	shalt  }
0x7b: {  	_ =	shalt  }
0x7c: {  	_ =	shalt  }
0x7d: {  	_ =	shalt  }
0x7e: {  	_ =	shalt  }
0x7f: {  	_ =	shalt  }
0x80: {  	_ =	shalt  }
0x81: {  	_ =	shalt  }
0x82: {  	_ =	shalt  }
0x83: {  	_ =	shalt  }
0x84: {  	_ =	shalt  }
0x85: {  	_ =	shalt  }
0x86: {  	_ =	shalt  }
0x87: {  	_ =	shalt  }
.Lfunc_end0:
.L_simem_size_0:
called_computation_lowered:
.L_overlay_start_0:
0x88: {  	s2 =	sld [smem:$0x3FD9]  }
0x89: {  	s3 =	sld [smem:$0x3FFE];
	_ =	sdelay $0x1  }
0x8a: {  	s1 =	srdreg.scid  }
0x8b: {  	s0 =	sand.u32 $0x1, s1  }
0x8c: {  	s16 =	sshll.u32 s0, $0xA;
	s2 =	sadd.s32 s3, s2  }
0x8d: {  	s2 =	sadd.s32 s2, s16  }
0x8e: {  	[smem:$0x3FC1] =	sst s2  }
0x8f: {  	_ = 	snop  }
0x90: {  	(tm) =	ssettm $0x1  }
0x91: {  	s17 =	sld [smem:$0x3FFB];
	_ =	sdelay $0x3  }
0x92: {  	_ =	strace s17  }
0x93: {  	s2 =	sld [smem:$0x3FFC];
	_ =	sdelay $0x3  }
0x94: {  	_ =	strace s2  }
0x95: {  	s2 =	sld [smem:$0x3FFD];
	_ =	sdelay $0x3  }
0x96: {  	_ =	strace s2  }
0x97: {  	_ =	strace $0x8FFFFFFF  }
0x98: {  	s18 =	sld [smem:$0x3FDB];
	_ =	sdelay $0x1  }
0x99: {  	s19 =	simm.s32 $_scs_section_size  }
0x9a: {  	s4 =	simm.s32 $_size__tile_overlayer_lowered;
	s5 =	simm.s32 $_tile_overlayer_lowered  }
0x9b: {  	s22 =	simm.s32 $0x1BFF;
	s21 =	sshll.u32 s5, $0x1;
	s2 =	sadd.s32 s19, s18  }
0x9c: {  	s6 =	simm.s32 $0x0;
	s20 =	sshll.u32 s4, $0x1;
	s4 =	sadd.s32 s21, s2  }
0x9d: {  	[timem:s6], [sflag:s22] =	dma.local [hbm:s4], s20  }
0x9e: {  	_ =	swait.ge [sflag:s22], s20  }
0x9f: {  	s3 =	ssub.s32 $0x0, s20;
	[sflag:s22] =	ssyncset.done $0x0  }
0xa0: {  	[sflag:s22] =	ssyncadd.s32 s3;
	_ =	sdelay $0x1  }
0xa1: {  	s23 =	simm.s32 $0x1B8B  }
0xa2: {  	_ =	swait.ge [sflag:s23], $0x1  }
0xa3: {  	[sflag:s23] =	ssyncset.done $0x0  }
0xa4: {  	s25 =	simm.s32 $0x1B8E;
	s24 =	sld [smem:$0x3FFE];
	[sflag:s23] =	ssyncadd.s32 $0xFFFFFFFF  }
0xa5: {  	s26 =	simm.s32 $execute0_lowered;
	[smem:$0x3FD2] =	sst s25  }
0xa6: {  	s4 =	sshll.u32 s26, $0x1;
	_ =	strace $0x80000046;
	[dreg:$0x1] =	wrdreg $0xFFFFFFFF  }
0xa7: {  	s28 =	simm.s32 $_size_execute0_lowered;
	s2 =	sadd.s32 s2, s4;
	[dreg:$0x0] =	wrdreg $0x0  }
0xa8: {  	s4 =	sshll.u32 s28, $0x1;
	[dreg:$0x2] =	wrdreg s2  }
0xa9: {  	[dreg:$0x3] =	wrdreg s4  }
0xaa: {  	[dreg:$0x4] =	wrdreg $0xC0  }
0xab: {  	_ =	task [dreg:s6], $0x5FFFF  }
0xac: {  	[dreg:$0x1] =	wrdreg $0xFFFFFFFF  }
0xad: {  	[dreg:$0x0] =	wrdreg $0x60  }
0xae: {  	[dreg:$0x2] =	wrdreg s24  }
0xaf: {  	[dreg:$0x3] =	wrdreg $0x2B000  }
0xb0: {  	[dreg:$0x4] =	wrdreg $0x9  }
0xb1: {  	_ =	task.clear_ibuf [dreg:s6], $0x5FFFF;
	_ =	strace $0x90000046  }
0xb2: {  	s29 =	simm.s32 $0x9;
	_ =	strace $0x80000048  }
0xb3: {  	_ =	swait.ge [sflag:s29], $0x1  }
0xb4: {  	[sflag:s29] =	ssyncadd.s32 $0xFFFFFFFF  }
0xb5: {  	_ =	strace $0x90000048  }
0xb6: {  	_ =	sfence  }
0xb7: {  	s30 =	sld [smem:$0x0];
	_ =	sdelay $0x2  }
0xb8: {  	s31 =	sshll.u32 s1, $0xD;
	s1 =	sshrl.u32 s1, $0x2  }
0xb9: {  	s3 =	sand.u32 $0x4000, s31;
	s1 =	sadd.s32 s1, s30  }
0xba: {  	s0 =	sor.u32 s3, s0;
	s1 =	sshll.u32 s1, $0x11  }
0xbb: {  	s0 =	sor.u32 s1, s0  }
0xbc: {  	s0 =	sadd.s32 $0x8F2B, s0  }
0xbd: {  	[sflag:s0] =	ssyncadd.remote.s32 $0x1  }
0xbe: {  	_ =	sfence.sel $0xFFFF  }
0xbf: {  	[dreg:$0x0] =	wrdreg $0xFFFFFFFF;
	(pc) =	sbr.abs _section_cstart, $3  }
0xc0: {  	[dreg:$0x1] =	wrdreg $0xFFFFFFFF  }
0xc1: {  	_ =	task.clear_ibuf [dreg:s6], $0x2FFFF;
	_ =	strace $0x9FFFFFFF  }
0xc2: {  	(tm) =	ssettm $0x7FFFFFFF  }
0xc3: {  	_ =	shalt  }
tec
execute0_lowered:
.L_overlay_start_1:
0x0: {  	(tag) =	ssettag $0x1  }
0x1: {  	s1 =	srdreg.scid  }
0x2: {  	s0 =	stileid.u32;
	s4 =	rddreg [dreg:$0x0]  }
0x3: {  	s2 =	rddreg [dreg:$0x1];
	s3 =	simm.s32 $0x0;
	s10 =	simm.s32 $0x80  }
0x4: {  	s11 =	simm.s32 $0x2800;
	s12 =	simm.s32 $0x100;
	s13 =	simm.s32 $0x0  }
0x5: {  	s5 =	sand.u32 $0x1, s1;
	s1 =	rddreg [dreg:$0x2];
	s7 =	smul.u32 $0x500, s0  }
0x6: {  	s30 =	sshll.u32 s0, $0x1;
	[smem:$0x7FF] =	sst s3;
	s9 =	smul.u32 $0xA00, s0  }
0x7: {  	s6 =	sor.u32 s5, s30;
	_ =	strace $0x80000047;
	s8 =	sshll.u32 s5, $0x7  }
0x8: {  	s5 =	ssub.s32 $0x2, s5;
	s6 =	smul.u32 $0x500, s6;
	s7 =	sor.u32 s8, s7  }
0x9: {  	s31 =	sshrl.u32 s5, $0x1;
	s9 =	sshrl.u32 s9, $0x2;
	s7 =	sshrl.u32 s7, $0x3  }
0xa: {  	s8 =	ssub.s32 s5, s31;
	s6 =	sadd.s32 s6, s4;
	s7 =	sadd.s32 s7, s4  }
0xb: {  	s4 =	sadd.s32 s9, s2;
	s9 =	simm.s32 $0x1;
	s5 =	sadd.s32 $0x1200, s6  }
0xc: {  	v0 =	vimm.f32 $0.0e+00;
	v1 =	vimm.f32 $1.000000000e+00;
	s6 =	sadd.s32 $0xB200, s7;
	s7 =	smax.u32 s8, $0x1;
	s8 =	simm.s32 $0x2880  }
.LBB2_1:
0xd: {  	[tilespmem:$0x2880] =	vst v0  }
0xe: {  	[tilespmem:$0x2890] =	vst v0  }
0xf: {  	[tilespmem:$0x28A0] =	vst v0  }
0x10: {  	[tilespmem:$0x28B0] =	vst v0  }
0x11: {  	[tilespmem:$0x28C0] =	vst v0  }
0x12: {  	[tilespmem:$0x28D0] =	vst v0  }
0x13: {  	[tilespmem:$0x28E0] =	vst v0  }
0x14: {  	[tilespmem:$0x28F0] =	vst v0  }
0x15: {  	[tilespmem:$0x2900] =	vst v0  }
0x16: {  	[tilespmem:$0x2910] =	vst v0  }
0x17: {  	[tilespmem:$0x2920] =	vst v0  }
0x18: {  	[tilespmem:$0x2930] =	vst v0  }
0x19: {  	[tilespmem:$0x2940] =	vst v0  }
0x1a: {  	[tilespmem:$0x2950] =	vst v0  }
0x1b: {  	[tilespmem:$0x2960] =	vst v0  }
0x1c: {  	[tilespmem:$0x2970] =	vst v0  }
0x1d: {  	[tilespmem:$0x2980] =	vst v0  }
0x1e: {  	[tilespmem:$0x2990] =	vst v0  }
0x1f: {  	[tilespmem:$0x29A0] =	vst v0  }
0x20: {  	[tilespmem:$0x29B0] =	vst v0  }
0x21: {  	[tilespmem:$0x29C0] =	vst v0  }
0x22: {  	[tilespmem:$0x29D0] =	vst v0  }
0x23: {  	[tilespmem:$0x29E0] =	vst v0  }
0x24: {  	[tilespmem:$0x29F0] =	vst v0  }
0x25: {  	[tilespmem:$0x2A00] =	vst v0  }
0x26: {  	[tilespmem:$0x2A10] =	vst v0  }
0x27: {  	[tilespmem:$0x2A20] =	vst v0  }
0x28: {  	[tilespmem:$0x2A30] =	vst v0  }
0x29: {  	[tilespmem:$0x2A40] =	vst v0  }
0x2a: {  	[tilespmem:$0x2A50] =	vst v0  }
0x2b: {  	[tilespmem:$0x2A60] =	vst v0  }
0x2c: {  	[tilespmem:$0x2A70] =	vst v0  }
0x2d: {  	[tilespmem:$0x2A80] =	vst v0  }
0x2e: {  	[tilespmem:$0x2A90] =	vst v0  }
0x2f: {  	[tilespmem:$0x2AA0] =	vst v0  }
0x30: {  	[tilespmem:$0x2AB0] =	vst v0  }
0x31: {  	[tilespmem:$0x2AC0] =	vst v0  }
0x32: {  	[tilespmem:$0x2AD0] =	vst v0  }
0x33: {  	[tilespmem:$0x2AE0] =	vst v0  }
0x34: {  	[tilespmem:$0x2AF0] =	vst v0  }
0x35: {  	[tilespmem:$0x2800] =	vst v1  }
0x36: {  	[tilespmem:$0x2810] =	vst v1  }
0x37: {  	[tilespmem:$0x2820] =	vst v1  }
0x38: {  	[tilespmem:$0x2830] =	vst v1  }
0x39: {  	[tilespmem:$0x2840] =	vst v1  }
0x3a: {  	[tilespmem:$0x2850] =	vst v1  }
0x3b: {  	[tilespmem:$0x2860] =	vst v1  }
0x3c: {  	[tilespmem:$0x2870] =	vst v1  }
0x3d: {  	[spmem:s4] =	stream.linear.scatter [tilespmem:s8], [sflag:$0x1], $0x280, $0x38;
	[tilespmem:$0x2D80] =	vst v63  }
0x3e: {  	_ =	swait.ge [sflag:s9], $0x280  }
0x3f: {  	[sflag:s9] =	ssyncset.done $0x0  }
0x40: {  	[sflag:s9] =	ssyncadd.s32 $0xFFFFFD80  }
0x41: {  	[bflag:$0x0] =	sbarrier.arrive $0xFFFF  }
0x42: {  	[tilespmem:s3], [sflag:$0x1] =	stream.linear.gather [hbm4b:s5+s3], $0x2800, $0x38;
	[tilespmem:$0x2D80] =	vst v63  }
0x43: {  	_ =	swait.ge [sflag:s9], $0x2800  }
0x44: {  	[sflag:s9] =	ssyncset.done $0x0  }
0x45: {  	s14 =	simm.s32 $0x0;
	[sflag:s9] =	ssyncadd.s32 $0xFFFFD800  }
0x46: {  	[spmem:s2] =	stream.indirect.scatter.add.f32 [tilespmem:s11], [sflag:$0x1], $0x1, s14, s10, $0xb8;
	[tilespmem:$0x2D80] =	vst v63  }
0x47: {  	_ =	swait.ge [sflag:s9], $0x80  }
0x48: {  	s14 =	simm.s32 $0x200;
	[sflag:s9] =	ssyncset.done $0x0  }
.LBB2_2:
0x49: {  	s15 =	sshra.s32 s14, $0x2;
	[sflag:s9] =	ssyncadd.s32 $0xFFFFFF80;
	p0 =	sne.s32 s14, $0x9E00  }
0x4a: {  	[spmem:s2] =	stream.indirect.scatter.add.f32 [tilespmem:s11], [sflag:$0x1], $0x1, s15, s10, $0xb8;
	[tilespmem:$0x2D80] =	vst v63  }
.Ltmp0:
0x4b: {  	_ = 	snop;
	(pc) =	sbr.rel @p0 .LBB2_2-.Ltmp0, $4  }
0x4c: {  	_ = 	snop  }
0x4d: {  	s14 =	sadd.s32 $0x200, s14  }
0x4e: {  	_ =	swait.ge [sflag:s9], $0x80  }
0x4f: {  	[sflag:s9] =	ssyncset.done $0x0  }
0x50: {  	[sflag:s9] =	ssyncadd.s32 $0xFFFFFF80  }
0x51: {  	[bflag:$0x0] =	sbarrier.arrive $0xFFFF  }
0x52: {  	[tilespmem:s8], [sflag:$0x1] =	stream.linear.gather [spmem:s4], $0x280, $0x38;
	[tilespmem:$0x2D80] =	vst v63  }
0x53: {  	s13 =	sadd.s32 $0x1, s13;
	_ =	swait.ge [sflag:s9], $0x280  }
0x54: {  	p0 =	sne.s32 s13, s7;
	[sflag:s9] =	ssyncset.done $0x0  }
.Ltmp1:
0x55: {  	[sflag:s9] =	ssyncadd.s32 $0xFFFFFD80;
	(pc) =	sbr.rel @p0 .LBB2_1-.Ltmp1, $4  }
0x56: {  	[hbm4b:s6+s10] =	stream.strided.scatter [tilespmem:s8], [sflag:$0x1], $0x280, s12, s10, $0x38;
	[tilespmem:$0x2D80] =	vst v63  }
0x57: {  	_ =	swait.ge [sflag:s9], $0x280  }
0x58: {  	[sflag:s9] =	ssyncset.done $0x0  }
0x59: {  	[sflag:s9] =	ssyncadd.s32 $0xFFFFFD80  }
0x5a: {  	_ =	sfence.sel $0x180000  }
0x5b: {  	[bflag:$0x0] =	sbarrier.arrive $0xFFFF  }
0x5c: {  	p0 =	sne.s32 s0, $0x0;
	_ =	strace $0x90000047  }
0x5d: {  	s0 =	sadd.s32 @!p0 $0x100000, s1;
	[bflag:$0x2] =	sbarrier.arrive $0xFFFF  }
0x5e: {  	[sflag:s0] =	ssyncadd.tile.s32 @!p0 $0x1;
	_ =	shalt  }
.Lfunc_end2:
_tile_overlayer_lowered:
.L_overlay_start_2:
0x5f: {  	(tag) =	ssettag $0x2  }
0x60: {  	s0 =	rddreg [dreg:$0x0];
	s2 =	stileid.u32  }
0x61: {  	s1 =	rddreg [dreg:$0x1];
	p0 =	sne.s32 s2, $0x0  }
0x62: {  	s3 =	rddreg [dreg:$0x2];
	[bflag:$0x3] =	sbarrier.arrive $0xFFFF;
	s2 =	simm.s32 @!p0 $0x1C01  }
0x63: {  	[timem:s3], [sflag:s2] =	dma.local @!p0 [hbm:s0], s1  }
0x64: {  	s0 =	simm.s32 @!p0 $0x1  }
0x65: {  	_ =	swait.ge @!p0 [sflag:s0], s1  }
0x66: {  	s1 =	ssub.s32 @!p0 $0x0, s1;
	[sflag:s0] =	ssyncset.done @!p0 $0x0  }
0x67: {  	[sflag:s0] =	ssyncadd.s32 @!p0 s1  }
0x68: {  	[bflag:$0x3] =	sbarrier.arrive $0xFFFF  }
0x69: {  	_ =	shalt  }

// kernel: kernel.9.cloned.1.call-start
scs
__scs_entry_jumppad:
0x0: {  	(pc) =	sbr.rel $0x88, $3  }
0x1: {  	(tag) =	ssettag $0x0;
	lr =	simm.s32 $0x1  }
0x2: {  	[smem:$0x3F9A] =	sst lr;
	_ =	strace $0xD0000000  }
0x3: {  	_ = 	snop  }
0x4: {  	_ = 	snop  }
0x5: {  	_ = 	snop  }
0x6: {  	_ = 	snop  }
0x7: {  	_ = 	snop  }
__scs_overlays_trampoline_lowered:
0x8: {  	[smem:$0x3FA9] =	sst s0  }
0x9: {  	[smem:$0x3FAA] =	sst s1  }
0xa: {  	[smem:$0x3FAB] =	sst s2  }
0xb: {  	[smem:$0x3FAC] =	sst s3  }
0xc: {  	[smem:$0x3FAD] =	sst s4  }
0xd: {  	[smem:$0x3FAE] =	sst s5  }
0xe: {  	[smem:$0x3FAF] =	sst s6  }
0xf: {  	[smem:$0x3FB0] =	sst s7  }
0x10: {  	[smem:$0x3FB1] =	sst s8  }
0x11: {  	[smem:$0x3FB2] =	sst s9;
	s0 =	simm.s32 @!p0 $0x0  }
0x12: {  	s1 =	sld [smem:$0x3F98];
	s0 =	simm.s32 @p0 $0x1  }
0x13: {  	[smem:$0x3FB3] =	sst s0;
	s0 =	simm.s32 @!p1 $0x0  }
0x14: {  	s2 =	sld [smem:$0x3F97];
	s0 =	simm.s32 @p1 $0x1  }
0x15: {  	[smem:$0x3FB4] =	sst s0;
	s0 =	simm.s32 @!p2 $0x0  }
0x16: {  	s3 =	sld [smem:$0x3FDB];
	s0 =	simm.s32 @p2 $0x1  }
0x17: {  	s4 =	simm.s32 $0x1BF5;
	[smem:$0x3FB6] =	sst s0  }
0x18: {  	s0 =	sld [smem:$0x3F99];
	_ =	swait.ge [sflag:s4], $0x0  }
0x19: {  	s7 =	sld [smem:$0x3F9A]  }
0x1a: {  	s8 =	sadd.s32 $0xFFFFE003, lr  }
0x1b: {  	s9 =	sadd.s32 $0xFFFFFEF7, lr;
	s5 =	simm.s32 $0xFFFFFFFF;
	p2 =	slt.u32 s8, $0xFFFFF086  }
0x1c: {  	p1 =	slt.u32 s9, $0xF7A;
	s5 =	simm.s32 @!p2 $0x0  }
0x1d: {  	s5 =	simm.s32 @p1 $0x1;
	p0 =	seq.s32 s7, s2  }
0x1e: {  	s7 =	smul.u32 @!p0 $0xF7A, s2;
	p2 =	seq.s32 @!p0 s5, $0x0  }
0x1f: {  	s9 =	smul.u32 $0xF7A, s1;
	s8 =	simm.s32 @!p0 $0x1BF5;
	p2 =	por !p2, p0  }
0x20: {  	[sflag:s8] =	ssyncset.s32 @!p0 $0xFFFFF086;
	s6 =	sadd.s32 @!p0 s3, s7;
	s7 =	simm.s32 @!p0 $0x108  }
0x21: {  	s3 =	sadd.s32 s3, s9;
	s6 =	sadd.s32 @!p0 $0x88, s6;
	s7 =	simm.s32 @p2 $0x1082  }
0x22: {  	[simem:s7], [sflag:s8] =	dma.local @!p0 [hbm:s6], $0xF7A  }
0x23: {  	s9 =	sor.u32 $0xD0000000, s2;
	s6 =	simm.s32 $0x108;
	_ =	swait.ge @!p0 [sflag:s8], $0x0  }
0x24: {  	s3 =	sadd.s32 $0x88, s3;
	s6 =	simm.s32 @!p1 $0x1082;
	[sflag:s4] =	ssyncset.s32 $0xFFFFF086  }
0x25: {  	[simem:s6], [sflag:s4] =	dma.local [hbm:s3], $0xF7A  }
0x26: {  	[smem:$0x3F9A] =	sst s1;
	(tag) =	ssettag s2;
	_ =	strace s9  }
0x27: {  	s1 =	sld [smem:$0x3FAA]  }
0x28: {  	s2 =	sld [smem:$0x3FAB]  }
0x29: {  	s4 =	sld [smem:$0x3FAD]  }
0x2a: {  	p0 =	seq.s32 s5, $0x0;
	s5 =	sld [smem:$0x3FAE]  }
0x2b: {  	s6 =	sld [smem:$0x3FAF]  }
0x2c: {  	s7 =	sld [smem:$0x3FB0]  }
0x2d: {  	s3 =	simm.s32 $0x108;
	s8 =	sld [smem:$0x3FB1]  }
0x2e: {  	s3 =	simm.s32 @!p0 $0x1082;
	s9 =	sld [smem:$0x3FB2]  }
0x2f: {  	lr =	sadd.s32 s0, s3;
	s0 =	sld [smem:$0x3FA9]  }
0x30: {  	s3 =	sld [smem:$0x3FAC]  }
0x31: {  	[smem:$0x3FB5] =	sst s10  }
0x32: {  	s10 =	sld [smem:$0x3FB3];
	_ =	sdelay $0x3  }
0x33: {  	p0 =	seq.s32 s10, $0x1;
	s10 =	sld [smem:$0x3FB5];
	_ =	sdelay $0x3  }
0x34: {  	[smem:$0x3FB5] =	sst s10  }
0x35: {  	s10 =	sld [smem:$0x3FB4];
	_ =	sdelay $0x3  }
0x36: {  	p1 =	seq.s32 s10, $0x1;
	s10 =	sld [smem:$0x3FB5];
	_ =	sdelay $0x3  }
0x37: {  	[smem:$0x3FB5] =	sst s10  }
0x38: {  	s10 =	sld [smem:$0x3FB6]  }
0x39: {  	_ = 	snop;
	(pc) =	sbr.ind lr, $3  }
0x3a: {  	_ = 	snop  }
0x3b: {  	_ = 	snop  }
0x3c: {  	p2 =	seq.s32 s10, $0x1;
	s10 =	sld [smem:$0x3FB5]  }
0x3d: {  	_ =	shalt  }
0x3e: {  	_ =	shalt  }
0x3f: {  	_ =	shalt  }
0x40: {  	_ =	shalt  }
0x41: {  	_ =	shalt  }
0x42: {  	_ =	shalt  }
0x43: {  	_ =	shalt  }
0x44: {  	_ =	shalt  }
0x45: {  	_ =	shalt  }
0x46: {  	_ =	shalt  }
0x47: {  	_ =	shalt  }
0x48: {  	_ =	shalt  }
0x49: {  	_ =	shalt  }
0x4a: {  	_ =	shalt  }
0x4b: {  	_ =	shalt  }
0x4c: {  	_ =	shalt  }
0x4d: {  	_ =	shalt  }
0x4e: {  	_ =	shalt  }
0x4f: {  	_ =	shalt  }
0x50: {  	_ =	shalt  }
0x51: {  	_ =	shalt  }
0x52: {  	_ =	shalt  }
0x53: {  	_ =	shalt  }
0x54: {  	_ =	shalt  }
0x55: {  	_ =	shalt  }
0x56: {  	_ =	shalt  }
0x57: {  	_ =	shalt  }
0x58: {  	_ =	shalt  }
0x59: {  	_ =	shalt  }
0x5a: {  	_ =	shalt  }
0x5b: {  	_ =	shalt  }
0x5c: {  	_ =	shalt  }
0x5d: {  	_ =	shalt  }
0x5e: {  	_ =	shalt  }
0x5f: {  	_ =	shalt  }
0x60: {  	_ =	shalt  }
0x61: {  	_ =	shalt  }
0x62: {  	_ =	shalt  }
0x63: {  	_ =	shalt  }
0x64: {  	_ =	shalt  }
0x65: {  	_ =	shalt  }
0x66: {  	_ =	shalt  }
0x67: {  	_ =	shalt  }
0x68: {  	_ =	shalt  }
0x69: {  	_ =	shalt  }
0x6a: {  	_ =	shalt  }
0x6b: {  	_ =	shalt  }
0x6c: {  	_ =	shalt  }
0x6d: {  	_ =	shalt  }
0x6e: {  	_ =	shalt  }
0x6f: {  	_ =	shalt  }
0x70: {  	_ =	shalt  }
0x71: {  	_ =	shalt  }
0x72: {  	_ =	shalt  }
0x73: {  	_ =	shalt  }
0x74: {  	_ =	shalt  }
0x75: {  	_ =	shalt  }
0x76: {  	_ =	shalt  }
0x77: {  	_ =	shalt  }
0x78: {  	_ =	shalt  }
0x79: {  	_ =	shalt  }
0x7a: {  	_ =	shalt  }
0x7b: {  	_ =	shalt  }
0x7c: {  	_ =	shalt  }
0x7d: {  	_ =	shalt  }
0x7e: {  	_ =	shalt  }
0x7f: {  	_ =	shalt  }
0x80: {  	_ =	shalt  }
0x81: {  	_ =	shalt  }
0x82: {  	_ =	shalt  }
0x83: {  	_ =	shalt  }
0x84: {  	_ =	shalt  }
0x85: {  	_ =	shalt  }
0x86: {  	_ =	shalt  }
0x87: {  	_ =	shalt  }
.Lfunc_end0:
.L_simem_size_0:
called_computation.1_lowered:
.L_overlay_start_0:
0x88: {  	s2 =	sld [smem:$0x3FD9]  }
0x89: {  	s3 =	sld [smem:$0x3FFE];
	_ =	sdelay $0x1  }
0x8a: {  	s1 =	srdreg.scid  }
0x8b: {  	s0 =	sand.u32 $0x1, s1  }
0x8c: {  	s16 =	sshll.u32 s0, $0xA;
	s2 =	sadd.s32 s3, s2  }
0x8d: {  	s2 =	sadd.s32 s2, s16  }
0x8e: {  	[smem:$0x3FC1] =	sst s2  }
0x8f: {  	_ = 	snop  }
0x90: {  	(tm) =	ssettm $0x1  }
0x91: {  	s17 =	sld [smem:$0x3FFB];
	_ =	sdelay $0x3  }
0x92: {  	_ =	strace s17  }
0x93: {  	s2 =	sld [smem:$0x3FFC];
	_ =	sdelay $0x3  }
0x94: {  	_ =	strace s2  }
0x95: {  	s2 =	sld [smem:$0x3FFD];
	_ =	sdelay $0x3  }
0x96: {  	_ =	strace s2  }
0x97: {  	_ =	strace $0x8FFFFFFF  }
0x98: {  	s18 =	sld [smem:$0x3FDB];
	_ =	sdelay $0x1  }
0x99: {  	s19 =	simm.s32 $_scs_section_size  }
0x9a: {  	s4 =	simm.s32 $_size__tile_overlayer_lowered;
	s5 =	simm.s32 $_tile_overlayer_lowered  }
0x9b: {  	s22 =	simm.s32 $0x1BFF;
	s21 =	sshll.u32 s5, $0x1;
	s2 =	sadd.s32 s19, s18  }
0x9c: {  	s6 =	simm.s32 $0x0;
	s20 =	sshll.u32 s4, $0x1;
	s4 =	sadd.s32 s21, s2  }
0x9d: {  	[timem:s6], [sflag:s22] =	dma.local [hbm:s4], s20  }
0x9e: {  	_ =	swait.ge [sflag:s22], s20  }
0x9f: {  	s3 =	ssub.s32 $0x0, s20;
	[sflag:s22] =	ssyncset.done $0x0  }
0xa0: {  	[sflag:s22] =	ssyncadd.s32 s3;
	_ =	sdelay $0x1  }
0xa1: {  	s23 =	simm.s32 $0x1B8B  }
0xa2: {  	_ =	swait.ge [sflag:s23], $0x1  }
0xa3: {  	[sflag:s23] =	ssyncset.done $0x0  }
0xa4: {  	s25 =	simm.s32 $0x1B8E;
	s24 =	sld [smem:$0x3FFE];
	[sflag:s23] =	ssyncadd.s32 $0xFFFFFFFF  }
0xa5: {  	s26 =	simm.s32 $execute0_lowered;
	[smem:$0x3FD2] =	sst s25  }
0xa6: {  	s4 =	sshll.u32 s26, $0x1;
	_ =	strace $0x80000049;
	[dreg:$0x1] =	wrdreg $0xFFFFFFFF  }
0xa7: {  	s28 =	simm.s32 $_size_execute0_lowered;
	s2 =	sadd.s32 s2, s4;
	[dreg:$0x0] =	wrdreg $0x0  }
0xa8: {  	s4 =	sshll.u32 s28, $0x1;
	[dreg:$0x2] =	wrdreg s2  }
0xa9: {  	[dreg:$0x3] =	wrdreg s4  }
0xaa: {  	[dreg:$0x4] =	wrdreg $0xC0  }
0xab: {  	_ =	task [dreg:s6], $0x5FFFF  }
0xac: {  	[dreg:$0x1] =	wrdreg $0xFFFFFFFF  }
0xad: {  	[dreg:$0x0] =	wrdreg $0x60  }
0xae: {  	[dreg:$0x2] =	wrdreg s24  }
0xaf: {  	[dreg:$0x3] =	wrdreg $0x90000  }
0xb0: {  	[dreg:$0x4] =	wrdreg $0x9  }
0xb1: {  	_ =	task.clear_ibuf [dreg:s6], $0x5FFFF;
	_ =	strace $0x90000049  }
0xb2: {  	s29 =	simm.s32 $0x9;
	_ =	strace $0x8000004B  }
0xb3: {  	_ =	swait.ge [sflag:s29], $0x1  }
0xb4: {  	[sflag:s29] =	ssyncadd.s32 $0xFFFFFFFF  }
0xb5: {  	_ =	strace $0x9000004B  }
0xb6: {  	_ =	sfence  }
0xb7: {  	s30 =	sld [smem:$0x0];
	_ =	sdelay $0x2  }
0xb8: {  	s31 =	sshll.u32 s1, $0xD;
	s1 =	sshrl.u32 s1, $0x2  }
0xb9: {  	s3 =	sand.u32 $0x4000, s31;
	s1 =	sadd.s32 s1, s30  }
0xba: {  	s0 =	sor.u32 s3, s0;
	s1 =	sshll.u32 s1, $0x11  }
0xbb: {  	s0 =	sor.u32 s1, s0  }
0xbc: {  	s0 =	sadd.s32 $0x8F2B, s0  }
0xbd: {  	[sflag:s0] =	ssyncadd.remote.s32 $0x1  }
0xbe: {  	_ =	sfence.sel $0xFFFF  }
0xbf: {  	[dreg:$0x0] =	wrdreg $0xFFFFFFFF;
	(pc) =	sbr.abs _section_cstart, $3  }
0xc0: {  	[dreg:$0x1] =	wrdreg $0xFFFFFFFF  }
0xc1: {  	_ =	task.clear_ibuf [dreg:s6], $0x2FFFF;
	_ =	strace $0x9FFFFFFF  }
0xc2: {  	(tm) =	ssettm $0x7FFFFFFF  }
0xc3: {  	_ =	shalt  }
tec
execute0_lowered:
.L_overlay_start_1:
0x0: {  	(tag) =	ssettag $0x1  }
0x1: {  	s0 =	srdreg.scid  }
0x2: {  	s12 =	stileid.u32;
	s3 =	rddreg [dreg:$0x0]  }
0x3: {  	s1 =	rddreg [dreg:$0x1];
	s2 =	simm.s32 $0x0;
	s0 =	sand.u32 $0x1, s0  }
0x4: {  	s4 =	sshll.u32 s12, $0x1;
	[smem:$0x7FF] =	sst s2;
	s6 =	sadd.s32 $0xBC00, s3  }
0x5: {  	s7 =	sadd.s32 $0x1200, s3;
	s26 =	smul.u32 $0x14000, s12;
	s4 =	sor.u32 s0, s4  }
0x6: {  	s9 =	sadd.s32 $0x3DC00, s3;
	s5 =	ssub.s32 $0x2, s0;
	s4 =	smul.u32 $0x2800, s4  }
0x7: {  	s0 =	smul.u32 $0x140000, s0;
	s8 =	sshrl.u32 s5, $0x1;
	s30 =	sadd.s32 $0x4000, s26  }
0x8: {  	s16 =	sadd.s32 $0x8000, s26;
	s18 =	sadd.s32 $0xC000, s26;
	s4 =	sshrl.u32 s4, $0x3  }
0x9: {  	s29 =	sadd.s32 s0, s26;
	s14 =	sadd.s32 s0, s30;
	s10 =	sadd.s32 s6, s4  }
0xa: {  	s20 =	sadd.s32 $0x100, s4;
	s11 =	sadd.s32 s7, s4;
	[dreg:$0x3] =	wrdreg s10  }
0xb: {  	s17 =	sadd.s32 s0, s16;
	[dreg:$0x4] =	wrdreg s11;
	s21 =	sadd.s32 s6, s20  }
0xc: {  	s22 =	sadd.s32 $0x200, s4;
	s10 =	sadd.s32 s7, s20;
	[dreg:$0x5] =	wrdreg s21  }
0xd: {  	s19 =	sadd.s32 s0, s18;
	s23 =	sadd.s32 s6, s22;
	[dreg:$0x6] =	wrdreg s10  }
0xe: {  	s25 =	sadd.s32 $0x300, s4;
	s24 =	sadd.s32 s7, s22;
	[dreg:$0x7] =	wrdreg s23  }
0xf: {  	s4 =	sadd.s32 $0x400, s4;
	s28 =	sadd.s32 s6, s25;
	[dreg:$0x8] =	wrdreg s24  }
0x10: {  	s13 =	sshrl.u32 s29, $0x3;
	s6 =	sadd.s32 s6, s4;
	[dreg:$0x9] =	wrdreg s28  }
0x11: {  	s15 =	sshrl.u32 s14, $0x3;
	s4 =	sadd.s32 s7, s4;
	[dreg:$0xb] =	wrdreg s6  }
0x12: {  	s11 =	sadd.s32 $0x10000, s26;
	s10 =	sadd.s32 s7, s25;
	[dreg:$0xc] =	wrdreg s4  }
0x13: {  	s4 =	sadd.s32 s9, s13;
	s0 =	sadd.s32 s0, s11;
	[dreg:$0xa] =	wrdreg s10  }
0x14: {  	[dreg:$0xd] =	wrdreg s4;
	s4 =	sadd.s32 s9, s15;
	s0 =	sshrl.u32 s0, $0x3  }
0x15: {  	[dreg:$0xe] =	wrdreg s4;
	s4 =	sshrl.u32 s17, $0x3;
	s0 =	sadd.s32 s9, s0  }
0x16: {  	s20 =	sshrl.u32 s19, $0x3;
	s4 =	sadd.s32 s9, s4;
	[dreg:$0x11] =	wrdreg s0  }
0x17: {  	s5 =	ssub.s32 s5, s8;
	[dreg:$0xf] =	wrdreg s4;
	s4 =	sadd.s32 s9, s20  }
0x18: {  	s8 =	smul.u32 $0x50000, s12;
	s22 =	smax.u32 s5, $0x1;
	[dreg:$0x10] =	wrdreg s4  }
0x19: {  	s23 =	sadd.s32 s30, s1;
	_ =	strace $0x8000004A;
	[dreg:$0x13] =	wrdreg s22  }
0x1a: {  	s24 =	sadd.s32 s16, s1;
	[dreg:$0x14] =	wrdreg s23  }
0x1b: {  	s21 =	sshrl.u32 s8, $0x2;
	s25 =	sadd.s32 s18, s1;
	[dreg:$0x15] =	wrdreg s24  }
0x1c: {  	s26 =	sadd.s32 s11, s1;
	s0 =	sadd.s32 s21, s1;
	[dreg:$0x16] =	wrdreg s25  }
0x1d: {  	s31 =	simm.s32 $0x1000;
	s28 =	sadd.s32 $0x4000, s0;
	[dreg:$0x17] =	wrdreg s26  }
0x1e: {  	s19 =	sadd.s32 $0x15C00, s3;
	s29 =	sadd.s32 $0x8000, s0;
	[dreg:$0x18] =	wrdreg s28  }
0x1f: {  	s3 =	simm.s32 $0x80;
	s30 =	sadd.s32 $0xC000, s0;
	[dreg:$0x19] =	wrdreg s29  }
0x20: {  	s5 =	simm.s32 $0x1;
	s7 =	simm.s32 $0x2;
	[dreg:$0x1a] =	wrdreg s30  }
0x21: {  	s16 =	simm.s32 $0x0;
	[dreg:$0x12] =	wrdreg s0;
	s0 =	sadd.s32 $0x10000, s0  }
0x22: {  	v0 =	vimm.f32 $0.0e+00;
	s15 =	simm.s32 $0x3;
	s4 =	simm.s32 $0x5000;
	[dreg:$0x1b] =	wrdreg s0  }
.LBB2_1:
0x23: {  	s17 =	sand.u32 $0xFE00, s2  }
0x24: {  	s18 =	sand.u32 $0x70, s2;
	s21 =	sshrl.u32 s17, $0x2  }
0x25: {  	s17 =	simm.s32 $0x40;
	s21 =	sor.u32 s18, s21;
	s18 =	simm.s32 $0x0  }
.LBB2_2:
0x26: {  	p0 =	sne.s32 s17, $0xFFC0  }
0x27: {  	[tilespmem:s21+$0x1000] =	vst v0;
	s18 =	sadd.s32 $0x10, s18;
	s21 =	smov.u32 s17;
	s17 =	sadd.s32 $0x40, s17  }
.Ltmp0:
0x28: {  	(pc) =	sbr.rel @p0 .LBB2_2-.Ltmp0, $4  }
0x29: {  	_ = 	snop  }
0x2a: {  	s21 =	sand.u32 $0xFE00, s21  }
0x2b: {  	s22 =	sand.u32 $0x70, s18;
	s21 =	sshrl.u32 s21, $0x2  }
0x2c: {  	s21 =	sor.u32 s22, s21  }
0x2d: {  	[tilespmem:s21+$0x1000] =	vst v0;
	s6 =	rddreg [dreg:$0x12]  }
0x2e: {  	[spmem:s6] =	stream.linear.scatter [tilespmem:s31], [sflag:$0x3], $0x4000, $0x38;
	[tilespmem:$0x1D000] =	vst v63  }
0x2f: {  	_ =	swait.ge [sflag:s15], $0x4000  }
0x30: {  	[sflag:s15] =	ssyncset.done $0x0  }
0x31: {  	s17 =	rddreg [dreg:$0x18];
	[sflag:s15] =	ssyncadd.s32 $0xFFFFC000  }
0x32: {  	[spmem:s17] =	stream.linear.scatter [tilespmem:s31], [sflag:$0x3], $0x4000, $0x38;
	[tilespmem:$0x1D000] =	vst v63  }
0x33: {  	_ =	swait.ge [sflag:s15], $0x4000  }
0x34: {  	[sflag:s15] =	ssyncset.done $0x0  }
0x35: {  	s8 =	rddreg [dreg:$0x19];
	[sflag:s15] =	ssyncadd.s32 $0xFFFFC000  }
0x36: {  	[spmem:s8] =	stream.linear.scatter [tilespmem:s31], [sflag:$0x3], $0x4000, $0x38;
	[tilespmem:$0x1D000] =	vst v63  }
0x37: {  	_ =	swait.ge [sflag:s15], $0x4000  }
0x38: {  	[sflag:s15] =	ssyncset.done $0x0  }
0x39: {  	s9 =	rddreg [dreg:$0x1a];
	[sflag:s15] =	ssyncadd.s32 $0xFFFFC000  }
0x3a: {  	[spmem:s9] =	stream.linear.scatter [tilespmem:s31], [sflag:$0x3], $0x4000, $0x38;
	[tilespmem:$0x1D000] =	vst v63  }
0x3b: {  	_ =	swait.ge [sflag:s15], $0x4000  }
0x3c: {  	[sflag:s15] =	ssyncset.done $0x0  }
0x3d: {  	s10 =	rddreg [dreg:$0x1b];
	[sflag:s15] =	ssyncadd.s32 $0xFFFFC000  }
0x3e: {  	[spmem:s10] =	stream.linear.scatter [tilespmem:s31], [sflag:$0x3], $0x4000, $0x38;
	[tilespmem:$0x1D000] =	vst v63  }
0x3f: {  	_ =	swait.ge [sflag:s15], $0x4000  }
0x40: {  	[sflag:s15] =	ssyncset.done $0x0  }
0x41: {  	[sflag:s15] =	ssyncadd.s32 $0xFFFFC000  }
0x42: {  	[bflag:$0x0] =	sbarrier.arrive $0xFFFF  }
0x43: {  	s11 =	rddreg [dreg:$0x3]  }
0x44: {  	[tilespmem:s2], [sflag:$0x3] =	stream.linear.gather [hbm4b:s11+s2], $0x800, $0x38;
	[tilespmem:$0x1D000] =	vst v63  }
0x45: {  	_ =	swait.ge [sflag:s15], $0x800  }
0x46: {  	[sflag:s15] =	ssyncset.done $0x0  }
0x47: {  	s6 =	simm.s32 $0x800;
	s12 =	rddreg [dreg:$0x4];
	[sflag:s15] =	ssyncadd.s32 $0xFFFFF800  }
0x48: {  	[tilespmem:s6], [sflag:$0x3] =	stream.linear.gather [hbm4b:s12+s2], $0x800, $0x38;
	[tilespmem:$0x1D000] =	vst v63  }
0x49: {  	_ =	swait.ge [sflag:s15], $0x800  }
0x4a: {  	[sflag:s15] =	ssyncset.done $0x0  }
0x4b: {  	[sflag:s15] =	ssyncadd.s32 $0xFFFFF800  }
0x4c: {  	[tilespmem:s31], [sflag:$0x1] =	stream.indirect.gather [hbm4b:s19+s3], $0x80, s2, s3, $0xb8;
	[tilespmem:$0x1D000] =	vst v63  }
0x4d: {  	_ = 	snop  }
0x4e: {  	[tilespmem:s4], [sflag:$0x2] =	stream.indirect.gather [hbm4b:s19+s3], $0x80, s3, s3, $0xb8;
	[tilespmem:$0x1D000] =	vst v63  }
0x4f: {  	_ =	swait.ge [sflag:s5], $0x4000  }
0x50: {  	[sflag:s5] =	ssyncset.done $0x0  }
0x51: {  	[sflag:s5] =	ssyncadd.s32 $0xFFFFC000  }
0x52: {  	[spmem:s1] =	stream.indirect.scatter.add.f32 [tilespmem:s31], [sflag:$0x3], $0x80, s6, s3, $0xb8;
	[tilespmem:$0x1D000] =	vst v63  }
0x53: {  	_ =	swait.ge [sflag:s15], $0x4000  }
0x54: {  	[sflag:s15] =	ssyncset.done $0x0  }
0x55: {  	s0 =	simm.s32 $0x100;
	[sflag:s15] =	ssyncadd.s32 $0xFFFFC000  }
0x56: {  	[tilespmem:s31], [sflag:$0x1] =	stream.indirect.gather [hbm4b:s19+s3], $0x80, s0, s3, $0xb8;
	[tilespmem:$0x1D000] =	vst v63  }
0x57: {  	_ =	swait.ge [sflag:s7], $0x4000  }
0x58: {  	[sflag:s7] =	ssyncset.done $0x0  }
0x59: {  	s13 =	simm.s32 $0x880;
	[sflag:s7] =	ssyncadd.s32 $0xFFFFC000  }
0x5a: {  	[spmem:s1] =	stream.indirect.scatter.add.f32 [tilespmem:s4], [sflag:$0x3], $0x80, s13, s3, $0xb8;
	[tilespmem:$0x1D000] =	vst v63  }
0x5b: {  	_ =	swait.ge [sflag:s15], $0x4000  }
0x5c: {  	[sflag:s15] =	ssyncset.done $0x0  }
0x5d: {  	s14 =	simm.s32 $0x180;
	[sflag:s15] =	ssyncadd.s32 $0xFFFFC000  }
0x5e: {  	[tilespmem:s4], [sflag:$0x2] =	stream.indirect.gather [hbm4b:s19+s3], $0x80, s14, s3, $0xb8;
	[tilespmem:$0x1D000] =	vst v63  }
0x5f: {  	_ =	swait.ge [sflag:s5], $0x4000  }
0x60: {  	[sflag:s5] =	ssyncset.done $0x0  }
0x61: {  	s17 =	simm.s32 $0x900;
	[sflag:s5] =	ssyncadd.s32 $0xFFFFC000  }
0x62: {  	[spmem:s1] =	stream.indirect.scatter.add.f32 [tilespmem:s31], [sflag:$0x3], $0x80, s17, s3, $0xb8;
	[tilespmem:$0x1D000] =	vst v63  }
0x63: {  	_ =	swait.ge [sflag:s15], $0x4000  }
0x64: {  	[sflag:s15] =	ssyncset.done $0x0  }
0x65: {  	s18 =	simm.s32 $0x200;
	[sflag:s15] =	ssyncadd.s32 $0xFFFFC000  }
0x66: {  	[tilespmem:s31], [sflag:$0x1] =	stream.indirect.gather [hbm4b:s19+s3], $0x80, s18, s3, $0xb8;
	[tilespmem:$0x1D000] =	vst v63  }
0x67: {  	_ =	swait.ge [sflag:s7], $0x4000  }
0x68: {  	[sflag:s7] =	ssyncset.done $0x0  }
0x69: {  	s20 =	simm.s32 $0x980;
	[sflag:s7] =	ssyncadd.s32 $0xFFFFC000  }
0x6a: {  	[spmem:s1] =	stream.indirect.scatter.add.f32 [tilespmem:s4], [sflag:$0x3], $0x80, s20, s3, $0xb8;
	[tilespmem:$0x1D000] =	vst v63  }
0x6b: {  	_ =	swait.ge [sflag:s15], $0x4000  }
0x6c: {  	[sflag:s15] =	ssyncset.done $0x0  }
0x6d: {  	s21 =	simm.s32 $0x280;
	[sflag:s15] =	ssyncadd.s32 $0xFFFFC000  }
0x6e: {  	[tilespmem:s4], [sflag:$0x2] =	stream.indirect.gather [hbm4b:s19+s3], $0x80, s21, s3, $0xb8;
	[tilespmem:$0x1D000] =	vst v63  }
0x6f: {  	_ =	swait.ge [sflag:s5], $0x4000  }
0x70: {  	[sflag:s5] =	ssyncset.done $0x0  }
0x71: {  	s22 =	simm.s32 $0xA00;
	[sflag:s5] =	ssyncadd.s32 $0xFFFFC000  }
0x72: {  	[spmem:s1] =	stream.indirect.scatter.add.f32 [tilespmem:s31], [sflag:$0x3], $0x80, s22, s3, $0xb8;
	[tilespmem:$0x1D000] =	vst v63  }
0x73: {  	_ =	swait.ge [sflag:s15], $0x4000  }
0x74: {  	[sflag:s15] =	ssyncset.done $0x0  }
0x75: {  	s23 =	simm.s32 $0x300;
	[sflag:s15] =	ssyncadd.s32 $0xFFFFC000  }
0x76: {  	[tilespmem:s31], [sflag:$0x1] =	stream.indirect.gather [hbm4b:s19+s3], $0x80, s23, s3, $0xb8;
	[tilespmem:$0x1D000] =	vst v63  }
0x77: {  	_ =	swait.ge [sflag:s7], $0x4000  }
0x78: {  	[sflag:s7] =	ssyncset.done $0x0  }
0x79: {  	s8 =	simm.s32 $0xA80;
	[sflag:s7] =	ssyncadd.s32 $0xFFFFC000  }
0x7a: {  	[spmem:s1] =	stream.indirect.scatter.add.f32 [tilespmem:s4], [sflag:$0x3], $0x80, s8, s3, $0xb8;
	[tilespmem:$0x1D000] =	vst v63  }
0x7b: {  	_ =	swait.ge [sflag:s15], $0x4000  }
0x7c: {  	[sflag:s15] =	ssyncset.done $0x0  }
0x7d: {  	s9 =	simm.s32 $0x380;
	[sflag:s15] =	ssyncadd.s32 $0xFFFFC000  }
0x7e: {  	[tilespmem:s4], [sflag:$0x2] =	stream.indirect.gather [hbm4b:s19+s3], $0x80, s9, s3, $0xb8;
	[tilespmem:$0x1D000] =	vst v63  }
0x7f: {  	_ =	swait.ge [sflag:s5], $0x4000  }
0x80: {  	[sflag:s5] =	ssyncset.done $0x0  }
0x81: {  	s10 =	simm.s32 $0xB00;
	[sflag:s5] =	ssyncadd.s32 $0xFFFFC000  }
0x82: {  	[spmem:s1] =	stream.indirect.scatter.add.f32 [tilespmem:s31], [sflag:$0x3], $0x80, s10, s3, $0xb8;
	[tilespmem:$0x1D000] =	vst v63  }
0x83: {  	_ =	swait.ge [sflag:s15], $0x4000  }
0x84: {  	[sflag:s15] =	ssyncset.done $0x0  }
0x85: {  	s11 =	simm.s32 $0x400;
	[sflag:s15] =	ssyncadd.s32 $0xFFFFC000  }
0x86: {  	[tilespmem:s31], [sflag:$0x1] =	stream.indirect.gather [hbm4b:s19+s3], $0x80, s11, s3, $0xb8;
	[tilespmem:$0x1D000] =	vst v63  }
0x87: {  	_ =	swait.ge [sflag:s7], $0x4000  }
0x88: {  	[sflag:s7] =	ssyncset.done $0x0  }
0x89: {  	s12 =	simm.s32 $0xB80;
	[sflag:s7] =	ssyncadd.s32 $0xFFFFC000  }
0x8a: {  	[spmem:s1] =	stream.indirect.scatter.add.f32 [tilespmem:s4], [sflag:$0x3], $0x80, s12, s3, $0xb8;
	[tilespmem:$0x1D000] =	vst v63  }
0x8b: {  	_ =	swait.ge [sflag:s15], $0x4000  }
0x8c: {  	[sflag:s15] =	ssyncset.done $0x0  }
0x8d: {  	s13 =	simm.s32 $0x480;
	[sflag:s15] =	ssyncadd.s32 $0xFFFFC000  }
0x8e: {  	[tilespmem:s4], [sflag:$0x2] =	stream.indirect.gather [hbm4b:s19+s3], $0x80, s13, s3, $0xb8;
	[tilespmem:$0x1D000] =	vst v63  }
0x8f: {  	_ =	swait.ge [sflag:s5], $0x4000  }
0x90: {  	[sflag:s5] =	ssyncset.done $0x0  }
0x91: {  	s14 =	simm.s32 $0xC00;
	[sflag:s5] =	ssyncadd.s32 $0xFFFFC000  }
0x92: {  	[spmem:s1] =	stream.indirect.scatter.add.f32 [tilespmem:s31], [sflag:$0x3], $0x80, s14, s3, $0xb8;
	[tilespmem:$0x1D000] =	vst v63  }
0x93: {  	_ =	swait.ge [sflag:s15], $0x4000  }
0x94: {  	[sflag:s15] =	ssyncset.done $0x0  }
0x95: {  	s17 =	simm.s32 $0x500;
	[sflag:s15] =	ssyncadd.s32 $0xFFFFC000  }
0x96: {  	[tilespmem:s31], [sflag:$0x1] =	stream.indirect.gather [hbm4b:s19+s3], $0x80, s17, s3, $0xb8;
	[tilespmem:$0x1D000] =	vst v63  }
0x97: {  	_ =	swait.ge [sflag:s7], $0x4000  }
0x98: {  	[sflag:s7] =	ssyncset.done $0x0  }
0x99: {  	s18 =	simm.s32 $0xC80;
	[sflag:s7] =	ssyncadd.s32 $0xFFFFC000  }
0x9a: {  	[spmem:s1] =	stream.indirect.scatter.add.f32 [tilespmem:s4], [sflag:$0x3], $0x80, s18, s3, $0xb8;
	[tilespmem:$0x1D000] =	vst v63  }
0x9b: {  	_ =	swait.ge [sflag:s15], $0x4000  }
0x9c: {  	[sflag:s15] =	ssyncset.done $0x0  }
0x9d: {  	s21 =	simm.s32 $0x580;
	[sflag:s15] =	ssyncadd.s32 $0xFFFFC000  }
0x9e: {  	[tilespmem:s4], [sflag:$0x2] =	stream.indirect.gather [hbm4b:s19+s3], $0x80, s21, s3, $0xb8;
	[tilespmem:$0x1D000] =	vst v63  }
0x9f: {  	_ =	swait.ge [sflag:s5], $0x4000  }
0xa0: {  	[sflag:s5] =	ssyncset.done $0x0  }
0xa1: {  	s22 =	simm.s32 $0xD00;
	[sflag:s5] =	ssyncadd.s32 $0xFFFFC000  }
0xa2: {  	[spmem:s1] =	stream.indirect.scatter.add.f32 [tilespmem:s31], [sflag:$0x3], $0x80, s22, s3, $0xb8;
	[tilespmem:$0x1D000] =	vst v63  }
0xa3: {  	_ =	swait.ge [sflag:s15], $0x4000  }
0xa4: {  	[sflag:s15] =	ssyncset.done $0x0  }
0xa5: {  	s0 =	simm.s32 $0x600;
	[sflag:s15] =	ssyncadd.s32 $0xFFFFC000  }
0xa6: {  	[tilespmem:s31], [sflag:$0x1] =	stream.indirect.gather [hbm4b:s19+s3], $0x80, s0, s3, $0xb8;
	[tilespmem:$0x1D000] =	vst v63  }
0xa7: {  	_ =	swait.ge [sflag:s7], $0x4000  }
0xa8: {  	[sflag:s7] =	ssyncset.done $0x0  }
0xa9: {  	s8 =	simm.s32 $0xD80;
	[sflag:s7] =	ssyncadd.s32 $0xFFFFC000  }
0xaa: {  	[spmem:s1] =	stream.indirect.scatter.add.f32 [tilespmem:s4], [sflag:$0x3], $0x80, s8, s3, $0xb8;
	[tilespmem:$0x1D000] =	vst v63  }
0xab: {  	_ =	swait.ge [sflag:s15], $0x4000  }
0xac: {  	[sflag:s15] =	ssyncset.done $0x0  }
0xad: {  	s9 =	simm.s32 $0x680;
	[sflag:s15] =	ssyncadd.s32 $0xFFFFC000  }
0xae: {  	[tilespmem:s4], [sflag:$0x2] =	stream.indirect.gather [hbm4b:s19+s3], $0x80, s9, s3, $0xb8;
	[tilespmem:$0x1D000] =	vst v63  }
0xaf: {  	_ =	swait.ge [sflag:s5], $0x4000  }
0xb0: {  	[sflag:s5] =	ssyncset.done $0x0  }
0xb1: {  	s10 =	simm.s32 $0xE00;
	[sflag:s5] =	ssyncadd.s32 $0xFFFFC000  }
0xb2: {  	[spmem:s1] =	stream.indirect.scatter.add.f32 [tilespmem:s31], [sflag:$0x3], $0x80, s10, s3, $0xb8;
	[tilespmem:$0x1D000] =	vst v63  }
0xb3: {  	_ =	swait.ge [sflag:s15], $0x4000  }
0xb4: {  	[sflag:s15] =	ssyncset.done $0x0  }
0xb5: {  	s11 =	simm.s32 $0x700;
	[sflag:s15] =	ssyncadd.s32 $0xFFFFC000  }
0xb6: {  	[tilespmem:s31], [sflag:$0x1] =	stream.indirect.gather [hbm4b:s19+s3], $0x80, s11, s3, $0xb8;
	[tilespmem:$0x1D000] =	vst v63  }
0xb7: {  	_ =	swait.ge [sflag:s7], $0x4000  }
0xb8: {  	[sflag:s7] =	ssyncset.done $0x0  }
0xb9: {  	s12 =	simm.s32 $0xE80;
	[sflag:s7] =	ssyncadd.s32 $0xFFFFC000  }
0xba: {  	[spmem:s1] =	stream.indirect.scatter.add.f32 [tilespmem:s4], [sflag:$0x3], $0x80, s12, s3, $0xb8;
	[tilespmem:$0x1D000] =	vst v63  }
0xbb: {  	_ =	swait.ge [sflag:s15], $0x4000  }
0xbc: {  	[sflag:s15] =	ssyncset.done $0x0  }
0xbd: {  	s13 =	simm.s32 $0x780;
	[sflag:s15] =	ssyncadd.s32 $0xFFFFC000  }
0xbe: {  	[tilespmem:s4], [sflag:$0x2] =	stream.indirect.gather [hbm4b:s19+s3], $0x80, s13, s3, $0xb8;
	[tilespmem:$0x1D000] =	vst v63  }
0xbf: {  	_ =	swait.ge [sflag:s5], $0x4000  }
0xc0: {  	[sflag:s5] =	ssyncset.done $0x0  }
0xc1: {  	s14 =	simm.s32 $0xF00;
	[sflag:s5] =	ssyncadd.s32 $0xFFFFC000  }
0xc2: {  	[spmem:s1] =	stream.indirect.scatter.add.f32 [tilespmem:s31], [sflag:$0x3], $0x80, s14, s3, $0xb8;
	[tilespmem:$0x1D000] =	vst v63  }
0xc3: {  	_ =	swait.ge [sflag:s15], $0x4000  }
0xc4: {  	[sflag:s15] =	ssyncset.done $0x0  }
0xc5: {  	[sflag:s15] =	ssyncadd.s32 $0xFFFFC000  }
0xc6: {  	_ =	swait.ge [sflag:s7], $0x4000  }
0xc7: {  	[sflag:s7] =	ssyncset.done $0x0  }
0xc8: {  	s18 =	simm.s32 $0xF80;
	[sflag:s7] =	ssyncadd.s32 $0xFFFFC000  }
0xc9: {  	[spmem:s1] =	stream.indirect.scatter.add.f32 [tilespmem:s4], [sflag:$0x3], $0x80, s18, s3, $0xb8;
	[tilespmem:$0x1D000] =	vst v63  }
0xca: {  	_ =	swait.ge [sflag:s15], $0x4000  }
0xcb: {  	[sflag:s15] =	ssyncset.done $0x0  }
0xcc: {  	s0 =	rddreg [dreg:$0x5];
	[sflag:s15] =	ssyncadd.s32 $0xFFFFC000  }
0xcd: {  	[tilespmem:s2], [sflag:$0x3] =	stream.linear.gather [hbm4b:s0+s2], $0x800, $0x38;
	[tilespmem:$0x1D000] =	vst v63  }
0xce: {  	_ =	swait.ge [sflag:s15], $0x800  }
0xcf: {  	[sflag:s15] =	ssyncset.done $0x0  }
0xd0: {  	s8 =	rddreg [dreg:$0x6];
	[sflag:s15] =	ssyncadd.s32 $0xFFFFF800  }
0xd1: {  	[tilespmem:s6], [sflag:$0x3] =	stream.linear.gather [hbm4b:s8+s2], $0x800, $0x38;
	[tilespmem:$0x1D000] =	vst v63  }
0xd2: {  	_ =	swait.ge [sflag:s15], $0x800  }
0xd3: {  	[sflag:s15] =	ssyncset.done $0x0  }
0xd4: {  	[sflag:s15] =	ssyncadd.s32 $0xFFFFF800  }
0xd5: {  	[tilespmem:s31], [sflag:$0x1] =	stream.indirect.gather [hbm4b:s19+s3], $0x80, s2, s3, $0xb8;
	[tilespmem:$0x1D000] =	vst v63  }
0xd6: {  	_ = 	snop  }
0xd7: {  	[tilespmem:s4], [sflag:$0x2] =	stream.indirect.gather [hbm4b:s19+s3], $0x80, s3, s3, $0xb8;
	[tilespmem:$0x1D000] =	vst v63  }
0xd8: {  	_ =	swait.ge [sflag:s5], $0x4000  }
0xd9: {  	[sflag:s5] =	ssyncset.done $0x0  }
0xda: {  	[sflag:s5] =	ssyncadd.s32 $0xFFFFC000  }
0xdb: {  	[spmem:s1] =	stream.indirect.scatter.add.f32 [tilespmem:s31], [sflag:$0x3], $0x80, s6, s3, $0xb8;
	[tilespmem:$0x1D000] =	vst v63  }
0xdc: {  	_ =	swait.ge [sflag:s15], $0x4000  }
0xdd: {  	[sflag:s15] =	ssyncset.done $0x0  }
0xde: {  	s30 =	simm.s32 $0x100;
	[sflag:s15] =	ssyncadd.s32 $0xFFFFC000  }
0xdf: {  	[tilespmem:s31], [sflag:$0x1] =	stream.indirect.gather [hbm4b:s19+s3], $0x80, s30, s3, $0xb8;
	[tilespmem:$0x1D000] =	vst v63  }
0xe0: {  	_ =	swait.ge [sflag:s7], $0x4000  }
0xe1: {  	[sflag:s7] =	ssyncset.done $0x0  }
0xe2: {  	s8 =	simm.s32 $0x880;
	[sflag:s7] =	ssyncadd.s32 $0xFFFFC000  }
0xe3: {  	[spmem:s1] =	stream.indirect.scatter.add.f32 [tilespmem:s4], [sflag:$0x3], $0x80, s8, s3, $0xb8;
	[tilespmem:$0x1D000] =	vst v63  }
0xe4: {  	_ =	swait.ge [sflag:s15], $0x4000  }
0xe5: {  	[sflag:s15] =	ssyncset.done $0x0  }
0xe6: {  	s24 =	simm.s32 $0x180;
	[sflag:s15] =	ssyncadd.s32 $0xFFFFC000  }
0xe7: {  	[tilespmem:s4], [sflag:$0x2] =	stream.indirect.gather [hbm4b:s19+s3], $0x80, s24, s3, $0xb8;
	[tilespmem:$0x1D000] =	vst v63  }
0xe8: {  	_ =	swait.ge [sflag:s5], $0x4000  }
0xe9: {  	[sflag:s5] =	ssyncset.done $0x0  }
0xea: {  	s25 =	simm.s32 $0x900;
	[sflag:s5] =	ssyncadd.s32 $0xFFFFC000  }
0xeb: {  	[spmem:s1] =	stream.indirect.scatter.add.f32 [tilespmem:s31], [sflag:$0x3], $0x80, s25, s3, $0xb8;
	[tilespmem:$0x1D000] =	vst v63  }
0xec: {  	_ =	swait.ge [sflag:s15], $0x4000  }
0xed: {  	[sflag:s15] =	ssyncset.done $0x0  }
0xee: {  	s26 =	simm.s32 $0x200;
	[sflag:s15] =	ssyncadd.s32 $0xFFFFC000  }
0xef: {  	[tilespmem:s31], [sflag:$0x1] =	stream.indirect.gather [hbm4b:s19+s3], $0x80, s26, s3, $0xb8;
	[tilespmem:$0x1D000] =	vst v63  }
0xf0: {  	_ =	swait.ge [sflag:s7], $0x4000  }
0xf1: {  	[sflag:s7] =	ssyncset.done $0x0  }
0xf2: {  	s28 =	simm.s32 $0x980;
	[sflag:s7] =	ssyncadd.s32 $0xFFFFC000  }
0xf3: {  	[spmem:s1] =	stream.indirect.scatter.add.f32 [tilespmem:s4], [sflag:$0x3], $0x80, s28, s3, $0xb8;
	[tilespmem:$0x1D000] =	vst v63  }
0xf4: {  	_ =	swait.ge [sflag:s15], $0x4000  }
0xf5: {  	[sflag:s15] =	ssyncset.done $0x0  }
0xf6: {  	s29 =	simm.s32 $0x280;
	[sflag:s15] =	ssyncadd.s32 $0xFFFFC000  }
0xf7: {  	[tilespmem:s4], [sflag:$0x2] =	stream.indirect.gather [hbm4b:s19+s3], $0x80, s29, s3, $0xb8;
	[tilespmem:$0x1D000] =	vst v63  }
0xf8: {  	_ =	swait.ge [sflag:s5], $0x4000  }
0xf9: {  	[sflag:s5] =	ssyncset.done $0x0  }
0xfa: {  	s30 =	simm.s32 $0xA00;
	[sflag:s5] =	ssyncadd.s32 $0xFFFFC000  }
0xfb: {  	[spmem:s1] =	stream.indirect.scatter.add.f32 [tilespmem:s31], [sflag:$0x3], $0x80, s30, s3, $0xb8;
	[tilespmem:$0x1D000] =	vst v63  }
0xfc: {  	_ =	swait.ge [sflag:s15], $0x4000  }
0xfd: {  	[sflag:s15] =	ssyncset.done $0x0  }
0xfe: {  	s0 =	simm.s32 $0x300;
	[sflag:s15] =	ssyncadd.s32 $0xFFFFC000  }
0xff: {  	[tilespmem:s31], [sflag:$0x1] =	stream.indirect.gather [hbm4b:s19+s3], $0x80, s0, s3, $0xb8;
	[tilespmem:$0x1D000] =	vst v63  }
0x100: {  	_ =	swait.ge [sflag:s7], $0x4000  }
0x101: {  	[sflag:s7] =	ssyncset.done $0x0  }
0x102: {  	s23 =	simm.s32 $0xA80;
	[sflag:s7] =	ssyncadd.s32 $0xFFFFC000  }
0x103: {  	[spmem:s1] =	stream.indirect.scatter.add.f32 [tilespmem:s4], [sflag:$0x3], $0x80, s23, s3, $0xb8;
	[tilespmem:$0x1D000] =	vst v63  }
0x104: {  	_ =	swait.ge [sflag:s15], $0x4000  }
0x105: {  	[sflag:s15] =	ssyncset.done $0x0  }
0x106: {  	s20 =	simm.s32 $0x380;
	[sflag:s15] =	ssyncadd.s32 $0xFFFFC000  }
0x107: {  	[tilespmem:s4], [sflag:$0x2] =	stream.indirect.gather [hbm4b:s19+s3], $0x80, s20, s3, $0xb8;
	[tilespmem:$0x1D000] =	vst v63  }
0x108: {  	_ =	swait.ge [sflag:s5], $0x4000  }
0x109: {  	[sflag:s5] =	ssyncset.done $0x0  }
0x10a: {  	s20 =	simm.s32 $0xB00;
	[sflag:s5] =	ssyncadd.s32 $0xFFFFC000  }
0x10b: {  	[spmem:s1] =	stream.indirect.scatter.add.f32 [tilespmem:s31], [sflag:$0x3], $0x80, s20, s3, $0xb8;
	[tilespmem:$0x1D000] =	vst v63  }
0x10c: {  	_ =	swait.ge [sflag:s15], $0x4000  }
0x10d: {  	[sflag:s15] =	ssyncset.done $0x0  }
0x10e: {  	s23 =	simm.s32 $0x400;
	[sflag:s15] =	ssyncadd.s32 $0xFFFFC000  }
0x10f: {  	[tilespmem:s31], [sflag:$0x1] =	stream.indirect.gather [hbm4b:s19+s3], $0x80, s23, s3, $0xb8;
	[tilespmem:$0x1D000] =	vst v63  }
0x110: {  	_ =	swait.ge [sflag:s7], $0x4000  }
0x111: {  	[sflag:s7] =	ssyncset.done $0x0  }
0x112: {  	s24 =	simm.s32 $0xB80;
	[sflag:s7] =	ssyncadd.s32 $0xFFFFC000  }
0x113: {  	[spmem:s1] =	stream.indirect.scatter.add.f32 [tilespmem:s4], [sflag:$0x3], $0x80, s24, s3, $0xb8;
	[tilespmem:$0x1D000] =	vst v63  }
0x114: {  	_ =	swait.ge [sflag:s15], $0x4000  }
0x115: {  	[sflag:s15] =	ssyncset.done $0x0  }
0x116: {  	s25 =	simm.s32 $0x480;
	[sflag:s15] =	ssyncadd.s32 $0xFFFFC000  }
0x117: {  	[tilespmem:s4], [sflag:$0x2] =	stream.indirect.gather [hbm4b:s19+s3], $0x80, s25, s3, $0xb8;
	[tilespmem:$0x1D000] =	vst v63  }
0x118: {  	_ =	swait.ge [sflag:s5], $0x4000  }
0x119: {  	[sflag:s5] =	ssyncset.done $0x0  }
0x11a: {  	s26 =	simm.s32 $0xC00;
	[sflag:s5] =	ssyncadd.s32 $0xFFFFC000  }
0x11b: {  	[spmem:s1] =	stream.indirect.scatter.add.f32 [tilespmem:s31], [sflag:$0x3], $0x80, s26, s3, $0xb8;
	[tilespmem:$0x1D000] =	vst v63  }
0x11c: {  	_ =	swait.ge [sflag:s15], $0x4000  }
0x11d: {  	[sflag:s15] =	ssyncset.done $0x0  }
0x11e: {  	s28 =	simm.s32 $0x500;
	[sflag:s15] =	ssyncadd.s32 $0xFFFFC000  }
0x11f: {  	[tilespmem:s31], [sflag:$0x1] =	stream.indirect.gather [hbm4b:s19+s3], $0x80, s28, s3, $0xb8;
	[tilespmem:$0x1D000] =	vst v63  }
0x120: {  	_ =	swait.ge [sflag:s7], $0x4000  }
0x121: {  	[sflag:s7] =	ssyncset.done $0x0  }
0x122: {  	s29 =	simm.s32 $0xC80;
	[sflag:s7] =	ssyncadd.s32 $0xFFFFC000  }
0x123: {  	[spmem:s1] =	stream.indirect.scatter.add.f32 [tilespmem:s4], [sflag:$0x3], $0x80, s29, s3, $0xb8;
	[tilespmem:$0x1D000] =	vst v63  }
0x124: {  	_ =	swait.ge [sflag:s15], $0x4000  }
0x125: {  	[sflag:s15] =	ssyncset.done $0x0  }
0x126: {  	s21 =	simm.s32 $0x580;
	[sflag:s15] =	ssyncadd.s32 $0xFFFFC000  }
0x127: {  	[tilespmem:s4], [sflag:$0x2] =	stream.indirect.gather [hbm4b:s19+s3], $0x80, s21, s3, $0xb8;
	[tilespmem:$0x1D000] =	vst v63  }
0x128: {  	_ =	swait.ge [sflag:s5], $0x4000  }
0x129: {  	[sflag:s5] =	ssyncset.done $0x0  }
0x12a: {  	s21 =	simm.s32 $0xD00;
	[sflag:s5] =	ssyncadd.s32 $0xFFFFC000  }
0x12b: {  	[spmem:s1] =	stream.indirect.scatter.add.f32 [tilespmem:s31], [sflag:$0x3], $0x80, s21, s3, $0xb8;
	[tilespmem:$0x1D000] =	vst v63  }
0x12c: {  	_ =	swait.ge [sflag:s15], $0x4000  }
0x12d: {  	[sflag:s15] =	ssyncset.done $0x0  }
0x12e: {  	s22 =	simm.s32 $0x600;
	[sflag:s15] =	ssyncadd.s32 $0xFFFFC000  }
0x12f: {  	[tilespmem:s31], [sflag:$0x1] =	stream.indirect.gather [hbm4b:s19+s3], $0x80, s22, s3, $0xb8;
	[tilespmem:$0x1D000] =	vst v63  }
0x130: {  	_ =	swait.ge [sflag:s7], $0x4000  }
0x131: {  	[sflag:s7] =	ssyncset.done $0x0  }
0x132: {  	s17 =	simm.s32 $0xD80;
	[sflag:s7] =	ssyncadd.s32 $0xFFFFC000  }
0x133: {  	[spmem:s1] =	stream.indirect.scatter.add.f32 [tilespmem:s4], [sflag:$0x3], $0x80, s17, s3, $0xb8;
	[tilespmem:$0x1D000] =	vst v63  }
0x134: {  	_ =	swait.ge [sflag:s15], $0x4000  }
0x135: {  	[sflag:s15] =	ssyncset.done $0x0  }
0x136: {  	s9 =	simm.s32 $0x680;
	[sflag:s15] =	ssyncadd.s32 $0xFFFFC000  }
0x137: {  	[tilespmem:s4], [sflag:$0x2] =	stream.indirect.gather [hbm4b:s19+s3], $0x80, s9, s3, $0xb8;
	[tilespmem:$0x1D000] =	vst v63  }
0x138: {  	_ =	swait.ge [sflag:s5], $0x4000  }
0x139: {  	[sflag:s5] =	ssyncset.done $0x0  }
0x13a: {  	s10 =	simm.s32 $0xE00;
	[sflag:s5] =	ssyncadd.s32 $0xFFFFC000  }
0x13b: {  	[spmem:s1] =	stream.indirect.scatter.add.f32 [tilespmem:s31], [sflag:$0x3], $0x80, s10, s3, $0xb8;
	[tilespmem:$0x1D000] =	vst v63  }
0x13c: {  	_ =	swait.ge [sflag:s15], $0x4000  }
0x13d: {  	[sflag:s15] =	ssyncset.done $0x0  }
0x13e: {  	s11 =	simm.s32 $0x700;
	[sflag:s15] =	ssyncadd.s32 $0xFFFFC000  }
0x13f: {  	[tilespmem:s31], [sflag:$0x1] =	stream.indirect.gather [hbm4b:s19+s3], $0x80, s11, s3, $0xb8;
	[tilespmem:$0x1D000] =	vst v63  }
0x140: {  	_ =	swait.ge [sflag:s7], $0x4000  }
0x141: {  	[sflag:s7] =	ssyncset.done $0x0  }
0x142: {  	s12 =	simm.s32 $0xE80;
	[sflag:s7] =	ssyncadd.s32 $0xFFFFC000  }
0x143: {  	[spmem:s1] =	stream.indirect.scatter.add.f32 [tilespmem:s4], [sflag:$0x3], $0x80, s12, s3, $0xb8;
	[tilespmem:$0x1D000] =	vst v63  }
0x144: {  	_ =	swait.ge [sflag:s15], $0x4000  }
0x145: {  	[sflag:s15] =	ssyncset.done $0x0  }
0x146: {  	s13 =	simm.s32 $0x780;
	[sflag:s15] =	ssyncadd.s32 $0xFFFFC000  }
0x147: {  	[tilespmem:s4], [sflag:$0x2] =	stream.indirect.gather [hbm4b:s19+s3], $0x80, s13, s3, $0xb8;
	[tilespmem:$0x1D000] =	vst v63  }
0x148: {  	_ =	swait.ge [sflag:s5], $0x4000  }
0x149: {  	[sflag:s5] =	ssyncset.done $0x0  }
0x14a: {  	s14 =	simm.s32 $0xF00;
	[sflag:s5] =	ssyncadd.s32 $0xFFFFC000  }
0x14b: {  	[spmem:s1] =	stream.indirect.scatter.add.f32 [tilespmem:s31], [sflag:$0x3], $0x80, s14, s3, $0xb8;
	[tilespmem:$0x1D000] =	vst v63  }
0x14c: {  	_ =	swait.ge [sflag:s15], $0x4000  }
0x14d: {  	[sflag:s15] =	ssyncset.done $0x0  }
0x14e: {  	[sflag:s15] =	ssyncadd.s32 $0xFFFFC000  }
0x14f: {  	_ =	swait.ge [sflag:s7], $0x4000  }
0x150: {  	[sflag:s7] =	ssyncset.done $0x0  }
0x151: {  	s18 =	simm.s32 $0xF80;
	[sflag:s7] =	ssyncadd.s32 $0xFFFFC000  }
0x152: {  	[spmem:s1] =	stream.indirect.scatter.add.f32 [tilespmem:s4], [sflag:$0x3], $0x80, s18, s3, $0xb8;
	[tilespmem:$0x1D000] =	vst v63  }
0x153: {  	_ =	swait.ge [sflag:s15], $0x4000  }
0x154: {  	[sflag:s15] =	ssyncset.done $0x0  }
0x155: {  	s17 =	rddreg [dreg:$0x7];
	[sflag:s15] =	ssyncadd.s32 $0xFFFFC000  }
0x156: {  	[tilespmem:s2], [sflag:$0x3] =	stream.linear.gather [hbm4b:s17+s2], $0x800, $0x38;
	[tilespmem:$0x1D000] =	vst v63  }
0x157: {  	_ =	swait.ge [sflag:s15], $0x800  }
0x158: {  	[sflag:s15] =	ssyncset.done $0x0  }
0x159: {  	s17 =	rddreg [dreg:$0x8];
	[sflag:s15] =	ssyncadd.s32 $0xFFFFF800  }
0x15a: {  	[tilespmem:s6], [sflag:$0x3] =	stream.linear.gather [hbm4b:s17+s2], $0x800, $0x38;
	[tilespmem:$0x1D000] =	vst v63  }
0x15b: {  	_ =	swait.ge [sflag:s15], $0x800  }
0x15c: {  	[sflag:s15] =	ssyncset.done $0x0  }
0x15d: {  	[sflag:s15] =	ssyncadd.s32 $0xFFFFF800  }
0x15e: {  	[tilespmem:s31], [sflag:$0x1] =	stream.indirect.gather [hbm4b:s19+s3], $0x80, s2, s3, $0xb8;
	[tilespmem:$0x1D000] =	vst v63  }
0x15f: {  	_ = 	snop  }
0x160: {  	[tilespmem:s4], [sflag:$0x2] =	stream.indirect.gather [hbm4b:s19+s3], $0x80, s3, s3, $0xb8;
	[tilespmem:$0x1D000] =	vst v63  }
0x161: {  	_ =	swait.ge [sflag:s5], $0x4000  }
0x162: {  	[sflag:s5] =	ssyncset.done $0x0  }
0x163: {  	[sflag:s5] =	ssyncadd.s32 $0xFFFFC000  }
0x164: {  	[spmem:s1] =	stream.indirect.scatter.add.f32 [tilespmem:s31], [sflag:$0x3], $0x80, s6, s3, $0xb8;
	[tilespmem:$0x1D000] =	vst v63  }
0x165: {  	_ =	swait.ge [sflag:s15], $0x4000  }
0x166: {  	[sflag:s15] =	ssyncset.done $0x0  }
0x167: {  	s17 =	simm.s32 $0x100;
	[sflag:s15] =	ssyncadd.s32 $0xFFFFC000  }
0x168: {  	[tilespmem:s31], [sflag:$0x1] =	stream.indirect.gather [hbm4b:s19+s3], $0x80, s17, s3, $0xb8;
	[tilespmem:$0x1D000] =	vst v63  }
0x169: {  	_ =	swait.ge [sflag:s7], $0x4000  }
0x16a: {  	[sflag:s7] =	ssyncset.done $0x0  }
0x16b: {  	[sflag:s7] =	ssyncadd.s32 $0xFFFFC000  }
0x16c: {  	[spmem:s1] =	stream.indirect.scatter.add.f32 [tilespmem:s4], [sflag:$0x3], $0x80, s8, s3, $0xb8;
	[tilespmem:$0x1D000] =	vst v63  }
0x16d: {  	_ =	swait.ge [sflag:s15], $0x4000  }
0x16e: {  	[sflag:s15] =	ssyncset.done $0x0  }
0x16f: {  	s17 =	simm.s32 $0x180;
	[sflag:s15] =	ssyncadd.s32 $0xFFFFC000  }
0x170: {  	[tilespmem:s4], [sflag:$0x2] =	stream.indirect.gather [hbm4b:s19+s3], $0x80, s17, s3, $0xb8;
	[tilespmem:$0x1D000] =	vst v63  }
0x171: {  	_ =	swait.ge [sflag:s5], $0x4000  }
0x172: {  	[sflag:s5] =	ssyncset.done $0x0  }
0x173: {  	s17 =	simm.s32 $0x900;
	[sflag:s5] =	ssyncadd.s32 $0xFFFFC000  }
0x174: {  	[spmem:s1] =	stream.indirect.scatter.add.f32 [tilespmem:s31], [sflag:$0x3], $0x80, s17, s3, $0xb8;
	[tilespmem:$0x1D000] =	vst v63  }
0x175: {  	_ =	swait.ge [sflag:s15], $0x4000  }
0x176: {  	[sflag:s15] =	ssyncset.done $0x0  }
0x177: {  	s17 =	simm.s32 $0x200;
	[sflag:s15] =	ssyncadd.s32 $0xFFFFC000  }
0x178: {  	[tilespmem:s31], [sflag:$0x1] =	stream.indirect.gather [hbm4b:s19+s3], $0x80, s17, s3, $0xb8;
	[tilespmem:$0x1D000] =	vst v63  }
0x179: {  	_ =	swait.ge [sflag:s7], $0x4000  }
0x17a: {  	[sflag:s7] =	ssyncset.done $0x0  }
0x17b: {  	s17 =	simm.s32 $0x980;
	[sflag:s7] =	ssyncadd.s32 $0xFFFFC000  }
0x17c: {  	[spmem:s1] =	stream.indirect.scatter.add.f32 [tilespmem:s4], [sflag:$0x3], $0x80, s17, s3, $0xb8;
	[tilespmem:$0x1D000] =	vst v63  }
0x17d: {  	_ =	swait.ge [sflag:s15], $0x4000  }
0x17e: {  	[sflag:s15] =	ssyncset.done $0x0  }
0x17f: {  	s17 =	simm.s32 $0x280;
	[sflag:s15] =	ssyncadd.s32 $0xFFFFC000  }
0x180: {  	[tilespmem:s4], [sflag:$0x2] =	stream.indirect.gather [hbm4b:s19+s3], $0x80, s17, s3, $0xb8;
	[tilespmem:$0x1D000] =	vst v63  }
0x181: {  	_ =	swait.ge [sflag:s5], $0x4000  }
0x182: {  	[sflag:s5] =	ssyncset.done $0x0  }
0x183: {  	[sflag:s5] =	ssyncadd.s32 $0xFFFFC000  }
0x184: {  	[spmem:s1] =	stream.indirect.scatter.add.f32 [tilespmem:s31], [sflag:$0x3], $0x80, s30, s3, $0xb8;
	[tilespmem:$0x1D000] =	vst v63  }
0x185: {  	_ =	swait.ge [sflag:s15], $0x4000  }
0x186: {  	[sflag:s15] =	ssyncset.done $0x0  }
0x187: {  	[sflag:s15] =	ssyncadd.s32 $0xFFFFC000  }
0x188: {  	[tilespmem:s31], [sflag:$0x1] =	stream.indirect.gather [hbm4b:s19+s3], $0x80, s0, s3, $0xb8;
	[tilespmem:$0x1D000] =	vst v63  }
0x189: {  	_ =	swait.ge [sflag:s7], $0x4000  }
0x18a: {  	[sflag:s7] =	ssyncset.done $0x0  }
0x18b: {  	s30 =	simm.s32 $0xA80;
	[sflag:s7] =	ssyncadd.s32 $0xFFFFC000  }
0x18c: {  	[spmem:s1] =	stream.indirect.scatter.add.f32 [tilespmem:s4], [sflag:$0x3], $0x80, s30, s3, $0xb8;
	[tilespmem:$0x1D000] =	vst v63  }
0x18d: {  	_ =	swait.ge [sflag:s15], $0x4000  }
0x18e: {  	[sflag:s15] =	ssyncset.done $0x0  }
0x18f: {  	s17 =	simm.s32 $0x380;
	[sflag:s15] =	ssyncadd.s32 $0xFFFFC000  }
0x190: {  	[tilespmem:s4], [sflag:$0x2] =	stream.indirect.gather [hbm4b:s19+s3], $0x80, s17, s3, $0xb8;
	[tilespmem:$0x1D000] =	vst v63  }
0x191: {  	_ =	swait.ge [sflag:s5], $0x4000  }
0x192: {  	[sflag:s5] =	ssyncset.done $0x0  }
0x193: {  	[sflag:s5] =	ssyncadd.s32 $0xFFFFC000  }
0x194: {  	[spmem:s1] =	stream.indirect.scatter.add.f32 [tilespmem:s31], [sflag:$0x3], $0x80, s20, s3, $0xb8;
	[tilespmem:$0x1D000] =	vst v63  }
0x195: {  	_ =	swait.ge [sflag:s15], $0x4000  }
0x196: {  	[sflag:s15] =	ssyncset.done $0x0  }
0x197: {  	[sflag:s15] =	ssyncadd.s32 $0xFFFFC000  }
0x198: {  	[tilespmem:s31], [sflag:$0x1] =	stream.indirect.gather [hbm4b:s19+s3], $0x80, s23, s3, $0xb8;
	[tilespmem:$0x1D000] =	vst v63  }
0x199: {  	_ =	swait.ge [sflag:s7], $0x4000  }
0x19a: {  	[sflag:s7] =	ssyncset.done $0x0  }
0x19b: {  	[sflag:s7] =	ssyncadd.s32 $0xFFFFC000  }
0x19c: {  	[spmem:s1] =	stream.indirect.scatter.add.f32 [tilespmem:s4], [sflag:$0x3], $0x80, s24, s3, $0xb8;
	[tilespmem:$0x1D000] =	vst v63  }
0x19d: {  	_ =	swait.ge [sflag:s15], $0x4000  }
0x19e: {  	[sflag:s15] =	ssyncset.done $0x0  }
0x19f: {  	[sflag:s15] =	ssyncadd.s32 $0xFFFFC000  }
0x1a0: {  	[tilespmem:s4], [sflag:$0x2] =	stream.indirect.gather [hbm4b:s19+s3], $0x80, s25, s3, $0xb8;
	[tilespmem:$0x1D000] =	vst v63  }
0x1a1: {  	_ =	swait.ge [sflag:s5], $0x4000  }
0x1a2: {  	[sflag:s5] =	ssyncset.done $0x0  }
0x1a3: {  	[sflag:s5] =	ssyncadd.s32 $0xFFFFC000  }
0x1a4: {  	[spmem:s1] =	stream.indirect.scatter.add.f32 [tilespmem:s31], [sflag:$0x3], $0x80, s26, s3, $0xb8;
	[tilespmem:$0x1D000] =	vst v63  }
0x1a5: {  	_ =	swait.ge [sflag:s15], $0x4000  }
0x1a6: {  	[sflag:s15] =	ssyncset.done $0x0  }
0x1a7: {  	[sflag:s15] =	ssyncadd.s32 $0xFFFFC000  }
0x1a8: {  	[tilespmem:s31], [sflag:$0x1] =	stream.indirect.gather [hbm4b:s19+s3], $0x80, s28, s3, $0xb8;
	[tilespmem:$0x1D000] =	vst v63  }
0x1a9: {  	_ =	swait.ge [sflag:s7], $0x4000  }
0x1aa: {  	[sflag:s7] =	ssyncset.done $0x0  }
0x1ab: {  	[sflag:s7] =	ssyncadd.s32 $0xFFFFC000  }
0x1ac: {  	[spmem:s1] =	stream.indirect.scatter.add.f32 [tilespmem:s4], [sflag:$0x3], $0x80, s29, s3, $0xb8;
	[tilespmem:$0x1D000] =	vst v63  }
0x1ad: {  	_ =	swait.ge [sflag:s15], $0x4000  }
0x1ae: {  	[sflag:s15] =	ssyncset.done $0x0  }
0x1af: {  	s20 =	simm.s32 $0x580;
	[sflag:s15] =	ssyncadd.s32 $0xFFFFC000  }
0x1b0: {  	[tilespmem:s4], [sflag:$0x2] =	stream.indirect.gather [hbm4b:s19+s3], $0x80, s20, s3, $0xb8;
	[tilespmem:$0x1D000] =	vst v63  }
0x1b1: {  	_ =	swait.ge [sflag:s5], $0x4000  }
0x1b2: {  	[sflag:s5] =	ssyncset.done $0x0  }
0x1b3: {  	s21 =	simm.s32 $0xD00;
	[sflag:s5] =	ssyncadd.s32 $0xFFFFC000  }
0x1b4: {  	[spmem:s1] =	stream.indirect.scatter.add.f32 [tilespmem:s31], [sflag:$0x3], $0x80, s21, s3, $0xb8;
	[tilespmem:$0x1D000] =	vst v63  }
0x1b5: {  	_ =	swait.ge [sflag:s15], $0x4000  }
0x1b6: {  	[sflag:s15] =	ssyncset.done $0x0  }
0x1b7: {  	s22 =	simm.s32 $0x600;
	[sflag:s15] =	ssyncadd.s32 $0xFFFFC000  }
0x1b8: {  	[tilespmem:s31], [sflag:$0x1] =	stream.indirect.gather [hbm4b:s19+s3], $0x80, s22, s3, $0xb8;
	[tilespmem:$0x1D000] =	vst v63  }
0x1b9: {  	_ =	swait.ge [sflag:s7], $0x4000  }
0x1ba: {  	[sflag:s7] =	ssyncset.done $0x0  }
0x1bb: {  	s30 =	simm.s32 $0xD80;
	[sflag:s7] =	ssyncadd.s32 $0xFFFFC000  }
0x1bc: {  	[spmem:s1] =	stream.indirect.scatter.add.f32 [tilespmem:s4], [sflag:$0x3], $0x80, s30, s3, $0xb8;
	[tilespmem:$0x1D000] =	vst v63  }
0x1bd: {  	_ =	swait.ge [sflag:s15], $0x4000  }
0x1be: {  	[sflag:s15] =	ssyncset.done $0x0  }
0x1bf: {  	s9 =	simm.s32 $0x680;
	[sflag:s15] =	ssyncadd.s32 $0xFFFFC000  }
0x1c0: {  	[tilespmem:s4], [sflag:$0x2] =	stream.indirect.gather [hbm4b:s19+s3], $0x80, s9, s3, $0xb8;
	[tilespmem:$0x1D000] =	vst v63  }
0x1c1: {  	_ =	swait.ge [sflag:s5], $0x4000  }
0x1c2: {  	[sflag:s5] =	ssyncset.done $0x0  }
0x1c3: {  	s10 =	simm.s32 $0xE00;
	[sflag:s5] =	ssyncadd.s32 $0xFFFFC000  }
0x1c4: {  	[spmem:s1] =	stream.indirect.scatter.add.f32 [tilespmem:s31], [sflag:$0x3], $0x80, s10, s3, $0xb8;
	[tilespmem:$0x1D000] =	vst v63  }
0x1c5: {  	_ =	swait.ge [sflag:s15], $0x4000  }
0x1c6: {  	[sflag:s15] =	ssyncset.done $0x0  }
0x1c7: {  	s11 =	simm.s32 $0x700;
	[sflag:s15] =	ssyncadd.s32 $0xFFFFC000  }
0x1c8: {  	[tilespmem:s31], [sflag:$0x1] =	stream.indirect.gather [hbm4b:s19+s3], $0x80, s11, s3, $0xb8;
	[tilespmem:$0x1D000] =	vst v63  }
0x1c9: {  	_ =	swait.ge [sflag:s7], $0x4000  }
0x1ca: {  	[sflag:s7] =	ssyncset.done $0x0  }
0x1cb: {  	s12 =	simm.s32 $0xE80;
	[sflag:s7] =	ssyncadd.s32 $0xFFFFC000  }
0x1cc: {  	[spmem:s1] =	stream.indirect.scatter.add.f32 [tilespmem:s4], [sflag:$0x3], $0x80, s12, s3, $0xb8;
	[tilespmem:$0x1D000] =	vst v63  }
0x1cd: {  	_ =	swait.ge [sflag:s15], $0x4000  }
0x1ce: {  	[sflag:s15] =	ssyncset.done $0x0  }
0x1cf: {  	s13 =	simm.s32 $0x780;
	[sflag:s15] =	ssyncadd.s32 $0xFFFFC000  }
0x1d0: {  	[tilespmem:s4], [sflag:$0x2] =	stream.indirect.gather [hbm4b:s19+s3], $0x80, s13, s3, $0xb8;
	[tilespmem:$0x1D000] =	vst v63  }
0x1d1: {  	_ =	swait.ge [sflag:s5], $0x4000  }
0x1d2: {  	[sflag:s5] =	ssyncset.done $0x0  }
0x1d3: {  	s14 =	simm.s32 $0xF00;
	[sflag:s5] =	ssyncadd.s32 $0xFFFFC000  }
0x1d4: {  	[spmem:s1] =	stream.indirect.scatter.add.f32 [tilespmem:s31], [sflag:$0x3], $0x80, s14, s3, $0xb8;
	[tilespmem:$0x1D000] =	vst v63  }
0x1d5: {  	_ =	swait.ge [sflag:s15], $0x4000  }
0x1d6: {  	[sflag:s15] =	ssyncset.done $0x0  }
0x1d7: {  	[sflag:s15] =	ssyncadd.s32 $0xFFFFC000  }
0x1d8: {  	_ =	swait.ge [sflag:s7], $0x4000  }
0x1d9: {  	[sflag:s7] =	ssyncset.done $0x0  }
0x1da: {  	s18 =	simm.s32 $0xF80;
	[sflag:s7] =	ssyncadd.s32 $0xFFFFC000  }
0x1db: {  	[spmem:s1] =	stream.indirect.scatter.add.f32 [tilespmem:s4], [sflag:$0x3], $0x80, s18, s3, $0xb8;
	[tilespmem:$0x1D000] =	vst v63  }
0x1dc: {  	_ =	swait.ge [sflag:s15], $0x4000  }
0x1dd: {  	[sflag:s15] =	ssyncset.done $0x0  }
0x1de: {  	s18 =	rddreg [dreg:$0x9];
	[sflag:s15] =	ssyncadd.s32 $0xFFFFC000  }
0x1df: {  	[tilespmem:s2], [sflag:$0x3] =	stream.linear.gather [hbm4b:s18+s2], $0x800, $0x38;
	[tilespmem:$0x1D000] =	vst v63  }
0x1e0: {  	_ =	swait.ge [sflag:s15], $0x800  }
0x1e1: {  	[sflag:s15] =	ssyncset.done $0x0  }
0x1e2: {  	s9 =	rddreg [dreg:$0xa];
	[sflag:s15] =	ssyncadd.s32 $0xFFFFF800  }
0x1e3: {  	[tilespmem:s6], [sflag:$0x3] =	stream.linear.gather [hbm4b:s9+s2], $0x800, $0x38;
	[tilespmem:$0x1D000] =	vst v63  }
0x1e4: {  	_ =	swait.ge [sflag:s15], $0x800  }
0x1e5: {  	[sflag:s15] =	ssyncset.done $0x0  }
0x1e6: {  	[sflag:s15] =	ssyncadd.s32 $0xFFFFF800  }
0x1e7: {  	[tilespmem:s31], [sflag:$0x1] =	stream.indirect.gather [hbm4b:s19+s3], $0x80, s2, s3, $0xb8;
	[tilespmem:$0x1D000] =	vst v63  }
0x1e8: {  	_ = 	snop  }
0x1e9: {  	[tilespmem:s4], [sflag:$0x2] =	stream.indirect.gather [hbm4b:s19+s3], $0x80, s3, s3, $0xb8;
	[tilespmem:$0x1D000] =	vst v63  }
0x1ea: {  	_ =	swait.ge [sflag:s5], $0x4000  }
0x1eb: {  	[sflag:s5] =	ssyncset.done $0x0  }
0x1ec: {  	[sflag:s5] =	ssyncadd.s32 $0xFFFFC000  }
0x1ed: {  	[spmem:s1] =	stream.indirect.scatter.add.f32 [tilespmem:s31], [sflag:$0x3], $0x80, s6, s3, $0xb8;
	[tilespmem:$0x1D000] =	vst v63  }
0x1ee: {  	_ =	swait.ge [sflag:s15], $0x4000  }
0x1ef: {  	[sflag:s15] =	ssyncset.done $0x0  }
0x1f0: {  	s10 =	simm.s32 $0x100;
	[sflag:s15] =	ssyncadd.s32 $0xFFFFC000  }
0x1f1: {  	[tilespmem:s31], [sflag:$0x1] =	stream.indirect.gather [hbm4b:s19+s3], $0x80, s10, s3, $0xb8;
	[tilespmem:$0x1D000] =	vst v63  }
0x1f2: {  	_ =	swait.ge [sflag:s7], $0x4000  }
0x1f3: {  	[sflag:s7] =	ssyncset.done $0x0  }
0x1f4: {  	s11 =	simm.s32 $0x880;
	[sflag:s7] =	ssyncadd.s32 $0xFFFFC000  }
0x1f5: {  	[spmem:s1] =	stream.indirect.scatter.add.f32 [tilespmem:s4], [sflag:$0x3], $0x80, s11, s3, $0xb8;
	[tilespmem:$0x1D000] =	vst v63  }
0x1f6: {  	_ =	swait.ge [sflag:s15], $0x4000  }
0x1f7: {  	[sflag:s15] =	ssyncset.done $0x0  }
0x1f8: {  	s17 =	simm.s32 $0x180;
	[sflag:s15] =	ssyncadd.s32 $0xFFFFC000  }
0x1f9: {  	[tilespmem:s4], [sflag:$0x2] =	stream.indirect.gather [hbm4b:s19+s3], $0x80, s17, s3, $0xb8;
	[tilespmem:$0x1D000] =	vst v63  }
0x1fa: {  	_ =	swait.ge [sflag:s5], $0x4000  }
0x1fb: {  	[sflag:s5] =	ssyncset.done $0x0  }
0x1fc: {  	s18 =	simm.s32 $0x900;
	[sflag:s5] =	ssyncadd.s32 $0xFFFFC000  }
0x1fd: {  	[spmem:s1] =	stream.indirect.scatter.add.f32 [tilespmem:s31], [sflag:$0x3], $0x80, s18, s3, $0xb8;
	[tilespmem:$0x1D000] =	vst v63  }
0x1fe: {  	_ =	swait.ge [sflag:s15], $0x4000  }
0x1ff: {  	[sflag:s15] =	ssyncset.done $0x0  }
0x200: {  	s11 =	simm.s32 $0x200;
	[sflag:s15] =	ssyncadd.s32 $0xFFFFC000  }
0x201: {  	[tilespmem:s31], [sflag:$0x1] =	stream.indirect.gather [hbm4b:s19+s3], $0x80, s11, s3, $0xb8;
	[tilespmem:$0x1D000] =	vst v63  }
0x202: {  	_ =	swait.ge [sflag:s7], $0x4000  }
0x203: {  	[sflag:s7] =	ssyncset.done $0x0  }
0x204: {  	s17 =	simm.s32 $0x980;
	[sflag:s7] =	ssyncadd.s32 $0xFFFFC000  }
0x205: {  	[spmem:s1] =	stream.indirect.scatter.add.f32 [tilespmem:s4], [sflag:$0x3], $0x80, s17, s3, $0xb8;
	[tilespmem:$0x1D000] =	vst v63  }
0x206: {  	_ =	swait.ge [sflag:s15], $0x4000  }
0x207: {  	[sflag:s15] =	ssyncset.done $0x0  }
0x208: {  	s18 =	simm.s32 $0x280;
	[sflag:s15] =	ssyncadd.s32 $0xFFFFC000  }
0x209: {  	[tilespmem:s4], [sflag:$0x2] =	stream.indirect.gather [hbm4b:s19+s3], $0x80, s18, s3, $0xb8;
	[tilespmem:$0x1D000] =	vst v63  }
0x20a: {  	_ =	swait.ge [sflag:s5], $0x4000  }
0x20b: {  	[sflag:s5] =	ssyncset.done $0x0  }
0x20c: {  	s11 =	simm.s32 $0xA00;
	[sflag:s5] =	ssyncadd.s32 $0xFFFFC000  }
0x20d: {  	[spmem:s1] =	stream.indirect.scatter.add.f32 [tilespmem:s31], [sflag:$0x3], $0x80, s11, s3, $0xb8;
	[tilespmem:$0x1D000] =	vst v63  }
0x20e: {  	_ =	swait.ge [sflag:s15], $0x4000  }
0x20f: {  	[sflag:s15] =	ssyncset.done $0x0  }
0x210: {  	s8 =	simm.s32 $0x300;
	[sflag:s15] =	ssyncadd.s32 $0xFFFFC000  }
0x211: {  	[tilespmem:s31], [sflag:$0x1] =	stream.indirect.gather [hbm4b:s19+s3], $0x80, s8, s3, $0xb8;
	[tilespmem:$0x1D000] =	vst v63  }
0x212: {  	_ =	swait.ge [sflag:s7], $0x4000  }
0x213: {  	[sflag:s7] =	ssyncset.done $0x0  }
0x214: {  	s17 =	simm.s32 $0xA80;
	[sflag:s7] =	ssyncadd.s32 $0xFFFFC000  }
0x215: {  	[spmem:s1] =	stream.indirect.scatter.add.f32 [tilespmem:s4], [sflag:$0x3], $0x80, s17, s3, $0xb8;
	[tilespmem:$0x1D000] =	vst v63  }
0x216: {  	_ =	swait.ge [sflag:s15], $0x4000  }
0x217: {  	[sflag:s15] =	ssyncset.done $0x0  }
0x218: {  	s18 =	simm.s32 $0x380;
	[sflag:s15] =	ssyncadd.s32 $0xFFFFC000  }
0x219: {  	[tilespmem:s4], [sflag:$0x2] =	stream.indirect.gather [hbm4b:s19+s3], $0x80, s18, s3, $0xb8;
	[tilespmem:$0x1D000] =	vst v63  }
0x21a: {  	_ =	swait.ge [sflag:s5], $0x4000  }
0x21b: {  	[sflag:s5] =	ssyncset.done $0x0  }
0x21c: {  	s0 =	simm.s32 $0xB00;
	[sflag:s5] =	ssyncadd.s32 $0xFFFFC000  }
0x21d: {  	[spmem:s1] =	stream.indirect.scatter.add.f32 [tilespmem:s31], [sflag:$0x3], $0x80, s0, s3, $0xb8;
	[tilespmem:$0x1D000] =	vst v63  }
0x21e: {  	_ =	swait.ge [sflag:s15], $0x4000  }
0x21f: {  	[sflag:s15] =	ssyncset.done $0x0  }
0x220: {  	s23 =	simm.s32 $0x400;
	[sflag:s15] =	ssyncadd.s32 $0xFFFFC000  }
0x221: {  	[tilespmem:s31], [sflag:$0x1] =	stream.indirect.gather [hbm4b:s19+s3], $0x80, s23, s3, $0xb8;
	[tilespmem:$0x1D000] =	vst v63  }
0x222: {  	_ =	swait.ge [sflag:s7], $0x4000  }
0x223: {  	[sflag:s7] =	ssyncset.done $0x0  }
0x224: {  	s24 =	simm.s32 $0xB80;
	[sflag:s7] =	ssyncadd.s32 $0xFFFFC000  }
0x225: {  	[spmem:s1] =	stream.indirect.scatter.add.f32 [tilespmem:s4], [sflag:$0x3], $0x80, s24, s3, $0xb8;
	[tilespmem:$0x1D000] =	vst v63  }
0x226: {  	_ =	swait.ge [sflag:s15], $0x4000  }
0x227: {  	[sflag:s15] =	ssyncset.done $0x0  }
0x228: {  	s25 =	simm.s32 $0x480;
	[sflag:s15] =	ssyncadd.s32 $0xFFFFC000  }
0x229: {  	[tilespmem:s4], [sflag:$0x2] =	stream.indirect.gather [hbm4b:s19+s3], $0x80, s25, s3, $0xb8;
	[tilespmem:$0x1D000] =	vst v63  }
0x22a: {  	_ =	swait.ge [sflag:s5], $0x4000  }
0x22b: {  	[sflag:s5] =	ssyncset.done $0x0  }
0x22c: {  	s26 =	simm.s32 $0xC00;
	[sflag:s5] =	ssyncadd.s32 $0xFFFFC000  }
0x22d: {  	[spmem:s1] =	stream.indirect.scatter.add.f32 [tilespmem:s31], [sflag:$0x3], $0x80, s26, s3, $0xb8;
	[tilespmem:$0x1D000] =	vst v63  }
0x22e: {  	_ =	swait.ge [sflag:s15], $0x4000  }
0x22f: {  	[sflag:s15] =	ssyncset.done $0x0  }
0x230: {  	s28 =	simm.s32 $0x500;
	[sflag:s15] =	ssyncadd.s32 $0xFFFFC000  }
0x231: {  	[tilespmem:s31], [sflag:$0x1] =	stream.indirect.gather [hbm4b:s19+s3], $0x80, s28, s3, $0xb8;
	[tilespmem:$0x1D000] =	vst v63  }
0x232: {  	_ =	swait.ge [sflag:s7], $0x4000  }
0x233: {  	[sflag:s7] =	ssyncset.done $0x0  }
0x234: {  	s29 =	simm.s32 $0xC80;
	[sflag:s7] =	ssyncadd.s32 $0xFFFFC000  }
0x235: {  	[spmem:s1] =	stream.indirect.scatter.add.f32 [tilespmem:s4], [sflag:$0x3], $0x80, s29, s3, $0xb8;
	[tilespmem:$0x1D000] =	vst v63  }
0x236: {  	_ =	swait.ge [sflag:s15], $0x4000  }
0x237: {  	[sflag:s15] =	ssyncset.done $0x0  }
0x238: {  	s17 =	simm.s32 $0x580;
	[sflag:s15] =	ssyncadd.s32 $0xFFFFC000  }
0x239: {  	[tilespmem:s4], [sflag:$0x2] =	stream.indirect.gather [hbm4b:s19+s3], $0x80, s17, s3, $0xb8;
	[tilespmem:$0x1D000] =	vst v63  }
0x23a: {  	_ =	swait.ge [sflag:s5], $0x4000  }
0x23b: {  	[sflag:s5] =	ssyncset.done $0x0  }
0x23c: {  	s20 =	simm.s32 $0xD00;
	[sflag:s5] =	ssyncadd.s32 $0xFFFFC000  }
0x23d: {  	[spmem:s1] =	stream.indirect.scatter.add.f32 [tilespmem:s31], [sflag:$0x3], $0x80, s20, s3, $0xb8;
	[tilespmem:$0x1D000] =	vst v63  }
0x23e: {  	_ =	swait.ge [sflag:s15], $0x4000  }
0x23f: {  	[sflag:s15] =	ssyncset.done $0x0  }
0x240: {  	s22 =	simm.s32 $0x600;
	[sflag:s15] =	ssyncadd.s32 $0xFFFFC000  }
0x241: {  	[tilespmem:s31], [sflag:$0x1] =	stream.indirect.gather [hbm4b:s19+s3], $0x80, s22, s3, $0xb8;
	[tilespmem:$0x1D000] =	vst v63  }
0x242: {  	_ =	swait.ge [sflag:s7], $0x4000  }
0x243: {  	[sflag:s7] =	ssyncset.done $0x0  }
0x244: {  	s30 =	simm.s32 $0xD80;
	[sflag:s7] =	ssyncadd.s32 $0xFFFFC000  }
0x245: {  	[spmem:s1] =	stream.indirect.scatter.add.f32 [tilespmem:s4], [sflag:$0x3], $0x80, s30, s3, $0xb8;
	[tilespmem:$0x1D000] =	vst v63  }
0x246: {  	_ =	swait.ge [sflag:s15], $0x4000  }
0x247: {  	[sflag:s15] =	ssyncset.done $0x0  }
0x248: {  	s21 =	simm.s32 $0x680;
	[sflag:s15] =	ssyncadd.s32 $0xFFFFC000  }
0x249: {  	[tilespmem:s4], [sflag:$0x2] =	stream.indirect.gather [hbm4b:s19+s3], $0x80, s21, s3, $0xb8;
	[tilespmem:$0x1D000] =	vst v63  }
0x24a: {  	_ =	swait.ge [sflag:s5], $0x4000  }
0x24b: {  	[sflag:s5] =	ssyncset.done $0x0  }
0x24c: {  	s21 =	simm.s32 $0xE00;
	[sflag:s5] =	ssyncadd.s32 $0xFFFFC000  }
0x24d: {  	[spmem:s1] =	stream.indirect.scatter.add.f32 [tilespmem:s31], [sflag:$0x3], $0x80, s21, s3, $0xb8;
	[tilespmem:$0x1D000] =	vst v63  }
0x24e: {  	_ =	swait.ge [sflag:s15], $0x4000  }
0x24f: {  	[sflag:s15] =	ssyncset.done $0x0  }
0x250: {  	s30 =	simm.s32 $0x700;
	[sflag:s15] =	ssyncadd.s32 $0xFFFFC000  }
0x251: {  	[tilespmem:s31], [sflag:$0x1] =	stream.indirect.gather [hbm4b:s19+s3], $0x80, s30, s3, $0xb8;
	[tilespmem:$0x1D000] =	vst v63  }
0x252: {  	_ =	swait.ge [sflag:s7], $0x4000  }
0x253: {  	[sflag:s7] =	ssyncset.done $0x0  }
0x254: {  	s12 =	simm.s32 $0xE80;
	[sflag:s7] =	ssyncadd.s32 $0xFFFFC000  }
0x255: {  	[spmem:s1] =	stream.indirect.scatter.add.f32 [tilespmem:s4], [sflag:$0x3], $0x80, s12, s3, $0xb8;
	[tilespmem:$0x1D000] =	vst v63  }
0x256: {  	_ =	swait.ge [sflag:s15], $0x4000  }
0x257: {  	[sflag:s15] =	ssyncset.done $0x0  }
0x258: {  	s13 =	simm.s32 $0x780;
	[sflag:s15] =	ssyncadd.s32 $0xFFFFC000  }
0x259: {  	[tilespmem:s4], [sflag:$0x2] =	stream.indirect.gather [hbm4b:s19+s3], $0x80, s13, s3, $0xb8;
	[tilespmem:$0x1D000] =	vst v63  }
0x25a: {  	_ =	swait.ge [sflag:s5], $0x4000  }
0x25b: {  	[sflag:s5] =	ssyncset.done $0x0  }
0x25c: {  	s14 =	simm.s32 $0xF00;
	[sflag:s5] =	ssyncadd.s32 $0xFFFFC000  }
0x25d: {  	[spmem:s1] =	stream.indirect.scatter.add.f32 [tilespmem:s31], [sflag:$0x3], $0x80, s14, s3, $0xb8;
	[tilespmem:$0x1D000] =	vst v63  }
0x25e: {  	_ =	swait.ge [sflag:s15], $0x4000  }
0x25f: {  	[sflag:s15] =	ssyncset.done $0x0  }
0x260: {  	[sflag:s15] =	ssyncadd.s32 $0xFFFFC000  }
0x261: {  	_ =	swait.ge [sflag:s7], $0x4000  }
0x262: {  	[sflag:s7] =	ssyncset.done $0x0  }
0x263: {  	s17 =	simm.s32 $0xF80;
	[sflag:s7] =	ssyncadd.s32 $0xFFFFC000  }
0x264: {  	[spmem:s1] =	stream.indirect.scatter.add.f32 [tilespmem:s4], [sflag:$0x3], $0x80, s17, s3, $0xb8;
	[tilespmem:$0x1D000] =	vst v63  }
0x265: {  	_ =	swait.ge [sflag:s15], $0x4000  }
0x266: {  	[sflag:s15] =	ssyncset.done $0x0  }
0x267: {  	s17 =	rddreg [dreg:$0xb];
	[sflag:s15] =	ssyncadd.s32 $0xFFFFC000  }
0x268: {  	[tilespmem:s2], [sflag:$0x3] =	stream.linear.gather [hbm4b:s17+s2], $0x800, $0x38;
	[tilespmem:$0x1D000] =	vst v63  }
0x269: {  	_ =	swait.ge [sflag:s15], $0x800  }
0x26a: {  	[sflag:s15] =	ssyncset.done $0x0  }
0x26b: {  	s17 =	rddreg [dreg:$0xc];
	[sflag:s15] =	ssyncadd.s32 $0xFFFFF800  }
0x26c: {  	[tilespmem:s6], [sflag:$0x3] =	stream.linear.gather [hbm4b:s17+s2], $0x800, $0x38;
	[tilespmem:$0x1D000] =	vst v63  }
0x26d: {  	_ =	swait.ge [sflag:s15], $0x800  }
0x26e: {  	[sflag:s15] =	ssyncset.done $0x0  }
0x26f: {  	[sflag:s15] =	ssyncadd.s32 $0xFFFFF800  }
0x270: {  	[tilespmem:s31], [sflag:$0x1] =	stream.indirect.gather [hbm4b:s19+s3], $0x80, s2, s3, $0xb8;
	[tilespmem:$0x1D000] =	vst v63  }
0x271: {  	_ = 	snop  }
0x272: {  	[tilespmem:s4], [sflag:$0x2] =	stream.indirect.gather [hbm4b:s19+s3], $0x80, s3, s3, $0xb8;
	[tilespmem:$0x1D000] =	vst v63  }
0x273: {  	_ =	swait.ge [sflag:s5], $0x4000  }
0x274: {  	[sflag:s5] =	ssyncset.done $0x0  }
0x275: {  	[sflag:s5] =	ssyncadd.s32 $0xFFFFC000  }
0x276: {  	[spmem:s1] =	stream.indirect.scatter.add.f32 [tilespmem:s31], [sflag:$0x3], $0x80, s6, s3, $0xb8;
	[tilespmem:$0x1D000] =	vst v63  }
0x277: {  	_ =	swait.ge [sflag:s15], $0x4000  }
0x278: {  	[sflag:s15] =	ssyncset.done $0x0  }
0x279: {  	s17 =	simm.s32 $0x100;
	[sflag:s15] =	ssyncadd.s32 $0xFFFFC000  }
0x27a: {  	[tilespmem:s31], [sflag:$0x1] =	stream.indirect.gather [hbm4b:s19+s3], $0x80, s17, s3, $0xb8;
	[tilespmem:$0x1D000] =	vst v63  }
0x27b: {  	_ =	swait.ge [sflag:s7], $0x4000  }
0x27c: {  	[sflag:s7] =	ssyncset.done $0x0  }
0x27d: {  	s9 =	simm.s32 $0x880;
	[sflag:s7] =	ssyncadd.s32 $0xFFFFC000  }
0x27e: {  	[spmem:s1] =	stream.indirect.scatter.add.f32 [tilespmem:s4], [sflag:$0x3], $0x80, s9, s3, $0xb8;
	[tilespmem:$0x1D000] =	vst v63  }
0x27f: {  	_ =	swait.ge [sflag:s15], $0x4000  }
0x280: {  	[sflag:s15] =	ssyncset.done $0x0  }
0x281: {  	s17 =	simm.s32 $0x180;
	[sflag:s15] =	ssyncadd.s32 $0xFFFFC000  }
0x282: {  	[tilespmem:s4], [sflag:$0x2] =	stream.indirect.gather [hbm4b:s19+s3], $0x80, s17, s3, $0xb8;
	[tilespmem:$0x1D000] =	vst v63  }
0x283: {  	_ =	swait.ge [sflag:s5], $0x4000  }
0x284: {  	[sflag:s5] =	ssyncset.done $0x0  }
0x285: {  	s9 =	simm.s32 $0x900;
	[sflag:s5] =	ssyncadd.s32 $0xFFFFC000  }
0x286: {  	[spmem:s1] =	stream.indirect.scatter.add.f32 [tilespmem:s31], [sflag:$0x3], $0x80, s9, s3, $0xb8;
	[tilespmem:$0x1D000] =	vst v63  }
0x287: {  	_ =	swait.ge [sflag:s15], $0x4000  }
0x288: {  	[sflag:s15] =	ssyncset.done $0x0  }
0x289: {  	s17 =	simm.s32 $0x200;
	[sflag:s15] =	ssyncadd.s32 $0xFFFFC000  }
0x28a: {  	[tilespmem:s31], [sflag:$0x1] =	stream.indirect.gather [hbm4b:s19+s3], $0x80, s17, s3, $0xb8;
	[tilespmem:$0x1D000] =	vst v63  }
0x28b: {  	_ =	swait.ge [sflag:s7], $0x4000  }
0x28c: {  	[sflag:s7] =	ssyncset.done $0x0  }
0x28d: {  	s9 =	simm.s32 $0x980;
	[sflag:s7] =	ssyncadd.s32 $0xFFFFC000  }
0x28e: {  	[spmem:s1] =	stream.indirect.scatter.add.f32 [tilespmem:s4], [sflag:$0x3], $0x80, s9, s3, $0xb8;
	[tilespmem:$0x1D000] =	vst v63  }
0x28f: {  	_ =	swait.ge [sflag:s15], $0x4000  }
0x290: {  	[sflag:s15] =	ssyncset.done $0x0  }
0x291: {  	s17 =	simm.s32 $0x280;
	[sflag:s15] =	ssyncadd.s32 $0xFFFFC000  }
0x292: {  	[tilespmem:s4], [sflag:$0x2] =	stream.indirect.gather [hbm4b:s19+s3], $0x80, s17, s3, $0xb8;
	[tilespmem:$0x1D000] =	vst v63  }
0x293: {  	_ =	swait.ge [sflag:s5], $0x4000  }
0x294: {  	[sflag:s5] =	ssyncset.done $0x0  }
0x295: {  	s11 =	simm.s32 $0xA00;
	[sflag:s5] =	ssyncadd.s32 $0xFFFFC000  }
0x296: {  	[spmem:s1] =	stream.indirect.scatter.add.f32 [tilespmem:s31], [sflag:$0x3], $0x80, s11, s3, $0xb8;
	[tilespmem:$0x1D000] =	vst v63  }
0x297: {  	_ =	swait.ge [sflag:s15], $0x4000  }
0x298: {  	[sflag:s15] =	ssyncset.done $0x0  }
0x299: {  	s8 =	simm.s32 $0x300;
	[sflag:s15] =	ssyncadd.s32 $0xFFFFC000  }
0x29a: {  	[tilespmem:s31], [sflag:$0x1] =	stream.indirect.gather [hbm4b:s19+s3], $0x80, s8, s3, $0xb8;
	[tilespmem:$0x1D000] =	vst v63  }
0x29b: {  	_ =	swait.ge [sflag:s7], $0x4000  }
0x29c: {  	[sflag:s7] =	ssyncset.done $0x0  }
0x29d: {  	s8 =	simm.s32 $0xA80;
	[sflag:s7] =	ssyncadd.s32 $0xFFFFC000  }
0x29e: {  	[spmem:s1] =	stream.indirect.scatter.add.f32 [tilespmem:s4], [sflag:$0x3], $0x80, s8, s3, $0xb8;
	[tilespmem:$0x1D000] =	vst v63  }
0x29f: {  	_ =	swait.ge [sflag:s15], $0x4000  }
0x2a0: {  	[sflag:s15] =	ssyncset.done $0x0  }
0x2a1: {  	s9 =	simm.s32 $0x380;
	[sflag:s15] =	ssyncadd.s32 $0xFFFFC000  }
0x2a2: {  	[tilespmem:s4], [sflag:$0x2] =	stream.indirect.gather [hbm4b:s19+s3], $0x80, s9, s3, $0xb8;
	[tilespmem:$0x1D000] =	vst v63  }
0x2a3: {  	_ =	swait.ge [sflag:s5], $0x4000  }
0x2a4: {  	[sflag:s5] =	ssyncset.done $0x0  }
0x2a5: {  	s18 =	simm.s32 $0xB00;
	[sflag:s5] =	ssyncadd.s32 $0xFFFFC000  }
0x2a6: {  	[spmem:s1] =	stream.indirect.scatter.add.f32 [tilespmem:s31], [sflag:$0x3], $0x80, s18, s3, $0xb8;
	[tilespmem:$0x1D000] =	vst v63  }
0x2a7: {  	_ =	swait.ge [sflag:s15], $0x4000  }
0x2a8: {  	[sflag:s15] =	ssyncset.done $0x0  }
0x2a9: {  	s10 =	simm.s32 $0x400;
	[sflag:s15] =	ssyncadd.s32 $0xFFFFC000  }
0x2aa: {  	[tilespmem:s31], [sflag:$0x1] =	stream.indirect.gather [hbm4b:s19+s3], $0x80, s10, s3, $0xb8;
	[tilespmem:$0x1D000] =	vst v63  }
0x2ab: {  	_ =	swait.ge [sflag:s7], $0x4000  }
0x2ac: {  	[sflag:s7] =	ssyncset.done $0x0  }
0x2ad: {  	s23 =	simm.s32 $0xB80;
	[sflag:s7] =	ssyncadd.s32 $0xFFFFC000  }
0x2ae: {  	[spmem:s1] =	stream.indirect.scatter.add.f32 [tilespmem:s4], [sflag:$0x3], $0x80, s23, s3, $0xb8;
	[tilespmem:$0x1D000] =	vst v63  }
0x2af: {  	_ =	swait.ge [sflag:s15], $0x4000  }
0x2b0: {  	[sflag:s15] =	ssyncset.done $0x0  }
0x2b1: {  	s24 =	simm.s32 $0x480;
	[sflag:s15] =	ssyncadd.s32 $0xFFFFC000  }
0x2b2: {  	[tilespmem:s4], [sflag:$0x2] =	stream.indirect.gather [hbm4b:s19+s3], $0x80, s24, s3, $0xb8;
	[tilespmem:$0x1D000] =	vst v63  }
0x2b3: {  	_ =	swait.ge [sflag:s5], $0x4000  }
0x2b4: {  	[sflag:s5] =	ssyncset.done $0x0  }
0x2b5: {  	s25 =	simm.s32 $0xC00;
	[sflag:s5] =	ssyncadd.s32 $0xFFFFC000  }
0x2b6: {  	[spmem:s1] =	stream.indirect.scatter.add.f32 [tilespmem:s31], [sflag:$0x3], $0x80, s25, s3, $0xb8;
	[tilespmem:$0x1D000] =	vst v63  }
0x2b7: {  	_ =	swait.ge [sflag:s15], $0x4000  }
0x2b8: {  	[sflag:s15] =	ssyncset.done $0x0  }
0x2b9: {  	s26 =	simm.s32 $0x500;
	[sflag:s15] =	ssyncadd.s32 $0xFFFFC000  }
0x2ba: {  	[tilespmem:s31], [sflag:$0x1] =	stream.indirect.gather [hbm4b:s19+s3], $0x80, s26, s3, $0xb8;
	[tilespmem:$0x1D000] =	vst v63  }
0x2bb: {  	_ =	swait.ge [sflag:s7], $0x4000  }
0x2bc: {  	[sflag:s7] =	ssyncset.done $0x0  }
0x2bd: {  	s28 =	simm.s32 $0xC80;
	[sflag:s7] =	ssyncadd.s32 $0xFFFFC000  }
0x2be: {  	[spmem:s1] =	stream.indirect.scatter.add.f32 [tilespmem:s4], [sflag:$0x3], $0x80, s28, s3, $0xb8;
	[tilespmem:$0x1D000] =	vst v63  }
0x2bf: {  	_ =	swait.ge [sflag:s15], $0x4000  }
0x2c0: {  	[sflag:s15] =	ssyncset.done $0x0  }
0x2c1: {  	s11 =	simm.s32 $0x580;
	[sflag:s15] =	ssyncadd.s32 $0xFFFFC000  }
0x2c2: {  	[tilespmem:s4], [sflag:$0x2] =	stream.indirect.gather [hbm4b:s19+s3], $0x80, s11, s3, $0xb8;
	[tilespmem:$0x1D000] =	vst v63  }
0x2c3: {  	_ =	swait.ge [sflag:s5], $0x4000  }
0x2c4: {  	[sflag:s5] =	ssyncset.done $0x0  }
0x2c5: {  	s0 =	simm.s32 $0xD00;
	[sflag:s5] =	ssyncadd.s32 $0xFFFFC000  }
0x2c6: {  	[spmem:s1] =	stream.indirect.scatter.add.f32 [tilespmem:s31], [sflag:$0x3], $0x80, s0, s3, $0xb8;
	[tilespmem:$0x1D000] =	vst v63  }
0x2c7: {  	_ =	swait.ge [sflag:s15], $0x4000  }
0x2c8: {  	[sflag:s15] =	ssyncset.done $0x0  }
0x2c9: {  	s29 =	simm.s32 $0x600;
	[sflag:s15] =	ssyncadd.s32 $0xFFFFC000  }
0x2ca: {  	[tilespmem:s31], [sflag:$0x1] =	stream.indirect.gather [hbm4b:s19+s3], $0x80, s29, s3, $0xb8;
	[tilespmem:$0x1D000] =	vst v63  }
0x2cb: {  	_ =	swait.ge [sflag:s7], $0x4000  }
0x2cc: {  	[sflag:s7] =	ssyncset.done $0x0  }
0x2cd: {  	s22 =	simm.s32 $0xD80;
	[sflag:s7] =	ssyncadd.s32 $0xFFFFC000  }
0x2ce: {  	[spmem:s1] =	stream.indirect.scatter.add.f32 [tilespmem:s4], [sflag:$0x3], $0x80, s22, s3, $0xb8;
	[tilespmem:$0x1D000] =	vst v63  }
0x2cf: {  	_ =	swait.ge [sflag:s15], $0x4000  }
0x2d0: {  	[sflag:s15] =	ssyncset.done $0x0  }
0x2d1: {  	s20 =	simm.s32 $0x680;
	[sflag:s15] =	ssyncadd.s32 $0xFFFFC000  }
0x2d2: {  	[tilespmem:s4], [sflag:$0x2] =	stream.indirect.gather [hbm4b:s19+s3], $0x80, s20, s3, $0xb8;
	[tilespmem:$0x1D000] =	vst v63  }
0x2d3: {  	_ =	swait.ge [sflag:s5], $0x4000  }
0x2d4: {  	[sflag:s5] =	ssyncset.done $0x0  }
0x2d5: {  	s21 =	simm.s32 $0xE00;
	[sflag:s5] =	ssyncadd.s32 $0xFFFFC000  }
0x2d6: {  	[spmem:s1] =	stream.indirect.scatter.add.f32 [tilespmem:s31], [sflag:$0x3], $0x80, s21, s3, $0xb8;
	[tilespmem:$0x1D000] =	vst v63  }
0x2d7: {  	_ =	swait.ge [sflag:s15], $0x4000  }
0x2d8: {  	[sflag:s15] =	ssyncset.done $0x0  }
0x2d9: {  	s30 =	simm.s32 $0x700;
	[sflag:s15] =	ssyncadd.s32 $0xFFFFC000  }
0x2da: {  	[tilespmem:s31], [sflag:$0x1] =	stream.indirect.gather [hbm4b:s19+s3], $0x80, s30, s3, $0xb8;
	[tilespmem:$0x1D000] =	vst v63  }
0x2db: {  	_ =	swait.ge [sflag:s7], $0x4000  }
0x2dc: {  	[sflag:s7] =	ssyncset.done $0x0  }
0x2dd: {  	s12 =	simm.s32 $0xE80;
	[sflag:s7] =	ssyncadd.s32 $0xFFFFC000  }
0x2de: {  	[spmem:s1] =	stream.indirect.scatter.add.f32 [tilespmem:s4], [sflag:$0x3], $0x80, s12, s3, $0xb8;
	[tilespmem:$0x1D000] =	vst v63  }
0x2df: {  	_ =	swait.ge [sflag:s15], $0x4000  }
0x2e0: {  	[sflag:s15] =	ssyncset.done $0x0  }
0x2e1: {  	s13 =	simm.s32 $0x780;
	[sflag:s15] =	ssyncadd.s32 $0xFFFFC000  }
0x2e2: {  	[tilespmem:s4], [sflag:$0x2] =	stream.indirect.gather [hbm4b:s19+s3], $0x80, s13, s3, $0xb8;
	[tilespmem:$0x1D000] =	vst v63  }
0x2e3: {  	_ =	swait.ge [sflag:s5], $0x4000  }
0x2e4: {  	[sflag:s5] =	ssyncset.done $0x0  }
0x2e5: {  	s14 =	simm.s32 $0xF00;
	[sflag:s5] =	ssyncadd.s32 $0xFFFFC000  }
0x2e6: {  	[spmem:s1] =	stream.indirect.scatter.add.f32 [tilespmem:s31], [sflag:$0x3], $0x80, s14, s3, $0xb8;
	[tilespmem:$0x1D000] =	vst v63  }
0x2e7: {  	_ =	swait.ge [sflag:s15], $0x4000  }
0x2e8: {  	[sflag:s15] =	ssyncset.done $0x0  }
0x2e9: {  	[sflag:s15] =	ssyncadd.s32 $0xFFFFC000  }
0x2ea: {  	_ =	swait.ge [sflag:s7], $0x4000  }
0x2eb: {  	[sflag:s7] =	ssyncset.done $0x0  }
0x2ec: {  	s17 =	simm.s32 $0xF80;
	[sflag:s7] =	ssyncadd.s32 $0xFFFFC000  }
0x2ed: {  	[spmem:s1] =	stream.indirect.scatter.add.f32 [tilespmem:s4], [sflag:$0x3], $0x80, s17, s3, $0xb8;
	[tilespmem:$0x1D000] =	vst v63  }
0x2ee: {  	_ =	swait.ge [sflag:s15], $0x4000  }
0x2ef: {  	[sflag:s15] =	ssyncset.done $0x0  }
0x2f0: {  	[sflag:s15] =	ssyncadd.s32 $0xFFFFC000  }
0x2f1: {  	[bflag:$0x0] =	sbarrier.arrive $0xFFFF  }
0x2f2: {  	s18 =	rddreg [dreg:$0x12]  }
0x2f3: {  	[tilespmem:s31], [sflag:$0x3] =	stream.linear.gather [spmem:s18], $0x4000, $0x38;
	[tilespmem:$0x1D000] =	vst v63  }
0x2f4: {  	_ =	swait.ge [sflag:s15], $0x4000  }
0x2f5: {  	[sflag:s15] =	ssyncset.done $0x0  }
0x2f6: {  	s20 =	rddreg [dreg:$0xd];
	[sflag:s15] =	ssyncadd.s32 $0xFFFFC000  }
0x2f7: {  	[hbm4b:s20+s2] =	stream.linear.scatter [tilespmem:s31], [sflag:$0x3], $0x4000, $0x38;
	[tilespmem:$0x1D000] =	vst v63  }
0x2f8: {  	_ =	swait.ge [sflag:s15], $0x4000  }
0x2f9: {  	[sflag:s15] =	ssyncset.done $0x0  }
0x2fa: {  	s21 =	rddreg [dreg:$0x14];
	[sflag:s15] =	ssyncadd.s32 $0xFFFFC000  }
0x2fb: {  	[tilespmem:s31], [sflag:$0x3] =	stream.linear.gather [spmem:s21], $0x4000, $0x38;
	[tilespmem:$0x1D000] =	vst v63  }
0x2fc: {  	_ =	swait.ge [sflag:s15], $0x4000  }
0x2fd: {  	[sflag:s15] =	ssyncset.done $0x0  }
0x2fe: {  	s22 =	rddreg [dreg:$0xe];
	[sflag:s15] =	ssyncadd.s32 $0xFFFFC000  }
0x2ff: {  	[hbm4b:s22+s2] =	stream.linear.scatter [tilespmem:s31], [sflag:$0x3], $0x4000, $0x38;
	[tilespmem:$0x1D000] =	vst v63  }
0x300: {  	_ =	swait.ge [sflag:s15], $0x4000  }
0x301: {  	[sflag:s15] =	ssyncset.done $0x0  }
0x302: {  	s23 =	rddreg [dreg:$0x15];
	[sflag:s15] =	ssyncadd.s32 $0xFFFFC000  }
0x303: {  	[tilespmem:s31], [sflag:$0x3] =	stream.linear.gather [spmem:s23], $0x4000, $0x38;
	[tilespmem:$0x1D000] =	vst v63  }
0x304: {  	_ =	swait.ge [sflag:s15], $0x4000  }
0x305: {  	[sflag:s15] =	ssyncset.done $0x0  }
0x306: {  	s24 =	rddreg [dreg:$0xf];
	[sflag:s15] =	ssyncadd.s32 $0xFFFFC000  }
0x307: {  	[hbm4b:s24+s2] =	stream.linear.scatter [tilespmem:s31], [sflag:$0x3], $0x4000, $0x38;
	[tilespmem:$0x1D000] =	vst v63  }
0x308: {  	_ =	swait.ge [sflag:s15], $0x4000  }
0x309: {  	[sflag:s15] =	ssyncset.done $0x0  }
0x30a: {  	s25 =	rddreg [dreg:$0x16];
	[sflag:s15] =	ssyncadd.s32 $0xFFFFC000  }
0x30b: {  	[tilespmem:s31], [sflag:$0x3] =	stream.linear.gather [spmem:s25], $0x4000, $0x38;
	[tilespmem:$0x1D000] =	vst v63  }
0x30c: {  	_ =	swait.ge [sflag:s15], $0x4000  }
0x30d: {  	[sflag:s15] =	ssyncset.done $0x0  }
0x30e: {  	s26 =	rddreg [dreg:$0x10];
	[sflag:s15] =	ssyncadd.s32 $0xFFFFC000  }
0x30f: {  	[hbm4b:s26+s2] =	stream.linear.scatter [tilespmem:s31], [sflag:$0x3], $0x4000, $0x38;
	[tilespmem:$0x1D000] =	vst v63  }
0x310: {  	_ =	swait.ge [sflag:s15], $0x4000  }
0x311: {  	[sflag:s15] =	ssyncset.done $0x0  }
0x312: {  	s28 =	rddreg [dreg:$0x17];
	[sflag:s15] =	ssyncadd.s32 $0xFFFFC000  }
0x313: {  	[tilespmem:s31], [sflag:$0x3] =	stream.linear.gather [spmem:s28], $0x4000, $0x38;
	[tilespmem:$0x1D000] =	vst v63  }
0x314: {  	_ =	swait.ge [sflag:s15], $0x4000  }
0x315: {  	[sflag:s15] =	ssyncset.done $0x0  }
0x316: {  	s29 =	rddreg [dreg:$0x11];
	[sflag:s15] =	ssyncadd.s32 $0xFFFFC000  }
0x317: {  	[hbm4b:s29+s2] =	stream.linear.scatter [tilespmem:s31], [sflag:$0x3], $0x4000, $0x38;
	[tilespmem:$0x1D000] =	vst v63  }
0x318: {  	_ =	swait.ge [sflag:s15], $0x4000  }
0x319: {  	s16 =	sadd.s32 $0x1, s16;
	s30 =	rddreg [dreg:$0x13]  }
0x31a: {  	p0 =	sne.s32 s16, s30  }
.Ltmp1:
0x31b: {  	_ = 	snop;
	(pc) =	sbr.rel @p0 .LBB2_1-.Ltmp1, $3  }
0x31c: {  	_ =	sdelay $0x1  }
0x31d: {  	[sflag:s15] =	ssyncset.done $0x0  }
0x31e: {  	[sflag:s15] =	ssyncadd.s32 $0xFFFFC000  }
0x31f: {  	_ =	sfence.sel $0x180000  }
0x320: {  	[bflag:$0x0] =	sbarrier.arrive $0xFFFF  }
0x321: {  	_ =	strace $0x9000004A  }
0x322: {  	s0 =	stileid.u32;
	[bflag:$0x2] =	sbarrier.arrive $0xFFFF  }
0x323: {  	p0 =	sne.s32 s0, $0x0;
	s0 =	rddreg [dreg:$0x2]  }
0x324: {  	s0 =	sadd.s32 @!p0 $0x100000, s0  }
0x325: {  	[sflag:s0] =	ssyncadd.tile.s32 @!p0 $0x1;
	_ =	shalt  }
.Lfunc_end2:
_tile_overlayer_lowered:
.L_overlay_start_2:
0x326: {  	(tag) =	ssettag $0x2  }
0x327: {  	s0 =	rddreg [dreg:$0x0];
	s2 =	stileid.u32  }
0x328: {  	s1 =	rddreg [dreg:$0x1];
	p0 =	sne.s32 s2, $0x0  }
0x329: {  	s3 =	rddreg [dreg:$0x2];
	[bflag:$0x3] =	sbarrier.arrive $0xFFFF;
	s2 =	simm.s32 @!p0 $0x1C03  }
0x32a: {  	[timem:s3], [sflag:s2] =	dma.local @!p0 [hbm:s0], s1  }
0x32b: {  	s0 =	simm.s32 @!p0 $0x3  }
0x32c: {  	_ =	swait.ge @!p0 [sflag:s0], s1  }
0x32d: {  	s1 =	ssub.s32 @!p0 $0x0, s1;
	[sflag:s0] =	ssyncset.done @!p0 $0x0  }
0x32e: {  	[sflag:s0] =	ssyncadd.s32 @!p0 s1  }
0x32f: {  	[bflag:$0x3] =	sbarrier.arrive $0xFFFF  }
0x330: {  	_ =	shalt  }

</sc_bundles>
